<compile_context>
chip_gen: v7x
topology: tpu7x:2x2x1
jax: 0.10.2.dev20260603
libtpu: 0.0.44.dev20260713+nightly
codegen_flags: <defaults>
</compile_context>

<pallas_src>
import jax
import jax.numpy as jnp
from jax import lax
from jax.experimental import pallas as pl
from jax.experimental.pallas import tpu as pltpu
from jax.experimental.pallas import tpu_sc as plsc

B = 4
N_DET = 128
N_T = 2048
NY = 256
NX = 256
P = NY * NX
NC = 2
NS = 16
DETS_PER_TILE = N_DET // NS
P_HALF = P // NC
CHUNK = 1024
N_CHUNKS = P_HALF // CHUNK
PVECS = CHUNK // 16


def _pack_pair(lo_f32, hi_f32):
    lo = lax.bitcast_convert_type(lo_f32.astype(jnp.bfloat16), jnp.uint16)
    hi = lax.bitcast_convert_type(hi_f32.astype(jnp.bfloat16), jnp.uint16)
    pair = lo.astype(jnp.uint32) | (hi.astype(jnp.uint32) << 16)
    return lax.bitcast_convert_type(pair, jnp.int32)


def _normalize_body(sino_ref, out_ref):
    x = sino_ref[...]
    eps = jnp.finfo(jnp.float32).eps
    m = jnp.mean(x, axis=(1, 2), keepdims=True)
    c = x - m
    var = jnp.mean(c * c, axis=(1, 2), keepdims=True)
    s = c / jnp.sqrt(var + eps)
    s_next = jnp.concatenate(
        [s[..., 1:], jnp.zeros((B, N_DET, 1), jnp.float32)], axis=-1)
    pair = _pack_pair(s, s_next)
    out_ref[...] = jnp.transpose(pair, (1, 0, 2))


def _lut_body(alpha_ref, valid_ref, k0_ref, apod_ref, wp_ref, k0t_ref):
    a = alpha_ref[...]
    v = valid_ref[...].astype(jnp.float32)
    ap = apod_ref[...]
    norm = jnp.maximum(jnp.sum(ap), jnp.finfo(jnp.float32).tiny)
    base = v * (ap / norm)
    w1 = base * a
    w0 = base - w1
    wp_ref[...] = _pack_pair(w0, w1).T
    k0t_ref[...] = k0_ref[...].T


def _sc_body(s_hbm, k0_hbm, wp_hbm, part_hbm,
             s_loc, k_a, w_a, k_b, w_b, acc_loc, sem_a, sem_b):
    cid = lax.axis_index("c")
    sid = lax.axis_index("s")
    det0 = sid * DETS_PER_TILE

    pltpu.sync_copy(s_hbm.at[pl.ds(det0 * B, DETS_PER_TILE * B), :], s_loc)

    def _slices(c):
        col0 = cid * P_HALF + c * CHUNK
        ksl = k0_hbm.at[pl.ds(det0, DETS_PER_TILE), pl.ds(col0, CHUNK)]
        wsl = wp_hbm.at[pl.ds(det0, DETS_PER_TILE), pl.ds(col0, CHUNK)]
        return ksl, wsl

    def issue(c, kbuf, wbuf, sem):
        ksl, wsl = _slices(c)
        pltpu.async_copy(ksl, kbuf, sem)
        pltpu.async_copy(wsl, wbuf, sem)

    def drain(c, kbuf, wbuf, sem):
        ksl, wsl = _slices(c)
        pltpu.make_async_copy(ksl, kbuf, sem).wait()
        pltpu.make_async_copy(wsl, wbuf, sem).wait()

    def compute(c, kbuf, wbuf):
        @plsc.parallel_loop(0, PVECS, unroll=2)
        def pvec_body(i):
            col = i * 16
            accs = [[jnp.zeros((32,), jnp.bfloat16) for _ in range(2)]
                    for _ in range(B)]
            for d in range(DETS_PER_TILE):
                k_vec = kbuf[d, pl.ds(col, 16)]
                w_pair = plsc.bitcast(wbuf[d, pl.ds(col, 16)], jnp.bfloat16)
                for b in range(B):
                    row = jnp.full((16,), d * B + b, jnp.int32)
                    pair = plsc.bitcast(
                        plsc.load_gather(s_loc, [row, k_vec]), jnp.bfloat16)
                    accs[b][d % 2] = accs[b][d % 2] + w_pair * pair
            for b in range(B):
                t0, t1 = plsc.unpack(accs[b][0] + accs[b][1],
                                     format=plsc.PackFormat.INTERLEAVED)
                acc_loc[b, col // 256, pl.ds(col % 256, 16)] = t0 + t1
        pltpu.sync_copy(
            acc_loc,
            part_hbm.at[sid, :, cid, pl.ds(c * (CHUNK // 256), CHUNK // 256), :])

    issue(0, k_a, w_a, sem_a)

    def pair_body(h, _):
        g0 = 2 * h
        issue(g0 + 1, k_b, w_b, sem_b)
        drain(g0, k_a, w_a, sem_a)
        compute(g0, k_a, w_a)

        @pl.when(h < N_CHUNKS // 2 - 1)
        def _():
            issue(g0 + 2, k_a, w_a, sem_a)

        drain(g0 + 1, k_b, w_b, sem_b)
        compute(g0 + 1, k_b, w_b)
        return 0

    lax.fori_loop(0, N_CHUNKS // 2, pair_body, 0)


def _reduce_body(part_ref, out_ref):
    out_ref[...] = jnp.sum(part_ref[...], axis=0)


@jax.jit
def kernel(sino, alpha, apod, k0, valid):
    sino_r = sino.reshape(B, N_DET, N_T)

    s_t = pl.pallas_call(
        _normalize_body,
        out_shape=jax.ShapeDtypeStruct((N_DET, B, N_T), jnp.int32),
    )(sino_r)
    s_flat = s_t.reshape(N_DET * B, N_T)

    PB = 2048
    alpha_r = alpha.reshape(P, N_DET)
    valid_u8 = valid.reshape(P, N_DET).astype(jnp.uint8)
    k0_r = k0.reshape(P, N_DET)
    apod_r = apod.reshape(1, N_DET)
    wp, k0t = pl.pallas_call(
        _lut_body,
        grid=(P // PB,),
        in_specs=[
            pl.BlockSpec((PB, N_DET), lambda p: (p, 0)),
            pl.BlockSpec((PB, N_DET), lambda p: (p, 0)),
            pl.BlockSpec((PB, N_DET), lambda p: (p, 0)),
            pl.BlockSpec((1, N_DET), lambda p: (0, 0)),
        ],
        out_specs=[
            pl.BlockSpec((N_DET, PB), lambda p: (0, p)),
            pl.BlockSpec((N_DET, PB), lambda p: (0, p)),
        ],
        out_shape=[
            jax.ShapeDtypeStruct((N_DET, P), jnp.int32),
            jax.ShapeDtypeStruct((N_DET, P), jnp.int32),
        ],
    )(alpha_r, valid_u8, k0_r, apod_r)

    mesh = plsc.VectorSubcoreMesh(core_axis_name="c", subcore_axis_name="s",
                                  num_cores=NC, num_subcores=NS)
    part = pl.kernel(
        _sc_body,
        out_type=jax.ShapeDtypeStruct((NS, B, NC, P_HALF // 256, 256),
                                      jnp.float32),
        mesh=mesh,
        compiler_params=pltpu.CompilerParams(needs_layout_passes=False),
        scratch_types=[
            pltpu.VMEM((DETS_PER_TILE * B, N_T), jnp.int32),
            pltpu.VMEM((DETS_PER_TILE, CHUNK), jnp.int32),
            pltpu.VMEM((DETS_PER_TILE, CHUNK), jnp.int32),
            pltpu.VMEM((DETS_PER_TILE, CHUNK), jnp.int32),
            pltpu.VMEM((DETS_PER_TILE, CHUNK), jnp.int32),
            pltpu.VMEM((B, CHUNK // 256, 256), jnp.float32),
            pltpu.SemaphoreType.DMA,
            pltpu.SemaphoreType.DMA,
        ],
    )(s_flat, k0t, wp)

    part_r = part.reshape(NS, B, P)
    PRB = 2048
    out = pl.pallas_call(
        _reduce_body,
        grid=(P // PRB,),
        in_specs=[pl.BlockSpec((NS, B, PRB), lambda p: (0, 0, p))],
        out_specs=pl.BlockSpec((B, PRB), lambda p: (0, p)),
        out_shape=jax.ShapeDtypeStruct((B, P), jnp.float32),
    )(part_r)

    return out.reshape(B, 1, NY, NX)

# --- scband reference (transcript-rebuilt; emitter-appended) ---
"""Pipeline reference for scband-delay-and-sum-linear-31018253811715 (READ-ONLY COPY).

The authoritative reference and input builder live on the scoring server;
editing this copy changes nothing except your own understanding.
"""

import jax, jax.numpy as jnp
import numpy as np

B = 4
N_DET = 128
N_T = 2048
NY = 256
NX = 256


def setup_inputs(seed: int = 0) -> dict:
    key = jax.random.key(seed)
    k1, k2, k3 = jax.random.split(key, 3)
    sino = jax.random.normal(k1, (B, 1, N_DET, N_T), dtype=jnp.float32)
    # Precomputed delay LUT: lut[..., 0] = fractional time-sample index, lut[..., 1] = interp weight.
    lut_t = jax.random.uniform(k2, (NY, NX, N_DET), dtype=jnp.float32, minval=-10.0, maxval=float(N_T + 10))
    k_floor = jnp.floor(lut_t)
    valid = (k_floor >= 0) & (k_floor < N_T - 1)
    max_idx = max(N_T - 2, 0)
    k0 = jnp.clip(k_floor, 0, max_idx).astype(jnp.int32)
    alpha = jax.random.uniform(k3, (NY, NX, N_DET), dtype=jnp.float32)
    win = 0.5 - 0.5 * np.cos(2 * np.pi * np.arange(N_DET) / max(N_DET - 1, 1))
    apod = jnp.asarray(win.astype(np.float32))
    return {"sino": sino, "alpha": alpha, "apod": apod, "k0": k0, "valid": valid}


def reference(sino, alpha, apod, k0, valid):
    # Per-sample normalization (stats=None, update_cache path; cache is a side effect only).
    eps = jnp.finfo(sino.dtype).eps
    mean = jnp.mean(sino, axis=(-1, -2), keepdims=True)
    centered = sino - mean
    var = jnp.mean(centered * centered, axis=(-1, -2), keepdims=True)
    std = jnp.sqrt(var + eps)
    sino_norm = centered / std
    S = sino_norm[:, 0, :, :]  # [B, n_det, n_t]
    det = jnp.arange(N_DET)
    k1i = k0 + 1

    def per_batch(Sb):
        # Gather per (pixel, detector): Sb[d, k0[y, x, d]] -> [ny, nx, n_det]
        s0 = Sb[det[None, None, :], k0]
        s1 = Sb[det[None, None, :], k1i]
        sk = (1.0 - alpha) * s0 + alpha * s1
        sk = sk * valid.astype(sk.dtype)
        return jnp.sum(sk * apod, axis=-1)  # weighted sum over detectors -> [ny, nx]

    out = jax.vmap(per_batch)(S)  # [B, ny, nx]
    norm = jnp.maximum(jnp.sum(apod), jnp.finfo(apod.dtype).tiny)
    out = out / norm
    return out[:, None, :, :]

if __name__ == "__main__":
    import jax
    _d = setup_inputs()
    print(jax.jit(kernel)(*tuple(_d.values())))

</pallas_src>

<mosaic_0001>
#map = affine_map<(d0, d1) -> (0, 0)>
#map1 = affine_map<(d0, d1) -> (0, 0, 0, 0, 0)>
module attributes {stable_mosaic.version = 14 : i64} {
  func.func @_sc_body(%arg0: i32, %arg1: i32, %arg2: memref<512x2048xi32, #tpu.memory_space<hbm>>, %arg3: memref<128x65536xi32, #tpu.memory_space<hbm>>, %arg4: memref<128x65536xi32, #tpu.memory_space<hbm>>, %arg5: memref<16x4x2x128x256xf32, #tpu.memory_space<hbm>>, %arg6: memref<32x2048xi32, #tpu.memory_space<vmem>>, %arg7: memref<8x1024xi32, #tpu.memory_space<vmem>>, %arg8: memref<8x1024xi32, #tpu.memory_space<vmem>>, %arg9: memref<8x1024xi32, #tpu.memory_space<vmem>>, %arg10: memref<8x1024xi32, #tpu.memory_space<vmem>>, %arg11: memref<4x4x256xf32, #tpu.memory_space<vmem>>, %arg12: memref<!tpu.dma_semaphore, #tpu.memory_space<semaphore_mem>>, %arg13: memref<!tpu.dma_semaphore, #tpu.memory_space<semaphore_mem>>) attributes {dimension_semantics = [#tpu.dimension_semantics<core_parallel>, #tpu.dimension_semantics<subcore_parallel>], iteration_bounds = array<i64: 2, 16>, scalar_prefetch = 0 : i64, scratch_operands = 8 : i64, tpu.core_type = #tpu.core_type<sc_vector_subcore>, window_params = [{transform_indices = #map}, {transform_indices = #map}, {transform_indices = #map}, {transform_indices = #map1}]} {
    %mul3A = arith.constant 8 : i32
    %mul3A_0 = arith.muli %arg1, %mul3A : i32
    %mul3A_1 = arith.constant 4 : i32
    %mul3A_2 = arith.muli %mul3A_0, %mul3A_1 : i32
    "tpu.region"() ({
      %run_scoped3A = tpu.sem_alloc : memref<!tpu.dma_semaphore, #tpu.memory_space<semaphore_mem>>
      %dma_start3A_15 = arith.constant 0 : i32
      %dma_start3A_16 = tpu.memref_slice %arg2[%mul3A_2, %dma_start3A_15] : memref<512x2048xi32, #tpu.memory_space<hbm>> -> memref<32x2048xi32, #tpu.memory_space<hbm>>
      %dma_start3A_17 = arith.constant 0 : i32
      %dma_start3A_18 = tpu.memref_slice %arg2[%mul3A_2, %dma_start3A_17] : memref<512x2048xi32, #tpu.memory_space<hbm>> -> memref<32x2048xi32, #tpu.memory_space<hbm>>
      tpu.enqueue_dma source(%dma_start3A_18 : memref<32x2048xi32, #tpu.memory_space<hbm>>) target(%arg6 : memref<32x2048xi32, #tpu.memory_space<vmem>>) target_semaphore(%run_scoped3A : memref<!tpu.dma_semaphore, #tpu.memory_space<semaphore_mem>>)
      %dma_wait3A = arith.constant 0 : i32
      %dma_wait3A_19 = tpu.memref_slice %arg2[%mul3A_2, %dma_wait3A] : memref<512x2048xi32, #tpu.memory_space<hbm>> -> memref<32x2048xi32, #tpu.memory_space<hbm>>
      %dma_wait3A_20 = arith.constant 0 : i32
      %dma_wait3A_21 = tpu.memref_slice %arg2[%mul3A_2, %dma_wait3A_20] : memref<512x2048xi32, #tpu.memory_space<hbm>> -> memref<32x2048xi32, #tpu.memory_space<hbm>>
      tpu.wait_dma2 semaphore(%run_scoped3A : memref<!tpu.dma_semaphore, #tpu.memory_space<semaphore_mem>>) src(%dma_wait3A_21 : memref<32x2048xi32, #tpu.memory_space<hbm>>) dst(%arg6 : memref<32x2048xi32, #tpu.memory_space<vmem>>)
      tpu.yield
    }) : () -> ()
    %mul3A_3 = arith.constant 32768 : i32
    %mul3A_4 = arith.muli %arg0, %mul3A_3 : i32
    %add3A = arith.constant 0 : i32
    %add3A_5 = arith.addi %mul3A_4, %add3A : i32
    %dma_start3A = tpu.memref_slice %arg3[%mul3A_0, %add3A_5] : memref<128x65536xi32, #tpu.memory_space<hbm>> -> memref<8x1024xi32, #tpu.memory_space<hbm>>
    %dma_start3A_6 = tpu.memref_slice %arg3[%mul3A_0, %add3A_5] : memref<128x65536xi32, #tpu.memory_space<hbm>> -> memref<8x1024xi32, #tpu.memory_space<hbm>>
    tpu.enqueue_dma source(%dma_start3A_6 : memref<8x1024xi32, #tpu.memory_space<hbm>>) target(%arg7 : memref<8x1024xi32, #tpu.memory_space<vmem>>) target_semaphore(%arg12 : memref<!tpu.dma_semaphore, #tpu.memory_space<semaphore_mem>>)
    %dma_start3A_7 = tpu.memref_slice %arg4[%mul3A_0, %add3A_5] : memref<128x65536xi32, #tpu.memory_space<hbm>> -> memref<8x1024xi32, #tpu.memory_space<hbm>>
    %dma_start3A_8 = tpu.memref_slice %arg4[%mul3A_0, %add3A_5] : memref<128x65536xi32, #tpu.memory_space<hbm>> -> memref<8x1024xi32, #tpu.memory_space<hbm>>
    tpu.enqueue_dma source(%dma_start3A_8 : memref<8x1024xi32, #tpu.memory_space<hbm>>) target(%arg8 : memref<8x1024xi32, #tpu.memory_space<vmem>>) target_semaphore(%arg12 : memref<!tpu.dma_semaphore, #tpu.memory_space<semaphore_mem>>)
    %scan3A = arith.constant 0 : i32
    %scan3A_9 = arith.constant 0 : i32
    %scan3A_10 = arith.constant 16 : i32
    %scan3A_11 = arith.addi %scan3A_9, %scan3A_10 : i32
    %scan3A_12 = arith.constant 1 : i32
    %scan3A_13 = scf.for %scan3A_15 = %scan3A_9 to %scan3A_11 step %scan3A_12 iter_args(%scan3A_16 = %scan3A) -> (i32)  : i32 {
      %mul3A_17 = arith.constant 2 : i32
      %mul3A_18 = arith.muli %mul3A_17, %scan3A_15 : i32
      %add3A_19 = arith.constant 1 : i32
      %add3A_20 = arith.addi %mul3A_18, %add3A_19 : i32
      %mul3A_21 = arith.constant 32768 : i32
      %mul3A_22 = arith.muli %arg0, %mul3A_21 : i32
      %mul3A_23 = arith.constant 1024 : i32
      %mul3A_24 = arith.muli %add3A_20, %mul3A_23 : i32
      %add3A_25 = arith.addi %mul3A_22, %mul3A_24 : i32
      %dma_start3A_26 = tpu.memref_slice %arg3[%mul3A_0, %add3A_25] : memref<128x65536xi32, #tpu.memory_space<hbm>> -> memref<8x1024xi32, #tpu.memory_space<hbm>>
      %dma_start3A_27 = tpu.memref_slice %arg3[%mul3A_0, %add3A_25] : memref<128x65536xi32, #tpu.memory_space<hbm>> -> memref<8x1024xi32, #tpu.memory_space<hbm>>
      tpu.enqueue_dma source(%dma_start3A_27 : memref<8x1024xi32, #tpu.memory_space<hbm>>) target(%arg9 : memref<8x1024xi32, #tpu.memory_space<vmem>>) target_semaphore(%arg13 : memref<!tpu.dma_semaphore, #tpu.memory_space<semaphore_mem>>)
      %dma_start3A_28 = tpu.memref_slice %arg4[%mul3A_0, %add3A_25] : memref<128x65536xi32, #tpu.memory_space<hbm>> -> memref<8x1024xi32, #tpu.memory_space<hbm>>
      %dma_start3A_29 = tpu.memref_slice %arg4[%mul3A_0, %add3A_25] : memref<128x65536xi32, #tpu.memory_space<hbm>> -> memref<8x1024xi32, #tpu.memory_space<hbm>>
      tpu.enqueue_dma source(%dma_start3A_29 : memref<8x1024xi32, #tpu.memory_space<hbm>>) target(%arg10 : memref<8x1024xi32, #tpu.memory_space<vmem>>) target_semaphore(%arg13 : memref<!tpu.dma_semaphore, #tpu.memory_space<semaphore_mem>>)
      %mul3A_30 = arith.constant 32768 : i32
      %mul3A_31 = arith.muli %arg0, %mul3A_30 : i32
      %mul3A_32 = arith.constant 1024 : i32
      %mul3A_33 = arith.muli %mul3A_18, %mul3A_32 : i32
      %add3A_34 = arith.addi %mul3A_31, %mul3A_33 : i32
      %dma_wait3A = tpu.memref_slice %arg3[%mul3A_0, %add3A_34] : memref<128x65536xi32, #tpu.memory_space<hbm>> -> memref<8x1024xi32, #tpu.memory_space<hbm>>
      %dma_wait3A_35 = tpu.memref_slice %arg3[%mul3A_0, %add3A_34] : memref<128x65536xi32, #tpu.memory_space<hbm>> -> memref<8x1024xi32, #tpu.memory_space<hbm>>
      tpu.wait_dma2 semaphore(%arg12 : memref<!tpu.dma_semaphore, #tpu.memory_space<semaphore_mem>>) src(%dma_wait3A_35 : memref<8x1024xi32, #tpu.memory_space<hbm>>) dst(%arg7 : memref<8x1024xi32, #tpu.memory_space<vmem>>)
      %dma_wait3A_36 = tpu.memref_slice %arg4[%mul3A_0, %add3A_34] : memref<128x65536xi32, #tpu.memory_space<hbm>> -> memref<8x1024xi32, #tpu.memory_space<hbm>>
      %dma_wait3A_37 = tpu.memref_slice %arg4[%mul3A_0, %add3A_34] : memref<128x65536xi32, #tpu.memory_space<hbm>> -> memref<8x1024xi32, #tpu.memory_space<hbm>>
      tpu.wait_dma2 semaphore(%arg12 : memref<!tpu.dma_semaphore, #tpu.memory_space<semaphore_mem>>) src(%dma_wait3A_37 : memref<8x1024xi32, #tpu.memory_space<hbm>>) dst(%arg8 : memref<8x1024xi32, #tpu.memory_space<vmem>>)
      %parallel_loop3A = arith.constant 0 : i32
      %parallel_loop3A_38 = arith.constant 64 : i32
      %parallel_loop3A_39 = arith.constant 1 : i32
      scf.for %parallel_loop3A_63 = %parallel_loop3A to %parallel_loop3A_38 step %parallel_loop3A_39  : i32 {
        %parallel_loop3A_64 = arith.constant 16 : i32
        %parallel_loop3A_65 = arith.muli %parallel_loop3A_63, %parallel_loop3A_64 : i32
        %parallel_loop3A_66 = arith.constant 0.000000e+00 : bf16
        %parallel_loop3A_67 = vector.broadcast %parallel_loop3A_66 : bf16 to vector<32xbf16>
        %parallel_loop3A_68 = arith.constant 0.000000e+00 : bf16
        %parallel_loop3A_69 = vector.broadcast %parallel_loop3A_68 : bf16 to vector<32xbf16>
        %parallel_loop3A_70 = arith.constant 0.000000e+00 : bf16
        %parallel_loop3A_71 = vector.broadcast %parallel_loop3A_70 : bf16 to vector<32xbf16>
        %parallel_loop3A_72 = arith.constant 0.000000e+00 : bf16
        %parallel_loop3A_73 = vector.broadcast %parallel_loop3A_72 : bf16 to vector<32xbf16>
        %parallel_loop3A_74 = arith.constant 0.000000e+00 : bf16
        %parallel_loop3A_75 = vector.broadcast %parallel_loop3A_74 : bf16 to vector<32xbf16>
        %parallel_loop3A_76 = arith.constant 0.000000e+00 : bf16
        %parallel_loop3A_77 = vector.broadcast %parallel_loop3A_76 : bf16 to vector<32xbf16>
        %parallel_loop3A_78 = arith.constant 0.000000e+00 : bf16
        %parallel_loop3A_79 = vector.broadcast %parallel_loop3A_78 : bf16 to vector<32xbf16>
        %parallel_loop3A_80 = arith.constant 0.000000e+00 : bf16
        %parallel_loop3A_81 = vector.broadcast %parallel_loop3A_80 : bf16 to vector<32xbf16>
        %parallel_loop3A_82 = arith.constant 0 : i32
        %parallel_loop3A_83 = arith.index_cast %parallel_loop3A_82 : i32 to index
        %parallel_loop3A_84 = arith.index_cast %parallel_loop3A_65 : i32 to index
        %parallel_loop3A_85 = tpu.vector_load %arg7[%parallel_loop3A_83, %parallel_loop3A_84] {strides = array<i32>} : memref<8x1024xi32, #tpu.memory_space<vmem>>, vector<16xi32>,
        %parallel_loop3A_86 = arith.constant 0 : i32
        %parallel_loop3A_87 = arith.index_cast %parallel_loop3A_86 : i32 to index
        %parallel_loop3A_88 = arith.index_cast %parallel_loop3A_65 : i32 to index
        %parallel_loop3A_89 = tpu.vector_load %arg8[%parallel_loop3A_87, %parallel_loop3A_88] {strides = array<i32>} : memref<8x1024xi32, #tpu.memory_space<vmem>>, vector<16xi32>,
        %parallel_loop3A_90 = vector.bitcast %parallel_loop3A_89 : vector<16xi32> to vector<32xbf16>
        %parallel_loop3A_91 = arith.constant 0 : i32
        %parallel_loop3A_92 = vector.broadcast %parallel_loop3A_91 : i32 to vector<16xi32>
        %parallel_loop3A_93 = tpu.vector_load_idx %arg6[%parallel_loop3A_92, %parallel_loop3A_85] : memref<32x2048xi32, #tpu.memory_space<vmem>>[vector<16xi32>, vector<16xi32>], vector<16xi32>,
        %parallel_loop3A_94 = vector.bitcast %parallel_loop3A_93 : vector<16xi32> to vector<32xbf16>
        %parallel_loop3A_95 = arith.mulf %parallel_loop3A_90, %parallel_loop3A_94 : vector<32xbf16>
        %parallel_loop3A_96 = arith.addf %parallel_loop3A_67, %parallel_loop3A_95 : vector<32xbf16>
        %parallel_loop3A_97 = arith.constant 1 : i32
        %parallel_loop3A_98 = vector.broadcast %parallel_loop3A_97 : i32 to vector<16xi32>
        %parallel_loop3A_99 = tpu.vector_load_idx %arg6[%parallel_loop3A_98, %parallel_loop3A_85] : memref<32x2048xi32, #tpu.memory_space<vmem>>[vector<16xi32>, vector<16xi32>], vector<16xi32>,
        %parallel_loop3A_100 = vector.bitcast %parallel_loop3A_99 : vector<16xi32> to vector<32xbf16>
        %parallel_loop3A_101 = arith.mulf %parallel_loop3A_90, %parallel_loop3A_100 : vector<32xbf16>
        %parallel_loop3A_102 = arith.addf %parallel_loop3A_71, %parallel_loop3A_101 : vector<32xbf16>
        %parallel_loop3A_103 = arith.constant 2 : i32
        %parallel_loop3A_104 = vector.broadcast %parallel_loop3A_103 : i32 to vector<16xi32>
        %parallel_loop3A_105 = tpu.vector_load_idx %arg6[%parallel_loop3A_104, %parallel_loop3A_85] : memref<32x2048xi32, #tpu.memory_space<vmem>>[vector<16xi32>, vector<16xi32>], vector<16xi32>,
        %parallel_loop3A_106 = vector.bitcast %parallel_loop3A_105 : vector<16xi32> to vector<32xbf16>
        %parallel_loop3A_107 = arith.mulf %parallel_loop3A_90, %parallel_loop3A_106 : vector<32xbf16>
        %parallel_loop3A_108 = arith.addf %parallel_loop3A_75, %parallel_loop3A_107 : vector<32xbf16>
        %parallel_loop3A_109 = arith.constant 3 : i32
        %parallel_loop3A_110 = vector.broadcast %parallel_loop3A_109 : i32 to vector<16xi32>
        %parallel_loop3A_111 = tpu.vector_load_idx %arg6[%parallel_loop3A_110, %parallel_loop3A_85] : memref<32x2048xi32, #tpu.memory_space<vmem>>[vector<16xi32>, vector<16xi32>], vector<16xi32>,
        %parallel_loop3A_112 = vector.bitcast %parallel_loop3A_111 : vector<16xi32> to vector<32xbf16>
        %parallel_loop3A_113 = arith.mulf %parallel_loop3A_90, %parallel_loop3A_112 : vector<32xbf16>
        %parallel_loop3A_114 = arith.addf %parallel_loop3A_79, %parallel_loop3A_113 : vector<32xbf16>
        %parallel_loop3A_115 = arith.constant 1 : i32
        %parallel_loop3A_116 = arith.index_cast %parallel_loop3A_115 : i32 to index
        %parallel_loop3A_117 = arith.index_cast %parallel_loop3A_65 : i32 to index
        %parallel_loop3A_118 = tpu.vector_load %arg7[%parallel_loop3A_116, %parallel_loop3A_117] {strides = array<i32>} : memref<8x1024xi32, #tpu.memory_space<vmem>>, vector<16xi32>,
        %parallel_loop3A_119 = arith.constant 1 : i32
        %parallel_loop3A_120 = arith.index_cast %parallel_loop3A_119 : i32 to index
        %parallel_loop3A_121 = arith.index_cast %parallel_loop3A_65 : i32 to index
        %parallel_loop3A_122 = tpu.vector_load %arg8[%parallel_loop3A_120, %parallel_loop3A_121] {strides = array<i32>} : memref<8x1024xi32, #tpu.memory_space<vmem>>, vector<16xi32>,
        %parallel_loop3A_123 = vector.bitcast %parallel_loop3A_122 : vector<16xi32> to vector<32xbf16>
        %parallel_loop3A_124 = arith.constant 4 : i32
        %parallel_loop3A_125 = vector.broadcast %parallel_loop3A_124 : i32 to vector<16xi32>
        %parallel_loop3A_126 = tpu.vector_load_idx %arg6[%parallel_loop3A_125, %parallel_loop3A_118] : memref<32x2048xi32, #tpu.memory_space<vmem>>[vector<16xi32>, vector<16xi32>], vector<16xi32>,
        %parallel_loop3A_127 = vector.bitcast %parallel_loop3A_126 : vector<16xi32> to vector<32xbf16>
        %parallel_loop3A_128 = arith.mulf %parallel_loop3A_123, %parallel_loop3A_127 : vector<32xbf16>
        %parallel_loop3A_129 = arith.addf %parallel_loop3A_69, %parallel_loop3A_128 : vector<32xbf16>
        %parallel_loop3A_130 = arith.constant 5 : i32
        %parallel_loop3A_131 = vector.broadcast %parallel_loop3A_130 : i32 to vector<16xi32>
        %parallel_loop3A_132 = tpu.vector_load_idx %arg6[%parallel_loop3A_131, %parallel_loop3A_118] : memref<32x2048xi32, #tpu.memory_space<vmem>>[vector<16xi32>, vector<16xi32>], vector<16xi32>,
        %parallel_loop3A_133 = vector.bitcast %parallel_loop3A_132 : vector<16xi32> to vector<32xbf16>
        %parallel_loop3A_134 = arith.mulf %parallel_loop3A_123, %parallel_loop3A_133 : vector<32xbf16>
        %parallel_loop3A_135 = arith.addf %parallel_loop3A_73, %parallel_loop3A_134 : vector<32xbf16>
        %parallel_loop3A_136 = arith.constant 6 : i32
        %parallel_loop3A_137 = vector.broadcast %parallel_loop3A_136 : i32 to vector<16xi32>
        %parallel_loop3A_138 = tpu.vector_load_idx %arg6[%parallel_loop3A_137, %parallel_loop3A_118] : memref<32x2048xi32, #tpu.memory_space<vmem>>[vector<16xi32>, vector<16xi32>], vector<16xi32>,
        %parallel_loop3A_139 = vector.bitcast %parallel_loop3A_138 : vector<16xi32> to vector<32xbf16>
        %parallel_loop3A_140 = arith.mulf %parallel_loop3A_123, %parallel_loop3A_139 : vector<32xbf16>
        %parallel_loop3A_141 = arith.addf %parallel_loop3A_77, %parallel_loop3A_140 : vector<32xbf16>
        %parallel_loop3A_142 = arith.constant 7 : i32
        %parallel_loop3A_143 = vector.broadcast %parallel_loop3A_142 : i32 to vector<16xi32>
        %parallel_loop3A_144 = tpu.vector_load_idx %arg6[%parallel_loop3A_143, %parallel_loop3A_118] : memref<32x2048xi32, #tpu.memory_space<vmem>>[vector<16xi32>, vector<16xi32>], vector<16xi32>,
        %parallel_loop3A_145 = vector.bitcast %parallel_loop3A_144 : vector<16xi32> to vector<32xbf16>
        %parallel_loop3A_146 = arith.mulf %parallel_loop3A_123, %parallel_loop3A_145 : vector<32xbf16>
        %parallel_loop3A_147 = arith.addf %parallel_loop3A_81, %parallel_loop3A_146 : vector<32xbf16>
        %parallel_loop3A_148 = arith.constant 2 : i32
        %parallel_loop3A_149 = arith.index_cast %parallel_loop3A_148 : i32 to index
        %parallel_loop3A_150 = arith.index_cast %parallel_loop3A_65 : i32 to index
        %parallel_loop3A_151 = tpu.vector_load %arg7[%parallel_loop3A_149, %parallel_loop3A_150] {strides = array<i32>} : memref<8x1024xi32, #tpu.memory_space<vmem>>, vector<16xi32>,
        %parallel_loop3A_152 = arith.constant 2 : i32
        %parallel_loop3A_153 = arith.index_cast %parallel_loop3A_152 : i32 to index
        %parallel_loop3A_154 = arith.index_cast %parallel_loop3A_65 : i32 to index
        %parallel_loop3A_155 = tpu.vector_load %arg8[%parallel_loop3A_153, %parallel_loop3A_154] {strides = array<i32>} : memref<8x1024xi32, #tpu.memory_space<vmem>>, vector<16xi32>,
        %parallel_loop3A_156 = vector.bitcast %parallel_loop3A_155 : vector<16xi32> to vector<32xbf16>
        %parallel_loop3A_157 = arith.constant 8 : i32
        %parallel_loop3A_158 = vector.broadcast %parallel_loop3A_157 : i32 to vector<16xi32>
        %parallel_loop3A_159 = tpu.vector_load_idx %arg6[%parallel_loop3A_158, %parallel_loop3A_151] : memref<32x2048xi32, #tpu.memory_space<vmem>>[vector<16xi32>, vector<16xi32>], vector<16xi32>,
        %parallel_loop3A_160 = vector.bitcast %parallel_loop3A_159 : vector<16xi32> to vector<32xbf16>
        %parallel_loop3A_161 = arith.mulf %parallel_loop3A_156, %parallel_loop3A_160 : vector<32xbf16>
        %parallel_loop3A_162 = arith.addf %parallel_loop3A_96, %parallel_loop3A_161 : vector<32xbf16>
        %parallel_loop3A_163 = arith.constant 9 : i32
        %parallel_loop3A_164 = vector.broadcast %parallel_loop3A_163 : i32 to vector<16xi32>
        %parallel_loop3A_165 = tpu.vector_load_idx %arg6[%parallel_loop3A_164, %parallel_loop3A_151] : memref<32x2048xi32, #tpu.memory_space<vmem>>[vector<16xi32>, vector<16xi32>], vector<16xi32>,
        %parallel_loop3A_166 = vector.bitcast %parallel_loop3A_165 : vector<16xi32> to vector<32xbf16>
        %parallel_loop3A_167 = arith.mulf %parallel_loop3A_156, %parallel_loop3A_166 : vector<32xbf16>
        %parallel_loop3A_168 = arith.addf %parallel_loop3A_102, %parallel_loop3A_167 : vector<32xbf16>
        %parallel_loop3A_169 = arith.constant 10 : i32
        %parallel_loop3A_170 = vector.broadcast %parallel_loop3A_169 : i32 to vector<16xi32>
        %parallel_loop3A_171 = tpu.vector_load_idx %arg6[%parallel_loop3A_170, %parallel_loop3A_151] : memref<32x2048xi32, #tpu.memory_space<vmem>>[vector<16xi32>, vector<16xi32>], vector<16xi32>,
        %parallel_loop3A_172 = vector.bitcast %parallel_loop3A_171 : vector<16xi32> to vector<32xbf16>
        %parallel_loop3A_173 = arith.mulf %parallel_loop3A_156, %parallel_loop3A_172 : vector<32xbf16>
        %parallel_loop3A_174 = arith.addf %parallel_loop3A_108, %parallel_loop3A_173 : vector<32xbf16>
        %parallel_loop3A_175 = arith.constant 11 : i32
        %parallel_loop3A_176 = vector.broadcast %parallel_loop3A_175 : i32 to vector<16xi32>
        %parallel_loop3A_177 = tpu.vector_load_idx %arg6[%parallel_loop3A_176, %parallel_loop3A_151] : memref<32x2048xi32, #tpu.memory_space<vmem>>[vector<16xi32>, vector<16xi32>], vector<16xi32>,
        %parallel_loop3A_178 = vector.bitcast %parallel_loop3A_177 : vector<16xi32> to vector<32xbf16>
        %parallel_loop3A_179 = arith.mulf %parallel_loop3A_156, %parallel_loop3A_178 : vector<32xbf16>
        %parallel_loop3A_180 = arith.addf %parallel_loop3A_114, %parallel_loop3A_179 : vector<32xbf16>
        %parallel_loop3A_181 = arith.constant 3 : i32
        %parallel_loop3A_182 = arith.index_cast %parallel_loop3A_181 : i32 to index
        %parallel_loop3A_183 = arith.index_cast %parallel_loop3A_65 : i32 to index
        %parallel_loop3A_184 = tpu.vector_load %arg7[%parallel_loop3A_182, %parallel_loop3A_183] {strides = array<i32>} : memref<8x1024xi32, #tpu.memory_space<vmem>>, vector<16xi32>,
        %parallel_loop3A_185 = arith.constant 3 : i32
        %parallel_loop3A_186 = arith.index_cast %parallel_loop3A_185 : i32 to index
        %parallel_loop3A_187 = arith.index_cast %parallel_loop3A_65 : i32 to index
        %parallel_loop3A_188 = tpu.vector_load %arg8[%parallel_loop3A_186, %parallel_loop3A_187] {strides = array<i32>} : memref<8x1024xi32, #tpu.memory_space<vmem>>, vector<16xi32>,
        %parallel_loop3A_189 = vector.bitcast %parallel_loop3A_188 : vector<16xi32> to vector<32xbf16>
        %parallel_loop3A_190 = arith.constant 12 : i32
        %parallel_loop3A_191 = vector.broadcast %parallel_loop3A_190 : i32 to vector<16xi32>
        %parallel_loop3A_192 = tpu.vector_load_idx %arg6[%parallel_loop3A_191, %parallel_loop3A_184] : memref<32x2048xi32, #tpu.memory_space<vmem>>[vector<16xi32>, vector<16xi32>], vector<16xi32>,
        %parallel_loop3A_193 = vector.bitcast %parallel_loop3A_192 : vector<16xi32> to vector<32xbf16>
        %parallel_loop3A_194 = arith.mulf %parallel_loop3A_189, %parallel_loop3A_193 : vector<32xbf16>
        %parallel_loop3A_195 = arith.addf %parallel_loop3A_129, %parallel_loop3A_194 : vector<32xbf16>
        %parallel_loop3A_196 = arith.constant 13 : i32
        %parallel_loop3A_197 = vector.broadcast %parallel_loop3A_196 : i32 to vector<16xi32>
        %parallel_loop3A_198 = tpu.vector_load_idx %arg6[%parallel_loop3A_197, %parallel_loop3A_184] : memref<32x2048xi32, #tpu.memory_space<vmem>>[vector<16xi32>, vector<16xi32>], vector<16xi32>,
        %parallel_loop3A_199 = vector.bitcast %parallel_loop3A_198 : vector<16xi32> to vector<32xbf16>
        %parallel_loop3A_200 = arith.mulf %parallel_loop3A_189, %parallel_loop3A_199 : vector<32xbf16>
        %parallel_loop3A_201 = arith.addf %parallel_loop3A_135, %parallel_loop3A_200 : vector<32xbf16>
        %parallel_loop3A_202 = arith.constant 14 : i32
        %parallel_loop3A_203 = vector.broadcast %parallel_loop3A_202 : i32 to vector<16xi32>
        %parallel_loop3A_204 = tpu.vector_load_idx %arg6[%parallel_loop3A_203, %parallel_loop3A_184] : memref<32x2048xi32, #tpu.memory_space<vmem>>[vector<16xi32>, vector<16xi32>], vector<16xi32>,
        %parallel_loop3A_205 = vector.bitcast %parallel_loop3A_204 : vector<16xi32> to vector<32xbf16>
        %parallel_loop3A_206 = arith.mulf %parallel_loop3A_189, %parallel_loop3A_205 : vector<32xbf16>
        %parallel_loop3A_207 = arith.addf %parallel_loop3A_141, %parallel_loop3A_206 : vector<32xbf16>
        %parallel_loop3A_208 = arith.constant 15 : i32
        %parallel_loop3A_209 = vector.broadcast %parallel_loop3A_208 : i32 to vector<16xi32>
        %parallel_loop3A_210 = tpu.vector_load_idx %arg6[%parallel_loop3A_209, %parallel_loop3A_184] : memref<32x2048xi32, #tpu.memory_space<vmem>>[vector<16xi32>, vector<16xi32>], vector<16xi32>,
        %parallel_loop3A_211 = vector.bitcast %parallel_loop3A_210 : vector<16xi32> to vector<32xbf16>
        %parallel_loop3A_212 = arith.mulf %parallel_loop3A_189, %parallel_loop3A_211 : vector<32xbf16>
        %parallel_loop3A_213 = arith.addf %parallel_loop3A_147, %parallel_loop3A_212 : vector<32xbf16>
        %parallel_loop3A_214 = arith.constant 4 : i32
        %parallel_loop3A_215 = arith.index_cast %parallel_loop3A_214 : i32 to index
        %parallel_loop3A_216 = arith.index_cast %parallel_loop3A_65 : i32 to index
        %parallel_loop3A_217 = tpu.vector_load %arg7[%parallel_loop3A_215, %parallel_loop3A_216] {strides = array<i32>} : memref<8x1024xi32, #tpu.memory_space<vmem>>, vector<16xi32>,
        %parallel_loop3A_218 = arith.constant 4 : i32
        %parallel_loop3A_219 = arith.index_cast %parallel_loop3A_218 : i32 to index
        %parallel_loop3A_220 = arith.index_cast %parallel_loop3A_65 : i32 to index
        %parallel_loop3A_221 = tpu.vector_load %arg8[%parallel_loop3A_219, %parallel_loop3A_220] {strides = array<i32>} : memref<8x1024xi32, #tpu.memory_space<vmem>>, vector<16xi32>,
        %parallel_loop3A_222 = vector.bitcast %parallel_loop3A_221 : vector<16xi32> to vector<32xbf16>
        %parallel_loop3A_223 = arith.constant 16 : i32
        %parallel_loop3A_224 = vector.broadcast %parallel_loop3A_223 : i32 to vector<16xi32>
        %parallel_loop3A_225 = tpu.vector_load_idx %arg6[%parallel_loop3A_224, %parallel_loop3A_217] : memref<32x2048xi32, #tpu.memory_space<vmem>>[vector<16xi32>, vector<16xi32>], vector<16xi32>,
        %parallel_loop3A_226 = vector.bitcast %parallel_loop3A_225 : vector<16xi32> to vector<32xbf16>
        %parallel_loop3A_227 = arith.mulf %parallel_loop3A_222, %parallel_loop3A_226 : vector<32xbf16>
        %parallel_loop3A_228 = arith.addf %parallel_loop3A_162, %parallel_loop3A_227 : vector<32xbf16>
        %parallel_loop3A_229 = arith.constant 17 : i32
        %parallel_loop3A_230 = vector.broadcast %parallel_loop3A_229 : i32 to vector<16xi32>
        %parallel_loop3A_231 = tpu.vector_load_idx %arg6[%parallel_loop3A_230, %parallel_loop3A_217] : memref<32x2048xi32, #tpu.memory_space<vmem>>[vector<16xi32>, vector<16xi32>], vector<16xi32>,
        %parallel_loop3A_232 = vector.bitcast %parallel_loop3A_231 : vector<16xi32> to vector<32xbf16>
        %parallel_loop3A_233 = arith.mulf %parallel_loop3A_222, %parallel_loop3A_232 : vector<32xbf16>
        %parallel_loop3A_234 = arith.addf %parallel_loop3A_168, %parallel_loop3A_233 : vector<32xbf16>
        %parallel_loop3A_235 = arith.constant 18 : i32
        %parallel_loop3A_236 = vector.broadcast %parallel_loop3A_235 : i32 to vector<16xi32>
        %parallel_loop3A_237 = tpu.vector_load_idx %arg6[%parallel_loop3A_236, %parallel_loop3A_217] : memref<32x2048xi32, #tpu.memory_space<vmem>>[vector<16xi32>, vector<16xi32>], vector<16xi32>,
        %parallel_loop3A_238 = vector.bitcast %parallel_loop3A_237 : vector<16xi32> to vector<32xbf16>
        %parallel_loop3A_239 = arith.mulf %parallel_loop3A_222, %parallel_loop3A_238 : vector<32xbf16>
        %parallel_loop3A_240 = arith.addf %parallel_loop3A_174, %parallel_loop3A_239 : vector<32xbf16>
        %parallel_loop3A_241 = arith.constant 19 : i32
        %parallel_loop3A_242 = vector.broadcast %parallel_loop3A_241 : i32 to vector<16xi32>
        %parallel_loop3A_243 = tpu.vector_load_idx %arg6[%parallel_loop3A_242, %parallel_loop3A_217] : memref<32x2048xi32, #tpu.memory_space<vmem>>[vector<16xi32>, vector<16xi32>], vector<16xi32>,
        %parallel_loop3A_244 = vector.bitcast %parallel_loop3A_243 : vector<16xi32> to vector<32xbf16>
        %parallel_loop3A_245 = arith.mulf %parallel_loop3A_222, %parallel_loop3A_244 : vector<32xbf16>
        %parallel_loop3A_246 = arith.addf %parallel_loop3A_180, %parallel_loop3A_245 : vector<32xbf16>
        %parallel_loop3A_247 = arith.constant 5 : i32
        %parallel_loop3A_248 = arith.index_cast %parallel_loop3A_247 : i32 to index
        %parallel_loop3A_249 = arith.index_cast %parallel_loop3A_65 : i32 to index
        %parallel_loop3A_250 = tpu.vector_load %arg7[%parallel_loop3A_248, %parallel_loop3A_249] {strides = array<i32>} : memref<8x1024xi32, #tpu.memory_space<vmem>>, vector<16xi32>,
        %parallel_loop3A_251 = arith.constant 5 : i32
        %parallel_loop3A_252 = arith.index_cast %parallel_loop3A_251 : i32 to index
        %parallel_loop3A_253 = arith.index_cast %parallel_loop3A_65 : i32 to index
        %parallel_loop3A_254 = tpu.vector_load %arg8[%parallel_loop3A_252, %parallel_loop3A_253] {strides = array<i32>} : memref<8x1024xi32, #tpu.memory_space<vmem>>, vector<16xi32>,
        %parallel_loop3A_255 = vector.bitcast %parallel_loop3A_254 : vector<16xi32> to vector<32xbf16>
        %parallel_loop3A_256 = arith.constant 20 : i32
        %parallel_loop3A_257 = vector.broadcast %parallel_loop3A_256 : i32 to vector<16xi32>
        %parallel_loop3A_258 = tpu.vector_load_idx %arg6[%parallel_loop3A_257, %parallel_loop3A_250] : memref<32x2048xi32, #tpu.memory_space<vmem>>[vector<16xi32>, vector<16xi32>], vector<16xi32>,
        %parallel_loop3A_259 = vector.bitcast %parallel_loop3A_258 : vector<16xi32> to vector<32xbf16>
        %parallel_loop3A_260 = arith.mulf %parallel_loop3A_255, %parallel_loop3A_259 : vector<32xbf16>
        %parallel_loop3A_261 = arith.addf %parallel_loop3A_195, %parallel_loop3A_260 : vector<32xbf16>
        %parallel_loop3A_262 = arith.constant 21 : i32
        %parallel_loop3A_263 = vector.broadcast %parallel_loop3A_262 : i32 to vector<16xi32>
        %parallel_loop3A_264 = tpu.vector_load_idx %arg6[%parallel_loop3A_263, %parallel_loop3A_250] : memref<32x2048xi32, #tpu.memory_space<vmem>>[vector<16xi32>, vector<16xi32>], vector<16xi32>,
        %parallel_loop3A_265 = vector.bitcast %parallel_loop3A_264 : vector<16xi32> to vector<32xbf16>
        %parallel_loop3A_266 = arith.mulf %parallel_loop3A_255, %parallel_loop3A_265 : vector<32xbf16>
        %parallel_loop3A_267 = arith.addf %parallel_loop3A_201, %parallel_loop3A_266 : vector<32xbf16>
        %parallel_loop3A_268 = arith.constant 22 : i32
        %parallel_loop3A_269 = vector.broadcast %parallel_loop3A_268 : i32 to vector<16xi32>
        %parallel_loop3A_270 = tpu.vector_load_idx %arg6[%parallel_loop3A_269, %parallel_loop3A_250] : memref<32x2048xi32, #tpu.memory_space<vmem>>[vector<16xi32>, vector<16xi32>], vector<16xi32>,
        %parallel_loop3A_271 = vector.bitcast %parallel_loop3A_270 : vector<16xi32> to vector<32xbf16>
        %parallel_loop3A_272 = arith.mulf %parallel_loop3A_255, %parallel_loop3A_271 : vector<32xbf16>
        %parallel_loop3A_273 = arith.addf %parallel_loop3A_207, %parallel_loop3A_272 : vector<32xbf16>
        %parallel_loop3A_274 = arith.constant 23 : i32
        %parallel_loop3A_275 = vector.broadcast %parallel_loop3A_274 : i32 to vector<16xi32>
        %parallel_loop3A_276 = tpu.vector_load_idx %arg6[%parallel_loop3A_275, %parallel_loop3A_250] : memref<32x2048xi32, #tpu.memory_space<vmem>>[vector<16xi32>, vector<16xi32>], vector<16xi32>,
        %parallel_loop3A_277 = vector.bitcast %parallel_loop3A_276 : vector<16xi32> to vector<32xbf16>
        %parallel_loop3A_278 = arith.mulf %parallel_loop3A_255, %parallel_loop3A_277 : vector<32xbf16>
        %parallel_loop3A_279 = arith.addf %parallel_loop3A_213, %parallel_loop3A_278 : vector<32xbf16>
        %parallel_loop3A_280 = arith.constant 6 : i32
        %parallel_loop3A_281 = arith.index_cast %parallel_loop3A_280 : i32 to index
        %parallel_loop3A_282 = arith.index_cast %parallel_loop3A_65 : i32 to index
        %parallel_loop3A_283 = tpu.vector_load %arg7[%parallel_loop3A_281, %parallel_loop3A_282] {strides = array<i32>} : memref<8x1024xi32, #tpu.memory_space<vmem>>, vector<16xi32>,
        %parallel_loop3A_284 = arith.constant 6 : i32
        %parallel_loop3A_285 = arith.index_cast %parallel_loop3A_284 : i32 to index
        %parallel_loop3A_286 = arith.index_cast %parallel_loop3A_65 : i32 to index
        %parallel_loop3A_287 = tpu.vector_load %arg8[%parallel_loop3A_285, %parallel_loop3A_286] {strides = array<i32>} : memref<8x1024xi32, #tpu.memory_space<vmem>>, vector<16xi32>,
        %parallel_loop3A_288 = vector.bitcast %parallel_loop3A_287 : vector<16xi32> to vector<32xbf16>
        %parallel_loop3A_289 = arith.constant 24 : i32
        %parallel_loop3A_290 = vector.broadcast %parallel_loop3A_289 : i32 to vector<16xi32>
        %parallel_loop3A_291 = tpu.vector_load_idx %arg6[%parallel_loop3A_290, %parallel_loop3A_283] : memref<32x2048xi32, #tpu.memory_space<vmem>>[vector<16xi32>, vector<16xi32>], vector<16xi32>,
        %parallel_loop3A_292 = vector.bitcast %parallel_loop3A_291 : vector<16xi32> to vector<32xbf16>
        %parallel_loop3A_293 = arith.mulf %parallel_loop3A_288, %parallel_loop3A_292 : vector<32xbf16>
        %parallel_loop3A_294 = arith.addf %parallel_loop3A_228, %parallel_loop3A_293 : vector<32xbf16>
        %parallel_loop3A_295 = arith.constant 25 : i32
        %parallel_loop3A_296 = vector.broadcast %parallel_loop3A_295 : i32 to vector<16xi32>
        %parallel_loop3A_297 = tpu.vector_load_idx %arg6[%parallel_loop3A_296, %parallel_loop3A_283] : memref<32x2048xi32, #tpu.memory_space<vmem>>[vector<16xi32>, vector<16xi32>], vector<16xi32>,
        %parallel_loop3A_298 = vector.bitcast %parallel_loop3A_297 : vector<16xi32> to vector<32xbf16>
        %parallel_loop3A_299 = arith.mulf %parallel_loop3A_288, %parallel_loop3A_298 : vector<32xbf16>
        %parallel_loop3A_300 = arith.addf %parallel_loop3A_234, %parallel_loop3A_299 : vector<32xbf16>
        %parallel_loop3A_301 = arith.constant 26 : i32
        %parallel_loop3A_302 = vector.broadcast %parallel_loop3A_301 : i32 to vector<16xi32>
        %parallel_loop3A_303 = tpu.vector_load_idx %arg6[%parallel_loop3A_302, %parallel_loop3A_283] : memref<32x2048xi32, #tpu.memory_space<vmem>>[vector<16xi32>, vector<16xi32>], vector<16xi32>,
        %parallel_loop3A_304 = vector.bitcast %parallel_loop3A_303 : vector<16xi32> to vector<32xbf16>
        %parallel_loop3A_305 = arith.mulf %parallel_loop3A_288, %parallel_loop3A_304 : vector<32xbf16>
        %parallel_loop3A_306 = arith.addf %parallel_loop3A_240, %parallel_loop3A_305 : vector<32xbf16>
        %parallel_loop3A_307 = arith.constant 27 : i32
        %parallel_loop3A_308 = vector.broadcast %parallel_loop3A_307 : i32 to vector<16xi32>
        %parallel_loop3A_309 = tpu.vector_load_idx %arg6[%parallel_loop3A_308, %parallel_loop3A_283] : memref<32x2048xi32, #tpu.memory_space<vmem>>[vector<16xi32>, vector<16xi32>], vector<16xi32>,
        %parallel_loop3A_310 = vector.bitcast %parallel_loop3A_309 : vector<16xi32> to vector<32xbf16>
        %parallel_loop3A_311 = arith.mulf %parallel_loop3A_288, %parallel_loop3A_310 : vector<32xbf16>
        %parallel_loop3A_312 = arith.addf %parallel_loop3A_246, %parallel_loop3A_311 : vector<32xbf16>
        %parallel_loop3A_313 = arith.constant 7 : i32
        %parallel_loop3A_314 = arith.index_cast %parallel_loop3A_313 : i32 to index
        %parallel_loop3A_315 = arith.index_cast %parallel_loop3A_65 : i32 to index
        %parallel_loop3A_316 = tpu.vector_load %arg7[%parallel_loop3A_314, %parallel_loop3A_315] {strides = array<i32>} : memref<8x1024xi32, #tpu.memory_space<vmem>>, vector<16xi32>,
        %parallel_loop3A_317 = arith.constant 7 : i32
        %parallel_loop3A_318 = arith.index_cast %parallel_loop3A_317 : i32 to index
        %parallel_loop3A_319 = arith.index_cast %parallel_loop3A_65 : i32 to index
        %parallel_loop3A_320 = tpu.vector_load %arg8[%parallel_loop3A_318, %parallel_loop3A_319] {strides = array<i32>} : memref<8x1024xi32, #tpu.memory_space<vmem>>, vector<16xi32>,
        %parallel_loop3A_321 = vector.bitcast %parallel_loop3A_320 : vector<16xi32> to vector<32xbf16>
        %parallel_loop3A_322 = arith.constant 28 : i32
        %parallel_loop3A_323 = vector.broadcast %parallel_loop3A_322 : i32 to vector<16xi32>
        %parallel_loop3A_324 = tpu.vector_load_idx %arg6[%parallel_loop3A_323, %parallel_loop3A_316] : memref<32x2048xi32, #tpu.memory_space<vmem>>[vector<16xi32>, vector<16xi32>], vector<16xi32>,
        %parallel_loop3A_325 = vector.bitcast %parallel_loop3A_324 : vector<16xi32> to vector<32xbf16>
        %parallel_loop3A_326 = arith.mulf %parallel_loop3A_321, %parallel_loop3A_325 : vector<32xbf16>
        %parallel_loop3A_327 = arith.addf %parallel_loop3A_261, %parallel_loop3A_326 : vector<32xbf16>
        %parallel_loop3A_328 = arith.constant 29 : i32
        %parallel_loop3A_329 = vector.broadcast %parallel_loop3A_328 : i32 to vector<16xi32>
        %parallel_loop3A_330 = tpu.vector_load_idx %arg6[%parallel_loop3A_329, %parallel_loop3A_316] : memref<32x2048xi32, #tpu.memory_space<vmem>>[vector<16xi32>, vector<16xi32>], vector<16xi32>,
        %parallel_loop3A_331 = vector.bitcast %parallel_loop3A_330 : vector<16xi32> to vector<32xbf16>
        %parallel_loop3A_332 = arith.mulf %parallel_loop3A_321, %parallel_loop3A_331 : vector<32xbf16>
        %parallel_loop3A_333 = arith.addf %parallel_loop3A_267, %parallel_loop3A_332 : vector<32xbf16>
        %parallel_loop3A_334 = arith.constant 30 : i32
        %parallel_loop3A_335 = vector.broadcast %parallel_loop3A_334 : i32 to vector<16xi32>
        %parallel_loop3A_336 = tpu.vector_load_idx %arg6[%parallel_loop3A_335, %parallel_loop3A_316] : memref<32x2048xi32, #tpu.memory_space<vmem>>[vector<16xi32>, vector<16xi32>], vector<16xi32>,
        %parallel_loop3A_337 = vector.bitcast %parallel_loop3A_336 : vector<16xi32> to vector<32xbf16>
        %parallel_loop3A_338 = arith.mulf %parallel_loop3A_321, %parallel_loop3A_337 : vector<32xbf16>
        %parallel_loop3A_339 = arith.addf %parallel_loop3A_273, %parallel_loop3A_338 : vector<32xbf16>
        %parallel_loop3A_340 = arith.constant 31 : i32
        %parallel_loop3A_341 = vector.broadcast %parallel_loop3A_340 : i32 to vector<16xi32>
        %parallel_loop3A_342 = tpu.vector_load_idx %arg6[%parallel_loop3A_341, %parallel_loop3A_316] : memref<32x2048xi32, #tpu.memory_space<vmem>>[vector<16xi32>, vector<16xi32>], vector<16xi32>,
        %parallel_loop3A_343 = vector.bitcast %parallel_loop3A_342 : vector<16xi32> to vector<32xbf16>
        %parallel_loop3A_344 = arith.mulf %parallel_loop3A_321, %parallel_loop3A_343 : vector<32xbf16>
        %parallel_loop3A_345 = arith.addf %parallel_loop3A_279, %parallel_loop3A_344 : vector<32xbf16>
        %parallel_loop3A_346 = arith.addf %parallel_loop3A_294, %parallel_loop3A_327 : vector<32xbf16>
        %parallel_loop3A_347 = tpu.unpack_subelements %parallel_loop3A_346, 0 {pack_format = #tpu.pack_format<interleaved>} : vector<32xbf16> -> vector<16xf32>
        %parallel_loop3A_348 = tpu.unpack_subelements %parallel_loop3A_346, 1 {pack_format = #tpu.pack_format<interleaved>} : vector<32xbf16> -> vector<16xf32>
        %parallel_loop3A_349 = arith.addf %parallel_loop3A_347, %parallel_loop3A_348 : vector<16xf32>
        %parallel_loop3A_350 = arith.constant 256 : i32
        %parallel_loop3A_351 = arith.divsi %parallel_loop3A_65, %parallel_loop3A_350 : i32
        %parallel_loop3A_352 = arith.constant 0 : i32
        %parallel_loop3A_353 = arith.cmpi sgt, %parallel_loop3A_65, %parallel_loop3A_352 : i32
        %parallel_loop3A_354 = arith.extui %parallel_loop3A_353 : i1 to i32
        %parallel_loop3A_355 = arith.constant 0 : i32
        %parallel_loop3A_356 = arith.cmpi slt, %parallel_loop3A_65, %parallel_loop3A_355 : i32
        %parallel_loop3A_357 = arith.extui %parallel_loop3A_356 : i1 to i32
        %parallel_loop3A_358 = arith.subi %parallel_loop3A_354, %parallel_loop3A_357 : i32
        %parallel_loop3A_359 = arith.constant 0 : i32
        %parallel_loop3A_360 = arith.cmpi sgt, %parallel_loop3A_350, %parallel_loop3A_359 : i32
        %parallel_loop3A_361 = arith.extui %parallel_loop3A_360 : i1 to i32
        %parallel_loop3A_362 = arith.constant 0 : i32
        %parallel_loop3A_363 = arith.cmpi slt, %parallel_loop3A_350, %parallel_loop3A_362 : i32
        %parallel_loop3A_364 = arith.extui %parallel_loop3A_363 : i1 to i32
        %parallel_loop3A_365 = arith.subi %parallel_loop3A_361, %parallel_loop3A_364 : i32
        %parallel_loop3A_366 = arith.cmpi ne, %parallel_loop3A_358, %parallel_loop3A_365 : i32
        %parallel_loop3A_367 = arith.remsi %parallel_loop3A_65, %parallel_loop3A_350 : i32
        %parallel_loop3A_368 = arith.constant 0 : i32
        %parallel_loop3A_369 = arith.cmpi ne, %parallel_loop3A_367, %parallel_loop3A_368 : i32
        %parallel_loop3A_370 = arith.andi %parallel_loop3A_366, %parallel_loop3A_369 : i1
        %parallel_loop3A_371 = arith.constant 1 : i32
        %parallel_loop3A_372 = arith.subi %parallel_loop3A_351, %parallel_loop3A_371 : i32
        %parallel_loop3A_373 = arith.select %parallel_loop3A_370, %parallel_loop3A_372, %parallel_loop3A_351 : i32
        %parallel_loop3A_374 = arith.constant 256 : i32
        %parallel_loop3A_375 = arith.constant 0 : i32
        %parallel_loop3A_376 = arith.cmpi eq, %parallel_loop3A_374, %parallel_loop3A_375 : i32
        %parallel_loop3A_377 = arith.constant 1 : i32
        %parallel_loop3A_378 = arith.select %parallel_loop3A_376, %parallel_loop3A_377, %parallel_loop3A_374 : i32
        %parallel_loop3A_379 = arith.remsi %parallel_loop3A_65, %parallel_loop3A_378 : i32
        %parallel_loop3A_380 = arith.constant 0 : i32
        %parallel_loop3A_381 = arith.cmpi ne, %parallel_loop3A_379, %parallel_loop3A_380 : i32
        %parallel_loop3A_382 = arith.constant 0 : i32
        %parallel_loop3A_383 = arith.cmpi slt, %parallel_loop3A_379, %parallel_loop3A_382 : i32
        %parallel_loop3A_384 = arith.constant 0 : i32
        %parallel_loop3A_385 = arith.cmpi slt, %parallel_loop3A_378, %parallel_loop3A_384 : i32
        %parallel_loop3A_386 = arith.xori %parallel_loop3A_383, %parallel_loop3A_385 : i1
        %parallel_loop3A_387 = arith.andi %parallel_loop3A_386, %parallel_loop3A_381 : i1
        %parallel_loop3A_388 = arith.addi %parallel_loop3A_379, %parallel_loop3A_378 : i32
        %parallel_loop3A_389 = arith.select %parallel_loop3A_387, %parallel_loop3A_388, %parallel_loop3A_379 : i32
        %parallel_loop3A_390 = arith.constant 0 : i32
        %parallel_loop3A_391 = arith.index_cast %parallel_loop3A_390 : i32 to index
        %parallel_loop3A_392 = arith.index_cast %parallel_loop3A_373 : i32 to index
        %parallel_loop3A_393 = arith.index_cast %parallel_loop3A_389 : i32 to index
        %parallel_loop3A_394 = tpu.vector_load %arg11[%parallel_loop3A_391, %parallel_loop3A_392, %parallel_loop3A_393] {strides = array<i32>} : memref<4x4x256xf32, #tpu.memory_space<vmem>>, vector<16xf32>,
        tpu.vector_store %arg11[%parallel_loop3A_391, %parallel_loop3A_392, %parallel_loop3A_393], %parallel_loop3A_349 {strides = array<i32>} : memref<4x4x256xf32, #tpu.memory_space<vmem>>, vector<16xf32>,
        %parallel_loop3A_395 = arith.addf %parallel_loop3A_300, %parallel_loop3A_333 : vector<32xbf16>
        %parallel_loop3A_396 = tpu.unpack_subelements %parallel_loop3A_395, 0 {pack_format = #tpu.pack_format<interleaved>} : vector<32xbf16> -> vector<16xf32>
        %parallel_loop3A_397 = tpu.unpack_subelements %parallel_loop3A_395, 1 {pack_format = #tpu.pack_format<interleaved>} : vector<32xbf16> -> vector<16xf32>
        %parallel_loop3A_398 = arith.addf %parallel_loop3A_396, %parallel_loop3A_397 : vector<16xf32>
        %parallel_loop3A_399 = arith.constant 256 : i32
        %parallel_loop3A_400 = arith.divsi %parallel_loop3A_65, %parallel_loop3A_399 : i32
        %parallel_loop3A_401 = arith.constant 0 : i32
        %parallel_loop3A_402 = arith.cmpi sgt, %parallel_loop3A_65, %parallel_loop3A_401 : i32
        %parallel_loop3A_403 = arith.extui %parallel_loop3A_402 : i1 to i32
        %parallel_loop3A_404 = arith.constant 0 : i32
        %parallel_loop3A_405 = arith.cmpi slt, %parallel_loop3A_65, %parallel_loop3A_404 : i32
        %parallel_loop3A_406 = arith.extui %parallel_loop3A_405 : i1 to i32
        %parallel_loop3A_407 = arith.subi %parallel_loop3A_403, %parallel_loop3A_406 : i32
        %parallel_loop3A_408 = arith.constant 0 : i32
        %parallel_loop3A_409 = arith.cmpi sgt, %parallel_loop3A_399, %parallel_loop3A_408 : i32
        %parallel_loop3A_410 = arith.extui %parallel_loop3A_409 : i1 to i32
        %parallel_loop3A_411 = arith.constant 0 : i32
        %parallel_loop3A_412 = arith.cmpi slt, %parallel_loop3A_399, %parallel_loop3A_411 : i32
        %parallel_loop3A_413 = arith.extui %parallel_loop3A_412 : i1 to i32
        %parallel_loop3A_414 = arith.subi %parallel_loop3A_410, %parallel_loop3A_413 : i32
        %parallel_loop3A_415 = arith.cmpi ne, %parallel_loop3A_407, %parallel_loop3A_414 : i32
        %parallel_loop3A_416 = arith.remsi %parallel_loop3A_65, %parallel_loop3A_399 : i32
        %parallel_loop3A_417 = arith.constant 0 : i32
        %parallel_loop3A_418 = arith.cmpi ne, %parallel_loop3A_416, %parallel_loop3A_417 : i32
        %parallel_loop3A_419 = arith.andi %parallel_loop3A_415, %parallel_loop3A_418 : i1
        %parallel_loop3A_420 = arith.constant 1 : i32
        %parallel_loop3A_421 = arith.subi %parallel_loop3A_400, %parallel_loop3A_420 : i32
        %parallel_loop3A_422 = arith.select %parallel_loop3A_419, %parallel_loop3A_421, %parallel_loop3A_400 : i32
        %parallel_loop3A_423 = arith.constant 256 : i32
        %parallel_loop3A_424 = arith.constant 0 : i32
        %parallel_loop3A_425 = arith.cmpi eq, %parallel_loop3A_423, %parallel_loop3A_424 : i32
        %parallel_loop3A_426 = arith.constant 1 : i32
        %parallel_loop3A_427 = arith.select %parallel_loop3A_425, %parallel_loop3A_426, %parallel_loop3A_423 : i32
        %parallel_loop3A_428 = arith.remsi %parallel_loop3A_65, %parallel_loop3A_427 : i32
        %parallel_loop3A_429 = arith.constant 0 : i32
        %parallel_loop3A_430 = arith.cmpi ne, %parallel_loop3A_428, %parallel_loop3A_429 : i32
        %parallel_loop3A_431 = arith.constant 0 : i32
        %parallel_loop3A_432 = arith.cmpi slt, %parallel_loop3A_428, %parallel_loop3A_431 : i32
        %parallel_loop3A_433 = arith.constant 0 : i32
        %parallel_loop3A_434 = arith.cmpi slt, %parallel_loop3A_427, %parallel_loop3A_433 : i32
        %parallel_loop3A_435 = arith.xori %parallel_loop3A_432, %parallel_loop3A_434 : i1
        %parallel_loop3A_436 = arith.andi %parallel_loop3A_435, %parallel_loop3A_430 : i1
        %parallel_loop3A_437 = arith.addi %parallel_loop3A_428, %parallel_loop3A_427 : i32
        %parallel_loop3A_438 = arith.select %parallel_loop3A_436, %parallel_loop3A_437, %parallel_loop3A_428 : i32
        %parallel_loop3A_439 = arith.constant 1 : i32
        %parallel_loop3A_440 = arith.index_cast %parallel_loop3A_439 : i32 to index
        %parallel_loop3A_441 = arith.index_cast %parallel_loop3A_422 : i32 to index
        %parallel_loop3A_442 = arith.index_cast %parallel_loop3A_438 : i32 to index
        %parallel_loop3A_443 = tpu.vector_load %arg11[%parallel_loop3A_440, %parallel_loop3A_441, %parallel_loop3A_442] {strides = array<i32>} : memref<4x4x256xf32, #tpu.memory_space<vmem>>, vector<16xf32>,
        tpu.vector_store %arg11[%parallel_loop3A_440, %parallel_loop3A_441, %parallel_loop3A_442], %parallel_loop3A_398 {strides = array<i32>} : memref<4x4x256xf32, #tpu.memory_space<vmem>>, vector<16xf32>,
        %parallel_loop3A_444 = arith.addf %parallel_loop3A_306, %parallel_loop3A_339 : vector<32xbf16>
        %parallel_loop3A_445 = tpu.unpack_subelements %parallel_loop3A_444, 0 {pack_format = #tpu.pack_format<interleaved>} : vector<32xbf16> -> vector<16xf32>
        %parallel_loop3A_446 = tpu.unpack_subelements %parallel_loop3A_444, 1 {pack_format = #tpu.pack_format<interleaved>} : vector<32xbf16> -> vector<16xf32>
        %parallel_loop3A_447 = arith.addf %parallel_loop3A_445, %parallel_loop3A_446 : vector<16xf32>
        %parallel_loop3A_448 = arith.constant 256 : i32
        %parallel_loop3A_449 = arith.divsi %parallel_loop3A_65, %parallel_loop3A_448 : i32
        %parallel_loop3A_450 = arith.constant 0 : i32
        %parallel_loop3A_451 = arith.cmpi sgt, %parallel_loop3A_65, %parallel_loop3A_450 : i32
        %parallel_loop3A_452 = arith.extui %parallel_loop3A_451 : i1 to i32
        %parallel_loop3A_453 = arith.constant 0 : i32
        %parallel_loop3A_454 = arith.cmpi slt, %parallel_loop3A_65, %parallel_loop3A_453 : i32
        %parallel_loop3A_455 = arith.extui %parallel_loop3A_454 : i1 to i32
        %parallel_loop3A_456 = arith.subi %parallel_loop3A_452, %parallel_loop3A_455 : i32
        %parallel_loop3A_457 = arith.constant 0 : i32
        %parallel_loop3A_458 = arith.cmpi sgt, %parallel_loop3A_448, %parallel_loop3A_457 : i32
        %parallel_loop3A_459 = arith.extui %parallel_loop3A_458 : i1 to i32
        %parallel_loop3A_460 = arith.constant 0 : i32
        %parallel_loop3A_461 = arith.cmpi slt, %parallel_loop3A_448, %parallel_loop3A_460 : i32
        %parallel_loop3A_462 = arith.extui %parallel_loop3A_461 : i1 to i32
        %parallel_loop3A_463 = arith.subi %parallel_loop3A_459, %parallel_loop3A_462 : i32
        %parallel_loop3A_464 = arith.cmpi ne, %parallel_loop3A_456, %parallel_loop3A_463 : i32
        %parallel_loop3A_465 = arith.remsi %parallel_loop3A_65, %parallel_loop3A_448 : i32
        %parallel_loop3A_466 = arith.constant 0 : i32
        %parallel_loop3A_467 = arith.cmpi ne, %parallel_loop3A_465, %parallel_loop3A_466 : i32
        %parallel_loop3A_468 = arith.andi %parallel_loop3A_464, %parallel_loop3A_467 : i1
        %parallel_loop3A_469 = arith.constant 1 : i32
        %parallel_loop3A_470 = arith.subi %parallel_loop3A_449, %parallel_loop3A_469 : i32
        %parallel_loop3A_471 = arith.select %parallel_loop3A_468, %parallel_loop3A_470, %parallel_loop3A_449 : i32
        %parallel_loop3A_472 = arith.constant 256 : i32
        %parallel_loop3A_473 = arith.constant 0 : i32
        %parallel_loop3A_474 = arith.cmpi eq, %parallel_loop3A_472, %parallel_loop3A_473 : i32
        %parallel_loop3A_475 = arith.constant 1 : i32
        %parallel_loop3A_476 = arith.select %parallel_loop3A_474, %parallel_loop3A_475, %parallel_loop3A_472 : i32
        %parallel_loop3A_477 = arith.remsi %parallel_loop3A_65, %parallel_loop3A_476 : i32
        %parallel_loop3A_478 = arith.constant 0 : i32
        %parallel_loop3A_479 = arith.cmpi ne, %parallel_loop3A_477, %parallel_loop3A_478 : i32
        %parallel_loop3A_480 = arith.constant 0 : i32
        %parallel_loop3A_481 = arith.cmpi slt, %parallel_loop3A_477, %parallel_loop3A_480 : i32
        %parallel_loop3A_482 = arith.constant 0 : i32
        %parallel_loop3A_483 = arith.cmpi slt, %parallel_loop3A_476, %parallel_loop3A_482 : i32
        %parallel_loop3A_484 = arith.xori %parallel_loop3A_481, %parallel_loop3A_483 : i1
        %parallel_loop3A_485 = arith.andi %parallel_loop3A_484, %parallel_loop3A_479 : i1
        %parallel_loop3A_486 = arith.addi %parallel_loop3A_477, %parallel_loop3A_476 : i32
        %parallel_loop3A_487 = arith.select %parallel_loop3A_485, %parallel_loop3A_486, %parallel_loop3A_477 : i32
        %parallel_loop3A_488 = arith.constant 2 : i32
        %parallel_loop3A_489 = arith.index_cast %parallel_loop3A_488 : i32 to index
        %parallel_loop3A_490 = arith.index_cast %parallel_loop3A_471 : i32 to index
        %parallel_loop3A_491 = arith.index_cast %parallel_loop3A_487 : i32 to index
        %parallel_loop3A_492 = tpu.vector_load %arg11[%parallel_loop3A_489, %parallel_loop3A_490, %parallel_loop3A_491] {strides = array<i32>} : memref<4x4x256xf32, #tpu.memory_space<vmem>>, vector<16xf32>,
        tpu.vector_store %arg11[%parallel_loop3A_489, %parallel_loop3A_490, %parallel_loop3A_491], %parallel_loop3A_447 {strides = array<i32>} : memref<4x4x256xf32, #tpu.memory_space<vmem>>, vector<16xf32>,
        %parallel_loop3A_493 = arith.addf %parallel_loop3A_312, %parallel_loop3A_345 : vector<32xbf16>
        %parallel_loop3A_494 = tpu.unpack_subelements %parallel_loop3A_493, 0 {pack_format = #tpu.pack_format<interleaved>} : vector<32xbf16> -> vector<16xf32>
        %parallel_loop3A_495 = tpu.unpack_subelements %parallel_loop3A_493, 1 {pack_format = #tpu.pack_format<interleaved>} : vector<32xbf16> -> vector<16xf32>
        %parallel_loop3A_496 = arith.addf %parallel_loop3A_494, %parallel_loop3A_495 : vector<16xf32>
        %parallel_loop3A_497 = arith.constant 256 : i32
        %parallel_loop3A_498 = arith.divsi %parallel_loop3A_65, %parallel_loop3A_497 : i32
        %parallel_loop3A_499 = arith.constant 0 : i32
        %parallel_loop3A_500 = arith.cmpi sgt, %parallel_loop3A_65, %parallel_loop3A_499 : i32
        %parallel_loop3A_501 = arith.extui %parallel_loop3A_500 : i1 to i32
        %parallel_loop3A_502 = arith.constant 0 : i32
        %parallel_loop3A_503 = arith.cmpi slt, %parallel_loop3A_65, %parallel_loop3A_502 : i32
        %parallel_loop3A_504 = arith.extui %parallel_loop3A_503 : i1 to i32
        %parallel_loop3A_505 = arith.subi %parallel_loop3A_501, %parallel_loop3A_504 : i32
        %parallel_loop3A_506 = arith.constant 0 : i32
        %parallel_loop3A_507 = arith.cmpi sgt, %parallel_loop3A_497, %parallel_loop3A_506 : i32
        %parallel_loop3A_508 = arith.extui %parallel_loop3A_507 : i1 to i32
        %parallel_loop3A_509 = arith.constant 0 : i32
        %parallel_loop3A_510 = arith.cmpi slt, %parallel_loop3A_497, %parallel_loop3A_509 : i32
        %parallel_loop3A_511 = arith.extui %parallel_loop3A_510 : i1 to i32
        %parallel_loop3A_512 = arith.subi %parallel_loop3A_508, %parallel_loop3A_511 : i32
        %parallel_loop3A_513 = arith.cmpi ne, %parallel_loop3A_505, %parallel_loop3A_512 : i32
        %parallel_loop3A_514 = arith.remsi %parallel_loop3A_65, %parallel_loop3A_497 : i32
        %parallel_loop3A_515 = arith.constant 0 : i32
        %parallel_loop3A_516 = arith.cmpi ne, %parallel_loop3A_514, %parallel_loop3A_515 : i32
        %parallel_loop3A_517 = arith.andi %parallel_loop3A_513, %parallel_loop3A_516 : i1
        %parallel_loop3A_518 = arith.constant 1 : i32
        %parallel_loop3A_519 = arith.subi %parallel_loop3A_498, %parallel_loop3A_518 : i32
        %parallel_loop3A_520 = arith.select %parallel_loop3A_517, %parallel_loop3A_519, %parallel_loop3A_498 : i32
        %parallel_loop3A_521 = arith.constant 256 : i32
        %parallel_loop3A_522 = arith.constant 0 : i32
        %parallel_loop3A_523 = arith.cmpi eq, %parallel_loop3A_521, %parallel_loop3A_522 : i32
        %parallel_loop3A_524 = arith.constant 1 : i32
        %parallel_loop3A_525 = arith.select %parallel_loop3A_523, %parallel_loop3A_524, %parallel_loop3A_521 : i32
        %parallel_loop3A_526 = arith.remsi %parallel_loop3A_65, %parallel_loop3A_525 : i32
        %parallel_loop3A_527 = arith.constant 0 : i32
        %parallel_loop3A_528 = arith.cmpi ne, %parallel_loop3A_526, %parallel_loop3A_527 : i32
        %parallel_loop3A_529 = arith.constant 0 : i32
        %parallel_loop3A_530 = arith.cmpi slt, %parallel_loop3A_526, %parallel_loop3A_529 : i32
        %parallel_loop3A_531 = arith.constant 0 : i32
        %parallel_loop3A_532 = arith.cmpi slt, %parallel_loop3A_525, %parallel_loop3A_531 : i32
        %parallel_loop3A_533 = arith.xori %parallel_loop3A_530, %parallel_loop3A_532 : i1
        %parallel_loop3A_534 = arith.andi %parallel_loop3A_533, %parallel_loop3A_528 : i1
        %parallel_loop3A_535 = arith.addi %parallel_loop3A_526, %parallel_loop3A_525 : i32
        %parallel_loop3A_536 = arith.select %parallel_loop3A_534, %parallel_loop3A_535, %parallel_loop3A_526 : i32
        %parallel_loop3A_537 = arith.constant 3 : i32
        %parallel_loop3A_538 = arith.index_cast %parallel_loop3A_537 : i32 to index
        %parallel_loop3A_539 = arith.index_cast %parallel_loop3A_520 : i32 to index
        %parallel_loop3A_540 = arith.index_cast %parallel_loop3A_536 : i32 to index
        %parallel_loop3A_541 = tpu.vector_load %arg11[%parallel_loop3A_538, %parallel_loop3A_539, %parallel_loop3A_540] {strides = array<i32>} : memref<4x4x256xf32, #tpu.memory_space<vmem>>, vector<16xf32>,
        tpu.vector_store %arg11[%parallel_loop3A_538, %parallel_loop3A_539, %parallel_loop3A_540], %parallel_loop3A_496 {strides = array<i32>} : memref<4x4x256xf32, #tpu.memory_space<vmem>>, vector<16xf32>,
      } {sc.loop_unroll_factor = 2 : i64, sc.parallel_access}
      %mul3A_40 = arith.constant 4 : i32
      %mul3A_41 = arith.muli %mul3A_18, %mul3A_40 : i32
      "tpu.region"() ({
        %run_scoped3A = tpu.sem_alloc : memref<!tpu.dma_semaphore, #tpu.memory_space<semaphore_mem>>
        %dma_start3A_63 = arith.constant 0 : i32
        %dma_start3A_64 = arith.constant 0 : i32
        %dma_start3A_65 = tpu.memref_slice %arg5[%arg1, %dma_start3A_63, %arg0, %mul3A_41, %dma_start3A_64] : memref<16x4x2x128x256xf32, #tpu.memory_space<hbm>> -> memref<1x4x1x4x256xf32, #tpu.memory_space<hbm>>
        %dma_start3A_66 = tpu.memref_squeeze %dma_start3A_65 : memref<1x4x1x4x256xf32, #tpu.memory_space<hbm>> -> memref<4x4x256xf32, #tpu.memory_space<hbm>>
        %dma_start3A_67 = arith.constant 0 : i32
        %dma_start3A_68 = arith.constant 0 : i32
        %dma_start3A_69 = tpu.memref_slice %arg5[%arg1, %dma_start3A_67, %arg0, %mul3A_41, %dma_start3A_68] : memref<16x4x2x128x256xf32, #tpu.memory_space<hbm>> -> memref<1x4x1x4x256xf32, #tpu.memory_space<hbm>>
        %dma_start3A_70 = tpu.memref_squeeze %dma_start3A_69 : memref<1x4x1x4x256xf32, #tpu.memory_space<hbm>> -> memref<4x4x256xf32, #tpu.memory_space<hbm>>
        tpu.enqueue_dma source(%arg11 : memref<4x4x256xf32, #tpu.memory_space<vmem>>) target(%dma_start3A_70 : memref<4x4x256xf32, #tpu.memory_space<hbm>>) target_semaphore(%run_scoped3A : memref<!tpu.dma_semaphore, #tpu.memory_space<semaphore_mem>>)
        %dma_wait3A_71 = arith.constant 0 : i32
        %dma_wait3A_72 = arith.constant 0 : i32
        %dma_wait3A_73 = tpu.memref_slice %arg5[%arg1, %dma_wait3A_71, %arg0, %mul3A_41, %dma_wait3A_72] : memref<16x4x2x128x256xf32, #tpu.memory_space<hbm>> -> memref<1x4x1x4x256xf32, #tpu.memory_space<hbm>>
        %dma_wait3A_74 = tpu.memref_squeeze %dma_wait3A_73 : memref<1x4x1x4x256xf32, #tpu.memory_space<hbm>> -> memref<4x4x256xf32, #tpu.memory_space<hbm>>
        %dma_wait3A_75 = arith.constant 0 : i32
        %dma_wait3A_76 = arith.constant 0 : i32
        %dma_wait3A_77 = tpu.memref_slice %arg5[%arg1, %dma_wait3A_75, %arg0, %mul3A_41, %dma_wait3A_76] : memref<16x4x2x128x256xf32, #tpu.memory_space<hbm>> -> memref<1x4x1x4x256xf32, #tpu.memory_space<hbm>>
        %dma_wait3A_78 = tpu.memref_squeeze %dma_wait3A_77 : memref<1x4x1x4x256xf32, #tpu.memory_space<hbm>> -> memref<4x4x256xf32, #tpu.memory_space<hbm>>
        tpu.wait_dma2 semaphore(%run_scoped3A : memref<!tpu.dma_semaphore, #tpu.memory_space<semaphore_mem>>) src(%arg11 : memref<4x4x256xf32, #tpu.memory_space<vmem>>) dst(%dma_wait3A_78 : memref<4x4x256xf32, #tpu.memory_space<hbm>>)
        tpu.yield
      }) : () -> ()
      %lt3A = arith.constant 15 : i32
      %lt3A_42 = arith.cmpi slt, %scan3A_15, %lt3A : i32
      %convert_element_type3A = arith.extui %lt3A_42 : i1 to i32
      %cond3A = arith.constant 0 : i32
      %cond3A_43 = arith.cmpi ne, %convert_element_type3A, %cond3A : i32
      scf.if %cond3A_43 {
        %add3A_63 = arith.constant 2 : i32
        %add3A_64 = arith.addi %mul3A_18, %add3A_63 : i32
        %mul3A_65 = arith.constant 32768 : i32
        %mul3A_66 = arith.muli %arg0, %mul3A_65 : i32
        %mul3A_67 = arith.constant 1024 : i32
        %mul3A_68 = arith.muli %add3A_64, %mul3A_67 : i32
        %add3A_69 = arith.addi %mul3A_66, %mul3A_68 : i32
        %dma_start3A_70 = tpu.memref_slice %arg3[%mul3A_0, %add3A_69] : memref<128x65536xi32, #tpu.memory_space<hbm>> -> memref<8x1024xi32, #tpu.memory_space<hbm>>
        %dma_start3A_71 = tpu.memref_slice %arg3[%mul3A_0, %add3A_69] : memref<128x65536xi32, #tpu.memory_space<hbm>> -> memref<8x1024xi32, #tpu.memory_space<hbm>>
        tpu.enqueue_dma source(%dma_start3A_71 : memref<8x1024xi32, #tpu.memory_space<hbm>>) target(%arg7 : memref<8x1024xi32, #tpu.memory_space<vmem>>) target_semaphore(%arg12 : memref<!tpu.dma_semaphore, #tpu.memory_space<semaphore_mem>>)
        %dma_start3A_72 = tpu.memref_slice %arg4[%mul3A_0, %add3A_69] : memref<128x65536xi32, #tpu.memory_space<hbm>> -> memref<8x1024xi32, #tpu.memory_space<hbm>>
        %dma_start3A_73 = tpu.memref_slice %arg4[%mul3A_0, %add3A_69] : memref<128x65536xi32, #tpu.memory_space<hbm>> -> memref<8x1024xi32, #tpu.memory_space<hbm>>
        tpu.enqueue_dma source(%dma_start3A_73 : memref<8x1024xi32, #tpu.memory_space<hbm>>) target(%arg8 : memref<8x1024xi32, #tpu.memory_space<vmem>>) target_semaphore(%arg12 : memref<!tpu.dma_semaphore, #tpu.memory_space<semaphore_mem>>)
      } else {
      }
      %add3A_44 = arith.constant 1 : i32
      %add3A_45 = arith.addi %mul3A_18, %add3A_44 : i32
      %mul3A_46 = arith.constant 32768 : i32
      %mul3A_47 = arith.muli %arg0, %mul3A_46 : i32
      %mul3A_48 = arith.constant 1024 : i32
      %mul3A_49 = arith.muli %add3A_45, %mul3A_48 : i32
      %add3A_50 = arith.addi %mul3A_47, %mul3A_49 : i32
      %dma_wait3A_51 = tpu.memref_slice %arg3[%mul3A_0, %add3A_50] : memref<128x65536xi32, #tpu.memory_space<hbm>> -> memref<8x1024xi32, #tpu.memory_space<hbm>>
      %dma_wait3A_52 = tpu.memref_slice %arg3[%mul3A_0, %add3A_50] : memref<128x65536xi32, #tpu.memory_space<hbm>> -> memref<8x1024xi32, #tpu.memory_space<hbm>>
      tpu.wait_dma2 semaphore(%arg13 : memref<!tpu.dma_semaphore, #tpu.memory_space<semaphore_mem>>) src(%dma_wait3A_52 : memref<8x1024xi32, #tpu.memory_space<hbm>>) dst(%arg9 : memref<8x1024xi32, #tpu.memory_space<vmem>>)
      %dma_wait3A_53 = tpu.memref_slice %arg4[%mul3A_0, %add3A_50] : memref<128x65536xi32, #tpu.memory_space<hbm>> -> memref<8x1024xi32, #tpu.memory_space<hbm>>
      %dma_wait3A_54 = tpu.memref_slice %arg4[%mul3A_0, %add3A_50] : memref<128x65536xi32, #tpu.memory_space<hbm>> -> memref<8x1024xi32, #tpu.memory_space<hbm>>
      tpu.wait_dma2 semaphore(%arg13 : memref<!tpu.dma_semaphore, #tpu.memory_space<semaphore_mem>>) src(%dma_wait3A_54 : memref<8x1024xi32, #tpu.memory_space<hbm>>) dst(%arg10 : memref<8x1024xi32, #tpu.memory_space<vmem>>)
      %add3A_55 = arith.constant 1 : i32
      %add3A_56 = arith.addi %mul3A_18, %add3A_55 : i32
      %parallel_loop3A_57 = arith.constant 0 : i32
      %parallel_loop3A_58 = arith.constant 64 : i32
      %parallel_loop3A_59 = arith.constant 1 : i32
      scf.for %parallel_loop3A_63 = %parallel_loop3A_57 to %parallel_loop3A_58 step %parallel_loop3A_59  : i32 {
        %parallel_loop3A_64 = arith.constant 16 : i32
        %parallel_loop3A_65 = arith.muli %parallel_loop3A_63, %parallel_loop3A_64 : i32
        %parallel_loop3A_66 = arith.constant 0.000000e+00 : bf16
        %parallel_loop3A_67 = vector.broadcast %parallel_loop3A_66 : bf16 to vector<32xbf16>
        %parallel_loop3A_68 = arith.constant 0.000000e+00 : bf16
        %parallel_loop3A_69 = vector.broadcast %parallel_loop3A_68 : bf16 to vector<32xbf16>
        %parallel_loop3A_70 = arith.constant 0.000000e+00 : bf16
        %parallel_loop3A_71 = vector.broadcast %parallel_loop3A_70 : bf16 to vector<32xbf16>
        %parallel_loop3A_72 = arith.constant 0.000000e+00 : bf16
        %parallel_loop3A_73 = vector.broadcast %parallel_loop3A_72 : bf16 to vector<32xbf16>
        %parallel_loop3A_74 = arith.constant 0.000000e+00 : bf16
        %parallel_loop3A_75 = vector.broadcast %parallel_loop3A_74 : bf16 to vector<32xbf16>
        %parallel_loop3A_76 = arith.constant 0.000000e+00 : bf16
        %parallel_loop3A_77 = vector.broadcast %parallel_loop3A_76 : bf16 to vector<32xbf16>
        %parallel_loop3A_78 = arith.constant 0.000000e+00 : bf16
        %parallel_loop3A_79 = vector.broadcast %parallel_loop3A_78 : bf16 to vector<32xbf16>
        %parallel_loop3A_80 = arith.constant 0.000000e+00 : bf16
        %parallel_loop3A_81 = vector.broadcast %parallel_loop3A_80 : bf16 to vector<32xbf16>
        %parallel_loop3A_82 = arith.constant 0 : i32
        %parallel_loop3A_83 = arith.index_cast %parallel_loop3A_82 : i32 to index
        %parallel_loop3A_84 = arith.index_cast %parallel_loop3A_65 : i32 to index
        %parallel_loop3A_85 = tpu.vector_load %arg9[%parallel_loop3A_83, %parallel_loop3A_84] {strides = array<i32>} : memref<8x1024xi32, #tpu.memory_space<vmem>>, vector<16xi32>,
        %parallel_loop3A_86 = arith.constant 0 : i32
        %parallel_loop3A_87 = arith.index_cast %parallel_loop3A_86 : i32 to index
        %parallel_loop3A_88 = arith.index_cast %parallel_loop3A_65 : i32 to index
        %parallel_loop3A_89 = tpu.vector_load %arg10[%parallel_loop3A_87, %parallel_loop3A_88] {strides = array<i32>} : memref<8x1024xi32, #tpu.memory_space<vmem>>, vector<16xi32>,
        %parallel_loop3A_90 = vector.bitcast %parallel_loop3A_89 : vector<16xi32> to vector<32xbf16>
        %parallel_loop3A_91 = arith.constant 0 : i32
        %parallel_loop3A_92 = vector.broadcast %parallel_loop3A_91 : i32 to vector<16xi32>
        %parallel_loop3A_93 = tpu.vector_load_idx %arg6[%parallel_loop3A_92, %parallel_loop3A_85] : memref<32x2048xi32, #tpu.memory_space<vmem>>[vector<16xi32>, vector<16xi32>], vector<16xi32>,
        %parallel_loop3A_94 = vector.bitcast %parallel_loop3A_93 : vector<16xi32> to vector<32xbf16>
        %parallel_loop3A_95 = arith.mulf %parallel_loop3A_90, %parallel_loop3A_94 : vector<32xbf16>
        %parallel_loop3A_96 = arith.addf %parallel_loop3A_67, %parallel_loop3A_95 : vector<32xbf16>
        %parallel_loop3A_97 = arith.constant 1 : i32
        %parallel_loop3A_98 = vector.broadcast %parallel_loop3A_97 : i32 to vector<16xi32>
        %parallel_loop3A_99 = tpu.vector_load_idx %arg6[%parallel_loop3A_98, %parallel_loop3A_85] : memref<32x2048xi32, #tpu.memory_space<vmem>>[vector<16xi32>, vector<16xi32>], vector<16xi32>,
        %parallel_loop3A_100 = vector.bitcast %parallel_loop3A_99 : vector<16xi32> to vector<32xbf16>
        %parallel_loop3A_101 = arith.mulf %parallel_loop3A_90, %parallel_loop3A_100 : vector<32xbf16>
        %parallel_loop3A_102 = arith.addf %parallel_loop3A_71, %parallel_loop3A_101 : vector<32xbf16>
        %parallel_loop3A_103 = arith.constant 2 : i32
        %parallel_loop3A_104 = vector.broadcast %parallel_loop3A_103 : i32 to vector<16xi32>
        %parallel_loop3A_105 = tpu.vector_load_idx %arg6[%parallel_loop3A_104, %parallel_loop3A_85] : memref<32x2048xi32, #tpu.memory_space<vmem>>[vector<16xi32>, vector<16xi32>], vector<16xi32>,
        %parallel_loop3A_106 = vector.bitcast %parallel_loop3A_105 : vector<16xi32> to vector<32xbf16>
        %parallel_loop3A_107 = arith.mulf %parallel_loop3A_90, %parallel_loop3A_106 : vector<32xbf16>
        %parallel_loop3A_108 = arith.addf %parallel_loop3A_75, %parallel_loop3A_107 : vector<32xbf16>
        %parallel_loop3A_109 = arith.constant 3 : i32
        %parallel_loop3A_110 = vector.broadcast %parallel_loop3A_109 : i32 to vector<16xi32>
        %parallel_loop3A_111 = tpu.vector_load_idx %arg6[%parallel_loop3A_110, %parallel_loop3A_85] : memref<32x2048xi32, #tpu.memory_space<vmem>>[vector<16xi32>, vector<16xi32>], vector<16xi32>,
        %parallel_loop3A_112 = vector.bitcast %parallel_loop3A_111 : vector<16xi32> to vector<32xbf16>
        %parallel_loop3A_113 = arith.mulf %parallel_loop3A_90, %parallel_loop3A_112 : vector<32xbf16>
        %parallel_loop3A_114 = arith.addf %parallel_loop3A_79, %parallel_loop3A_113 : vector<32xbf16>
        %parallel_loop3A_115 = arith.constant 1 : i32
        %parallel_loop3A_116 = arith.index_cast %parallel_loop3A_115 : i32 to index
        %parallel_loop3A_117 = arith.index_cast %parallel_loop3A_65 : i32 to index
        %parallel_loop3A_118 = tpu.vector_load %arg9[%parallel_loop3A_116, %parallel_loop3A_117] {strides = array<i32>} : memref<8x1024xi32, #tpu.memory_space<vmem>>, vector<16xi32>,
        %parallel_loop3A_119 = arith.constant 1 : i32
        %parallel_loop3A_120 = arith.index_cast %parallel_loop3A_119 : i32 to index
        %parallel_loop3A_121 = arith.index_cast %parallel_loop3A_65 : i32 to index
        %parallel_loop3A_122 = tpu.vector_load %arg10[%parallel_loop3A_120, %parallel_loop3A_121] {strides = array<i32>} : memref<8x1024xi32, #tpu.memory_space<vmem>>, vector<16xi32>,
        %parallel_loop3A_123 = vector.bitcast %parallel_loop3A_122 : vector<16xi32> to vector<32xbf16>
        %parallel_loop3A_124 = arith.constant 4 : i32
        %parallel_loop3A_125 = vector.broadcast %parallel_loop3A_124 : i32 to vector<16xi32>
        %parallel_loop3A_126 = tpu.vector_load_idx %arg6[%parallel_loop3A_125, %parallel_loop3A_118] : memref<32x2048xi32, #tpu.memory_space<vmem>>[vector<16xi32>, vector<16xi32>], vector<16xi32>,
        %parallel_loop3A_127 = vector.bitcast %parallel_loop3A_126 : vector<16xi32> to vector<32xbf16>
        %parallel_loop3A_128 = arith.mulf %parallel_loop3A_123, %parallel_loop3A_127 : vector<32xbf16>
        %parallel_loop3A_129 = arith.addf %parallel_loop3A_69, %parallel_loop3A_128 : vector<32xbf16>
        %parallel_loop3A_130 = arith.constant 5 : i32
        %parallel_loop3A_131 = vector.broadcast %parallel_loop3A_130 : i32 to vector<16xi32>
        %parallel_loop3A_132 = tpu.vector_load_idx %arg6[%parallel_loop3A_131, %parallel_loop3A_118] : memref<32x2048xi32, #tpu.memory_space<vmem>>[vector<16xi32>, vector<16xi32>], vector<16xi32>,
        %parallel_loop3A_133 = vector.bitcast %parallel_loop3A_132 : vector<16xi32> to vector<32xbf16>
        %parallel_loop3A_134 = arith.mulf %parallel_loop3A_123, %parallel_loop3A_133 : vector<32xbf16>
        %parallel_loop3A_135 = arith.addf %parallel_loop3A_73, %parallel_loop3A_134 : vector<32xbf16>
        %parallel_loop3A_136 = arith.constant 6 : i32
        %parallel_loop3A_137 = vector.broadcast %parallel_loop3A_136 : i32 to vector<16xi32>
        %parallel_loop3A_138 = tpu.vector_load_idx %arg6[%parallel_loop3A_137, %parallel_loop3A_118] : memref<32x2048xi32, #tpu.memory_space<vmem>>[vector<16xi32>, vector<16xi32>], vector<16xi32>,
        %parallel_loop3A_139 = vector.bitcast %parallel_loop3A_138 : vector<16xi32> to vector<32xbf16>
        %parallel_loop3A_140 = arith.mulf %parallel_loop3A_123, %parallel_loop3A_139 : vector<32xbf16>
        %parallel_loop3A_141 = arith.addf %parallel_loop3A_77, %parallel_loop3A_140 : vector<32xbf16>
        %parallel_loop3A_142 = arith.constant 7 : i32
        %parallel_loop3A_143 = vector.broadcast %parallel_loop3A_142 : i32 to vector<16xi32>
        %parallel_loop3A_144 = tpu.vector_load_idx %arg6[%parallel_loop3A_143, %parallel_loop3A_118] : memref<32x2048xi32, #tpu.memory_space<vmem>>[vector<16xi32>, vector<16xi32>], vector<16xi32>,
        %parallel_loop3A_145 = vector.bitcast %parallel_loop3A_144 : vector<16xi32> to vector<32xbf16>
        %parallel_loop3A_146 = arith.mulf %parallel_loop3A_123, %parallel_loop3A_145 : vector<32xbf16>
        %parallel_loop3A_147 = arith.addf %parallel_loop3A_81, %parallel_loop3A_146 : vector<32xbf16>
        %parallel_loop3A_148 = arith.constant 2 : i32
        %parallel_loop3A_149 = arith.index_cast %parallel_loop3A_148 : i32 to index
        %parallel_loop3A_150 = arith.index_cast %parallel_loop3A_65 : i32 to index
        %parallel_loop3A_151 = tpu.vector_load %arg9[%parallel_loop3A_149, %parallel_loop3A_150] {strides = array<i32>} : memref<8x1024xi32, #tpu.memory_space<vmem>>, vector<16xi32>,
        %parallel_loop3A_152 = arith.constant 2 : i32
        %parallel_loop3A_153 = arith.index_cast %parallel_loop3A_152 : i32 to index
        %parallel_loop3A_154 = arith.index_cast %parallel_loop3A_65 : i32 to index
        %parallel_loop3A_155 = tpu.vector_load %arg10[%parallel_loop3A_153, %parallel_loop3A_154] {strides = array<i32>} : memref<8x1024xi32, #tpu.memory_space<vmem>>, vector<16xi32>,
        %parallel_loop3A_156 = vector.bitcast %parallel_loop3A_155 : vector<16xi32> to vector<32xbf16>
        %parallel_loop3A_157 = arith.constant 8 : i32
        %parallel_loop3A_158 = vector.broadcast %parallel_loop3A_157 : i32 to vector<16xi32>
        %parallel_loop3A_159 = tpu.vector_load_idx %arg6[%parallel_loop3A_158, %parallel_loop3A_151] : memref<32x2048xi32, #tpu.memory_space<vmem>>[vector<16xi32>, vector<16xi32>], vector<16xi32>,
        %parallel_loop3A_160 = vector.bitcast %parallel_loop3A_159 : vector<16xi32> to vector<32xbf16>
        %parallel_loop3A_161 = arith.mulf %parallel_loop3A_156, %parallel_loop3A_160 : vector<32xbf16>
        %parallel_loop3A_162 = arith.addf %parallel_loop3A_96, %parallel_loop3A_161 : vector<32xbf16>
        %parallel_loop3A_163 = arith.constant 9 : i32
        %parallel_loop3A_164 = vector.broadcast %parallel_loop3A_163 : i32 to vector<16xi32>
        %parallel_loop3A_165 = tpu.vector_load_idx %arg6[%parallel_loop3A_164, %parallel_loop3A_151] : memref<32x2048xi32, #tpu.memory_space<vmem>>[vector<16xi32>, vector<16xi32>], vector<16xi32>,
        %parallel_loop3A_166 = vector.bitcast %parallel_loop3A_165 : vector<16xi32> to vector<32xbf16>
        %parallel_loop3A_167 = arith.mulf %parallel_loop3A_156, %parallel_loop3A_166 : vector<32xbf16>
        %parallel_loop3A_168 = arith.addf %parallel_loop3A_102, %parallel_loop3A_167 : vector<32xbf16>
        %parallel_loop3A_169 = arith.constant 10 : i32
        %parallel_loop3A_170 = vector.broadcast %parallel_loop3A_169 : i32 to vector<16xi32>
        %parallel_loop3A_171 = tpu.vector_load_idx %arg6[%parallel_loop3A_170, %parallel_loop3A_151] : memref<32x2048xi32, #tpu.memory_space<vmem>>[vector<16xi32>, vector<16xi32>], vector<16xi32>,
        %parallel_loop3A_172 = vector.bitcast %parallel_loop3A_171 : vector<16xi32> to vector<32xbf16>
        %parallel_loop3A_173 = arith.mulf %parallel_loop3A_156, %parallel_loop3A_172 : vector<32xbf16>
        %parallel_loop3A_174 = arith.addf %parallel_loop3A_108, %parallel_loop3A_173 : vector<32xbf16>
        %parallel_loop3A_175 = arith.constant 11 : i32
        %parallel_loop3A_176 = vector.broadcast %parallel_loop3A_175 : i32 to vector<16xi32>
        %parallel_loop3A_177 = tpu.vector_load_idx %arg6[%parallel_loop3A_176, %parallel_loop3A_151] : memref<32x2048xi32, #tpu.memory_space<vmem>>[vector<16xi32>, vector<16xi32>], vector<16xi32>,
        %parallel_loop3A_178 = vector.bitcast %parallel_loop3A_177 : vector<16xi32> to vector<32xbf16>
        %parallel_loop3A_179 = arith.mulf %parallel_loop3A_156, %parallel_loop3A_178 : vector<32xbf16>
        %parallel_loop3A_180 = arith.addf %parallel_loop3A_114, %parallel_loop3A_179 : vector<32xbf16>
        %parallel_loop3A_181 = arith.constant 3 : i32
        %parallel_loop3A_182 = arith.index_cast %parallel_loop3A_181 : i32 to index
        %parallel_loop3A_183 = arith.index_cast %parallel_loop3A_65 : i32 to index
        %parallel_loop3A_184 = tpu.vector_load %arg9[%parallel_loop3A_182, %parallel_loop3A_183] {strides = array<i32>} : memref<8x1024xi32, #tpu.memory_space<vmem>>, vector<16xi32>,
        %parallel_loop3A_185 = arith.constant 3 : i32
        %parallel_loop3A_186 = arith.index_cast %parallel_loop3A_185 : i32 to index
        %parallel_loop3A_187 = arith.index_cast %parallel_loop3A_65 : i32 to index
        %parallel_loop3A_188 = tpu.vector_load %arg10[%parallel_loop3A_186, %parallel_loop3A_187] {strides = array<i32>} : memref<8x1024xi32, #tpu.memory_space<vmem>>, vector<16xi32>,
        %parallel_loop3A_189 = vector.bitcast %parallel_loop3A_188 : vector<16xi32> to vector<32xbf16>
        %parallel_loop3A_190 = arith.constant 12 : i32
        %parallel_loop3A_191 = vector.broadcast %parallel_loop3A_190 : i32 to vector<16xi32>
        %parallel_loop3A_192 = tpu.vector_load_idx %arg6[%parallel_loop3A_191, %parallel_loop3A_184] : memref<32x2048xi32, #tpu.memory_space<vmem>>[vector<16xi32>, vector<16xi32>], vector<16xi32>,
        %parallel_loop3A_193 = vector.bitcast %parallel_loop3A_192 : vector<16xi32> to vector<32xbf16>
        %parallel_loop3A_194 = arith.mulf %parallel_loop3A_189, %parallel_loop3A_193 : vector<32xbf16>
        %parallel_loop3A_195 = arith.addf %parallel_loop3A_129, %parallel_loop3A_194 : vector<32xbf16>
        %parallel_loop3A_196 = arith.constant 13 : i32
        %parallel_loop3A_197 = vector.broadcast %parallel_loop3A_196 : i32 to vector<16xi32>
        %parallel_loop3A_198 = tpu.vector_load_idx %arg6[%parallel_loop3A_197, %parallel_loop3A_184] : memref<32x2048xi32, #tpu.memory_space<vmem>>[vector<16xi32>, vector<16xi32>], vector<16xi32>,
        %parallel_loop3A_199 = vector.bitcast %parallel_loop3A_198 : vector<16xi32> to vector<32xbf16>
        %parallel_loop3A_200 = arith.mulf %parallel_loop3A_189, %parallel_loop3A_199 : vector<32xbf16>
        %parallel_loop3A_201 = arith.addf %parallel_loop3A_135, %parallel_loop3A_200 : vector<32xbf16>
        %parallel_loop3A_202 = arith.constant 14 : i32
        %parallel_loop3A_203 = vector.broadcast %parallel_loop3A_202 : i32 to vector<16xi32>
        %parallel_loop3A_204 = tpu.vector_load_idx %arg6[%parallel_loop3A_203, %parallel_loop3A_184] : memref<32x2048xi32, #tpu.memory_space<vmem>>[vector<16xi32>, vector<16xi32>], vector<16xi32>,
        %parallel_loop3A_205 = vector.bitcast %parallel_loop3A_204 : vector<16xi32> to vector<32xbf16>
        %parallel_loop3A_206 = arith.mulf %parallel_loop3A_189, %parallel_loop3A_205 : vector<32xbf16>
        %parallel_loop3A_207 = arith.addf %parallel_loop3A_141, %parallel_loop3A_206 : vector<32xbf16>
        %parallel_loop3A_208 = arith.constant 15 : i32
        %parallel_loop3A_209 = vector.broadcast %parallel_loop3A_208 : i32 to vector<16xi32>
        %parallel_loop3A_210 = tpu.vector_load_idx %arg6[%parallel_loop3A_209, %parallel_loop3A_184] : memref<32x2048xi32, #tpu.memory_space<vmem>>[vector<16xi32>, vector<16xi32>], vector<16xi32>,
        %parallel_loop3A_211 = vector.bitcast %parallel_loop3A_210 : vector<16xi32> to vector<32xbf16>
        %parallel_loop3A_212 = arith.mulf %parallel_loop3A_189, %parallel_loop3A_211 : vector<32xbf16>
        %parallel_loop3A_213 = arith.addf %parallel_loop3A_147, %parallel_loop3A_212 : vector<32xbf16>
        %parallel_loop3A_214 = arith.constant 4 : i32
        %parallel_loop3A_215 = arith.index_cast %parallel_loop3A_214 : i32 to index
        %parallel_loop3A_216 = arith.index_cast %parallel_loop3A_65 : i32 to index
        %parallel_loop3A_217 = tpu.vector_load %arg9[%parallel_loop3A_215, %parallel_loop3A_216] {strides = array<i32>} : memref<8x1024xi32, #tpu.memory_space<vmem>>, vector<16xi32>,
        %parallel_loop3A_218 = arith.constant 4 : i32
        %parallel_loop3A_219 = arith.index_cast %parallel_loop3A_218 : i32 to index
        %parallel_loop3A_220 = arith.index_cast %parallel_loop3A_65 : i32 to index
        %parallel_loop3A_221 = tpu.vector_load %arg10[%parallel_loop3A_219, %parallel_loop3A_220] {strides = array<i32>} : memref<8x1024xi32, #tpu.memory_space<vmem>>, vector<16xi32>,
        %parallel_loop3A_222 = vector.bitcast %parallel_loop3A_221 : vector<16xi32> to vector<32xbf16>
        %parallel_loop3A_223 = arith.constant 16 : i32
        %parallel_loop3A_224 = vector.broadcast %parallel_loop3A_223 : i32 to vector<16xi32>
        %parallel_loop3A_225 = tpu.vector_load_idx %arg6[%parallel_loop3A_224, %parallel_loop3A_217] : memref<32x2048xi32, #tpu.memory_space<vmem>>[vector<16xi32>, vector<16xi32>], vector<16xi32>,
        %parallel_loop3A_226 = vector.bitcast %parallel_loop3A_225 : vector<16xi32> to vector<32xbf16>
        %parallel_loop3A_227 = arith.mulf %parallel_loop3A_222, %parallel_loop3A_226 : vector<32xbf16>
        %parallel_loop3A_228 = arith.addf %parallel_loop3A_162, %parallel_loop3A_227 : vector<32xbf16>
        %parallel_loop3A_229 = arith.constant 17 : i32
        %parallel_loop3A_230 = vector.broadcast %parallel_loop3A_229 : i32 to vector<16xi32>
        %parallel_loop3A_231 = tpu.vector_load_idx %arg6[%parallel_loop3A_230, %parallel_loop3A_217] : memref<32x2048xi32, #tpu.memory_space<vmem>>[vector<16xi32>, vector<16xi32>], vector<16xi32>,
        %parallel_loop3A_232 = vector.bitcast %parallel_loop3A_231 : vector<16xi32> to vector<32xbf16>
        %parallel_loop3A_233 = arith.mulf %parallel_loop3A_222, %parallel_loop3A_232 : vector<32xbf16>
        %parallel_loop3A_234 = arith.addf %parallel_loop3A_168, %parallel_loop3A_233 : vector<32xbf16>
        %parallel_loop3A_235 = arith.constant 18 : i32
        %parallel_loop3A_236 = vector.broadcast %parallel_loop3A_235 : i32 to vector<16xi32>
        %parallel_loop3A_237 = tpu.vector_load_idx %arg6[%parallel_loop3A_236, %parallel_loop3A_217] : memref<32x2048xi32, #tpu.memory_space<vmem>>[vector<16xi32>, vector<16xi32>], vector<16xi32>,
        %parallel_loop3A_238 = vector.bitcast %parallel_loop3A_237 : vector<16xi32> to vector<32xbf16>
        %parallel_loop3A_239 = arith.mulf %parallel_loop3A_222, %parallel_loop3A_238 : vector<32xbf16>
        %parallel_loop3A_240 = arith.addf %parallel_loop3A_174, %parallel_loop3A_239 : vector<32xbf16>
        %parallel_loop3A_241 = arith.constant 19 : i32
        %parallel_loop3A_242 = vector.broadcast %parallel_loop3A_241 : i32 to vector<16xi32>
        %parallel_loop3A_243 = tpu.vector_load_idx %arg6[%parallel_loop3A_242, %parallel_loop3A_217] : memref<32x2048xi32, #tpu.memory_space<vmem>>[vector<16xi32>, vector<16xi32>], vector<16xi32>,
        %parallel_loop3A_244 = vector.bitcast %parallel_loop3A_243 : vector<16xi32> to vector<32xbf16>
        %parallel_loop3A_245 = arith.mulf %parallel_loop3A_222, %parallel_loop3A_244 : vector<32xbf16>
        %parallel_loop3A_246 = arith.addf %parallel_loop3A_180, %parallel_loop3A_245 : vector<32xbf16>
        %parallel_loop3A_247 = arith.constant 5 : i32
        %parallel_loop3A_248 = arith.index_cast %parallel_loop3A_247 : i32 to index
        %parallel_loop3A_249 = arith.index_cast %parallel_loop3A_65 : i32 to index
        %parallel_loop3A_250 = tpu.vector_load %arg9[%parallel_loop3A_248, %parallel_loop3A_249] {strides = array<i32>} : memref<8x1024xi32, #tpu.memory_space<vmem>>, vector<16xi32>,
        %parallel_loop3A_251 = arith.constant 5 : i32
        %parallel_loop3A_252 = arith.index_cast %parallel_loop3A_251 : i32 to index
        %parallel_loop3A_253 = arith.index_cast %parallel_loop3A_65 : i32 to index
        %parallel_loop3A_254 = tpu.vector_load %arg10[%parallel_loop3A_252, %parallel_loop3A_253] {strides = array<i32>} : memref<8x1024xi32, #tpu.memory_space<vmem>>, vector<16xi32>,
        %parallel_loop3A_255 = vector.bitcast %parallel_loop3A_254 : vector<16xi32> to vector<32xbf16>
        %parallel_loop3A_256 = arith.constant 20 : i32
        %parallel_loop3A_257 = vector.broadcast %parallel_loop3A_256 : i32 to vector<16xi32>
        %parallel_loop3A_258 = tpu.vector_load_idx %arg6[%parallel_loop3A_257, %parallel_loop3A_250] : memref<32x2048xi32, #tpu.memory_space<vmem>>[vector<16xi32>, vector<16xi32>], vector<16xi32>,
        %parallel_loop3A_259 = vector.bitcast %parallel_loop3A_258 : vector<16xi32> to vector<32xbf16>
        %parallel_loop3A_260 = arith.mulf %parallel_loop3A_255, %parallel_loop3A_259 : vector<32xbf16>
        %parallel_loop3A_261 = arith.addf %parallel_loop3A_195, %parallel_loop3A_260 : vector<32xbf16>
        %parallel_loop3A_262 = arith.constant 21 : i32
        %parallel_loop3A_263 = vector.broadcast %parallel_loop3A_262 : i32 to vector<16xi32>
        %parallel_loop3A_264 = tpu.vector_load_idx %arg6[%parallel_loop3A_263, %parallel_loop3A_250] : memref<32x2048xi32, #tpu.memory_space<vmem>>[vector<16xi32>, vector<16xi32>], vector<16xi32>,
        %parallel_loop3A_265 = vector.bitcast %parallel_loop3A_264 : vector<16xi32> to vector<32xbf16>
        %parallel_loop3A_266 = arith.mulf %parallel_loop3A_255, %parallel_loop3A_265 : vector<32xbf16>
        %parallel_loop3A_267 = arith.addf %parallel_loop3A_201, %parallel_loop3A_266 : vector<32xbf16>
        %parallel_loop3A_268 = arith.constant 22 : i32
        %parallel_loop3A_269 = vector.broadcast %parallel_loop3A_268 : i32 to vector<16xi32>
        %parallel_loop3A_270 = tpu.vector_load_idx %arg6[%parallel_loop3A_269, %parallel_loop3A_250] : memref<32x2048xi32, #tpu.memory_space<vmem>>[vector<16xi32>, vector<16xi32>], vector<16xi32>,
        %parallel_loop3A_271 = vector.bitcast %parallel_loop3A_270 : vector<16xi32> to vector<32xbf16>
        %parallel_loop3A_272 = arith.mulf %parallel_loop3A_255, %parallel_loop3A_271 : vector<32xbf16>
        %parallel_loop3A_273 = arith.addf %parallel_loop3A_207, %parallel_loop3A_272 : vector<32xbf16>
        %parallel_loop3A_274 = arith.constant 23 : i32
        %parallel_loop3A_275 = vector.broadcast %parallel_loop3A_274 : i32 to vector<16xi32>
        %parallel_loop3A_276 = tpu.vector_load_idx %arg6[%parallel_loop3A_275, %parallel_loop3A_250] : memref<32x2048xi32, #tpu.memory_space<vmem>>[vector<16xi32>, vector<16xi32>], vector<16xi32>,
        %parallel_loop3A_277 = vector.bitcast %parallel_loop3A_276 : vector<16xi32> to vector<32xbf16>
        %parallel_loop3A_278 = arith.mulf %parallel_loop3A_255, %parallel_loop3A_277 : vector<32xbf16>
        %parallel_loop3A_279 = arith.addf %parallel_loop3A_213, %parallel_loop3A_278 : vector<32xbf16>
        %parallel_loop3A_280 = arith.constant 6 : i32
        %parallel_loop3A_281 = arith.index_cast %parallel_loop3A_280 : i32 to index
        %parallel_loop3A_282 = arith.index_cast %parallel_loop3A_65 : i32 to index
        %parallel_loop3A_283 = tpu.vector_load %arg9[%parallel_loop3A_281, %parallel_loop3A_282] {strides = array<i32>} : memref<8x1024xi32, #tpu.memory_space<vmem>>, vector<16xi32>,
        %parallel_loop3A_284 = arith.constant 6 : i32
        %parallel_loop3A_285 = arith.index_cast %parallel_loop3A_284 : i32 to index
        %parallel_loop3A_286 = arith.index_cast %parallel_loop3A_65 : i32 to index
        %parallel_loop3A_287 = tpu.vector_load %arg10[%parallel_loop3A_285, %parallel_loop3A_286] {strides = array<i32>} : memref<8x1024xi32, #tpu.memory_space<vmem>>, vector<16xi32>,
        %parallel_loop3A_288 = vector.bitcast %parallel_loop3A_287 : vector<16xi32> to vector<32xbf16>
        %parallel_loop3A_289 = arith.constant 24 : i32
        %parallel_loop3A_290 = vector.broadcast %parallel_loop3A_289 : i32 to vector<16xi32>
        %parallel_loop3A_291 = tpu.vector_load_idx %arg6[%parallel_loop3A_290, %parallel_loop3A_283] : memref<32x2048xi32, #tpu.memory_space<vmem>>[vector<16xi32>, vector<16xi32>], vector<16xi32>,
        %parallel_loop3A_292 = vector.bitcast %parallel_loop3A_291 : vector<16xi32> to vector<32xbf16>
        %parallel_loop3A_293 = arith.mulf %parallel_loop3A_288, %parallel_loop3A_292 : vector<32xbf16>
        %parallel_loop3A_294 = arith.addf %parallel_loop3A_228, %parallel_loop3A_293 : vector<32xbf16>
        %parallel_loop3A_295 = arith.constant 25 : i32
        %parallel_loop3A_296 = vector.broadcast %parallel_loop3A_295 : i32 to vector<16xi32>
        %parallel_loop3A_297 = tpu.vector_load_idx %arg6[%parallel_loop3A_296, %parallel_loop3A_283] : memref<32x2048xi32, #tpu.memory_space<vmem>>[vector<16xi32>, vector<16xi32>], vector<16xi32>,
        %parallel_loop3A_298 = vector.bitcast %parallel_loop3A_297 : vector<16xi32> to vector<32xbf16>
        %parallel_loop3A_299 = arith.mulf %parallel_loop3A_288, %parallel_loop3A_298 : vector<32xbf16>
        %parallel_loop3A_300 = arith.addf %parallel_loop3A_234, %parallel_loop3A_299 : vector<32xbf16>
        %parallel_loop3A_301 = arith.constant 26 : i32
        %parallel_loop3A_302 = vector.broadcast %parallel_loop3A_301 : i32 to vector<16xi32>
        %parallel_loop3A_303 = tpu.vector_load_idx %arg6[%parallel_loop3A_302, %parallel_loop3A_283] : memref<32x2048xi32, #tpu.memory_space<vmem>>[vector<16xi32>, vector<16xi32>], vector<16xi32>,
        %parallel_loop3A_304 = vector.bitcast %parallel_loop3A_303 : vector<16xi32> to vector<32xbf16>
        %parallel_loop3A_305 = arith.mulf %parallel_loop3A_288, %parallel_loop3A_304 : vector<32xbf16>
        %parallel_loop3A_306 = arith.addf %parallel_loop3A_240, %parallel_loop3A_305 : vector<32xbf16>
        %parallel_loop3A_307 = arith.constant 27 : i32
        %parallel_loop3A_308 = vector.broadcast %parallel_loop3A_307 : i32 to vector<16xi32>
        %parallel_loop3A_309 = tpu.vector_load_idx %arg6[%parallel_loop3A_308, %parallel_loop3A_283] : memref<32x2048xi32, #tpu.memory_space<vmem>>[vector<16xi32>, vector<16xi32>], vector<16xi32>,
        %parallel_loop3A_310 = vector.bitcast %parallel_loop3A_309 : vector<16xi32> to vector<32xbf16>
        %parallel_loop3A_311 = arith.mulf %parallel_loop3A_288, %parallel_loop3A_310 : vector<32xbf16>
        %parallel_loop3A_312 = arith.addf %parallel_loop3A_246, %parallel_loop3A_311 : vector<32xbf16>
        %parallel_loop3A_313 = arith.constant 7 : i32
        %parallel_loop3A_314 = arith.index_cast %parallel_loop3A_313 : i32 to index
        %parallel_loop3A_315 = arith.index_cast %parallel_loop3A_65 : i32 to index
        %parallel_loop3A_316 = tpu.vector_load %arg9[%parallel_loop3A_314, %parallel_loop3A_315] {strides = array<i32>} : memref<8x1024xi32, #tpu.memory_space<vmem>>, vector<16xi32>,
        %parallel_loop3A_317 = arith.constant 7 : i32
        %parallel_loop3A_318 = arith.index_cast %parallel_loop3A_317 : i32 to index
        %parallel_loop3A_319 = arith.index_cast %parallel_loop3A_65 : i32 to index
        %parallel_loop3A_320 = tpu.vector_load %arg10[%parallel_loop3A_318, %parallel_loop3A_319] {strides = array<i32>} : memref<8x1024xi32, #tpu.memory_space<vmem>>, vector<16xi32>,
        %parallel_loop3A_321 = vector.bitcast %parallel_loop3A_320 : vector<16xi32> to vector<32xbf16>
        %parallel_loop3A_322 = arith.constant 28 : i32
        %parallel_loop3A_323 = vector.broadcast %parallel_loop3A_322 : i32 to vector<16xi32>
        %parallel_loop3A_324 = tpu.vector_load_idx %arg6[%parallel_loop3A_323, %parallel_loop3A_316] : memref<32x2048xi32, #tpu.memory_space<vmem>>[vector<16xi32>, vector<16xi32>], vector<16xi32>,
        %parallel_loop3A_325 = vector.bitcast %parallel_loop3A_324 : vector<16xi32> to vector<32xbf16>
        %parallel_loop3A_326 = arith.mulf %parallel_loop3A_321, %parallel_loop3A_325 : vector<32xbf16>
        %parallel_loop3A_327 = arith.addf %parallel_loop3A_261, %parallel_loop3A_326 : vector<32xbf16>
        %parallel_loop3A_328 = arith.constant 29 : i32
        %parallel_loop3A_329 = vector.broadcast %parallel_loop3A_328 : i32 to vector<16xi32>
        %parallel_loop3A_330 = tpu.vector_load_idx %arg6[%parallel_loop3A_329, %parallel_loop3A_316] : memref<32x2048xi32, #tpu.memory_space<vmem>>[vector<16xi32>, vector<16xi32>], vector<16xi32>,
        %parallel_loop3A_331 = vector.bitcast %parallel_loop3A_330 : vector<16xi32> to vector<32xbf16>
        %parallel_loop3A_332 = arith.mulf %parallel_loop3A_321, %parallel_loop3A_331 : vector<32xbf16>
        %parallel_loop3A_333 = arith.addf %parallel_loop3A_267, %parallel_loop3A_332 : vector<32xbf16>
        %parallel_loop3A_334 = arith.constant 30 : i32
        %parallel_loop3A_335 = vector.broadcast %parallel_loop3A_334 : i32 to vector<16xi32>
        %parallel_loop3A_336 = tpu.vector_load_idx %arg6[%parallel_loop3A_335, %parallel_loop3A_316] : memref<32x2048xi32, #tpu.memory_space<vmem>>[vector<16xi32>, vector<16xi32>], vector<16xi32>,
        %parallel_loop3A_337 = vector.bitcast %parallel_loop3A_336 : vector<16xi32> to vector<32xbf16>
        %parallel_loop3A_338 = arith.mulf %parallel_loop3A_321, %parallel_loop3A_337 : vector<32xbf16>
        %parallel_loop3A_339 = arith.addf %parallel_loop3A_273, %parallel_loop3A_338 : vector<32xbf16>
        %parallel_loop3A_340 = arith.constant 31 : i32
        %parallel_loop3A_341 = vector.broadcast %parallel_loop3A_340 : i32 to vector<16xi32>
        %parallel_loop3A_342 = tpu.vector_load_idx %arg6[%parallel_loop3A_341, %parallel_loop3A_316] : memref<32x2048xi32, #tpu.memory_space<vmem>>[vector<16xi32>, vector<16xi32>], vector<16xi32>,
        %parallel_loop3A_343 = vector.bitcast %parallel_loop3A_342 : vector<16xi32> to vector<32xbf16>
        %parallel_loop3A_344 = arith.mulf %parallel_loop3A_321, %parallel_loop3A_343 : vector<32xbf16>
        %parallel_loop3A_345 = arith.addf %parallel_loop3A_279, %parallel_loop3A_344 : vector<32xbf16>
        %parallel_loop3A_346 = arith.addf %parallel_loop3A_294, %parallel_loop3A_327 : vector<32xbf16>
        %parallel_loop3A_347 = tpu.unpack_subelements %parallel_loop3A_346, 0 {pack_format = #tpu.pack_format<interleaved>} : vector<32xbf16> -> vector<16xf32>
        %parallel_loop3A_348 = tpu.unpack_subelements %parallel_loop3A_346, 1 {pack_format = #tpu.pack_format<interleaved>} : vector<32xbf16> -> vector<16xf32>
        %parallel_loop3A_349 = arith.addf %parallel_loop3A_347, %parallel_loop3A_348 : vector<16xf32>
        %parallel_loop3A_350 = arith.constant 256 : i32
        %parallel_loop3A_351 = arith.divsi %parallel_loop3A_65, %parallel_loop3A_350 : i32
        %parallel_loop3A_352 = arith.constant 0 : i32
        %parallel_loop3A_353 = arith.cmpi sgt, %parallel_loop3A_65, %parallel_loop3A_352 : i32
        %parallel_loop3A_354 = arith.extui %parallel_loop3A_353 : i1 to i32
        %parallel_loop3A_355 = arith.constant 0 : i32
        %parallel_loop3A_356 = arith.cmpi slt, %parallel_loop3A_65, %parallel_loop3A_355 : i32
        %parallel_loop3A_357 = arith.extui %parallel_loop3A_356 : i1 to i32
        %parallel_loop3A_358 = arith.subi %parallel_loop3A_354, %parallel_loop3A_357 : i32
        %parallel_loop3A_359 = arith.constant 0 : i32
        %parallel_loop3A_360 = arith.cmpi sgt, %parallel_loop3A_350, %parallel_loop3A_359 : i32
        %parallel_loop3A_361 = arith.extui %parallel_loop3A_360 : i1 to i32
        %parallel_loop3A_362 = arith.constant 0 : i32
        %parallel_loop3A_363 = arith.cmpi slt, %parallel_loop3A_350, %parallel_loop3A_362 : i32
        %parallel_loop3A_364 = arith.extui %parallel_loop3A_363 : i1 to i32
        %parallel_loop3A_365 = arith.subi %parallel_loop3A_361, %parallel_loop3A_364 : i32
        %parallel_loop3A_366 = arith.cmpi ne, %parallel_loop3A_358, %parallel_loop3A_365 : i32
        %parallel_loop3A_367 = arith.remsi %parallel_loop3A_65, %parallel_loop3A_350 : i32
        %parallel_loop3A_368 = arith.constant 0 : i32
        %parallel_loop3A_369 = arith.cmpi ne, %parallel_loop3A_367, %parallel_loop3A_368 : i32
        %parallel_loop3A_370 = arith.andi %parallel_loop3A_366, %parallel_loop3A_369 : i1
        %parallel_loop3A_371 = arith.constant 1 : i32
        %parallel_loop3A_372 = arith.subi %parallel_loop3A_351, %parallel_loop3A_371 : i32
        %parallel_loop3A_373 = arith.select %parallel_loop3A_370, %parallel_loop3A_372, %parallel_loop3A_351 : i32
        %parallel_loop3A_374 = arith.constant 256 : i32
        %parallel_loop3A_375 = arith.constant 0 : i32
        %parallel_loop3A_376 = arith.cmpi eq, %parallel_loop3A_374, %parallel_loop3A_375 : i32
        %parallel_loop3A_377 = arith.constant 1 : i32
        %parallel_loop3A_378 = arith.select %parallel_loop3A_376, %parallel_loop3A_377, %parallel_loop3A_374 : i32
        %parallel_loop3A_379 = arith.remsi %parallel_loop3A_65, %parallel_loop3A_378 : i32
        %parallel_loop3A_380 = arith.constant 0 : i32
        %parallel_loop3A_381 = arith.cmpi ne, %parallel_loop3A_379, %parallel_loop3A_380 : i32
        %parallel_loop3A_382 = arith.constant 0 : i32
        %parallel_loop3A_383 = arith.cmpi slt, %parallel_loop3A_379, %parallel_loop3A_382 : i32
        %parallel_loop3A_384 = arith.constant 0 : i32
        %parallel_loop3A_385 = arith.cmpi slt, %parallel_loop3A_378, %parallel_loop3A_384 : i32
        %parallel_loop3A_386 = arith.xori %parallel_loop3A_383, %parallel_loop3A_385 : i1
        %parallel_loop3A_387 = arith.andi %parallel_loop3A_386, %parallel_loop3A_381 : i1
        %parallel_loop3A_388 = arith.addi %parallel_loop3A_379, %parallel_loop3A_378 : i32
        %parallel_loop3A_389 = arith.select %parallel_loop3A_387, %parallel_loop3A_388, %parallel_loop3A_379 : i32
        %parallel_loop3A_390 = arith.constant 0 : i32
        %parallel_loop3A_391 = arith.index_cast %parallel_loop3A_390 : i32 to index
        %parallel_loop3A_392 = arith.index_cast %parallel_loop3A_373 : i32 to index
        %parallel_loop3A_393 = arith.index_cast %parallel_loop3A_389 : i32 to index
        %parallel_loop3A_394 = tpu.vector_load %arg11[%parallel_loop3A_391, %parallel_loop3A_392, %parallel_loop3A_393] {strides = array<i32>} : memref<4x4x256xf32, #tpu.memory_space<vmem>>, vector<16xf32>,
        tpu.vector_store %arg11[%parallel_loop3A_391, %parallel_loop3A_392, %parallel_loop3A_393], %parallel_loop3A_349 {strides = array<i32>} : memref<4x4x256xf32, #tpu.memory_space<vmem>>, vector<16xf32>,
        %parallel_loop3A_395 = arith.addf %parallel_loop3A_300, %parallel_loop3A_333 : vector<32xbf16>
        %parallel_loop3A_396 = tpu.unpack_subelements %parallel_loop3A_395, 0 {pack_format = #tpu.pack_format<interleaved>} : vector<32xbf16> -> vector<16xf32>
        %parallel_loop3A_397 = tpu.unpack_subelements %parallel_loop3A_395, 1 {pack_format = #tpu.pack_format<interleaved>} : vector<32xbf16> -> vector<16xf32>
        %parallel_loop3A_398 = arith.addf %parallel_loop3A_396, %parallel_loop3A_397 : vector<16xf32>
        %parallel_loop3A_399 = arith.constant 256 : i32
        %parallel_loop3A_400 = arith.divsi %parallel_loop3A_65, %parallel_loop3A_399 : i32
        %parallel_loop3A_401 = arith.constant 0 : i32
        %parallel_loop3A_402 = arith.cmpi sgt, %parallel_loop3A_65, %parallel_loop3A_401 : i32
        %parallel_loop3A_403 = arith.extui %parallel_loop3A_402 : i1 to i32
        %parallel_loop3A_404 = arith.constant 0 : i32
        %parallel_loop3A_405 = arith.cmpi slt, %parallel_loop3A_65, %parallel_loop3A_404 : i32
        %parallel_loop3A_406 = arith.extui %parallel_loop3A_405 : i1 to i32
        %parallel_loop3A_407 = arith.subi %parallel_loop3A_403, %parallel_loop3A_406 : i32
        %parallel_loop3A_408 = arith.constant 0 : i32
        %parallel_loop3A_409 = arith.cmpi sgt, %parallel_loop3A_399, %parallel_loop3A_408 : i32
        %parallel_loop3A_410 = arith.extui %parallel_loop3A_409 : i1 to i32
        %parallel_loop3A_411 = arith.constant 0 : i32
        %parallel_loop3A_412 = arith.cmpi slt, %parallel_loop3A_399, %parallel_loop3A_411 : i32
        %parallel_loop3A_413 = arith.extui %parallel_loop3A_412 : i1 to i32
        %parallel_loop3A_414 = arith.subi %parallel_loop3A_410, %parallel_loop3A_413 : i32
        %parallel_loop3A_415 = arith.cmpi ne, %parallel_loop3A_407, %parallel_loop3A_414 : i32
        %parallel_loop3A_416 = arith.remsi %parallel_loop3A_65, %parallel_loop3A_399 : i32
        %parallel_loop3A_417 = arith.constant 0 : i32
        %parallel_loop3A_418 = arith.cmpi ne, %parallel_loop3A_416, %parallel_loop3A_417 : i32
        %parallel_loop3A_419 = arith.andi %parallel_loop3A_415, %parallel_loop3A_418 : i1
        %parallel_loop3A_420 = arith.constant 1 : i32
        %parallel_loop3A_421 = arith.subi %parallel_loop3A_400, %parallel_loop3A_420 : i32
        %parallel_loop3A_422 = arith.select %parallel_loop3A_419, %parallel_loop3A_421, %parallel_loop3A_400 : i32
        %parallel_loop3A_423 = arith.constant 256 : i32
        %parallel_loop3A_424 = arith.constant 0 : i32
        %parallel_loop3A_425 = arith.cmpi eq, %parallel_loop3A_423, %parallel_loop3A_424 : i32
        %parallel_loop3A_426 = arith.constant 1 : i32
        %parallel_loop3A_427 = arith.select %parallel_loop3A_425, %parallel_loop3A_426, %parallel_loop3A_423 : i32
        %parallel_loop3A_428 = arith.remsi %parallel_loop3A_65, %parallel_loop3A_427 : i32
        %parallel_loop3A_429 = arith.constant 0 : i32
        %parallel_loop3A_430 = arith.cmpi ne, %parallel_loop3A_428, %parallel_loop3A_429 : i32
        %parallel_loop3A_431 = arith.constant 0 : i32
        %parallel_loop3A_432 = arith.cmpi slt, %parallel_loop3A_428, %parallel_loop3A_431 : i32
        %parallel_loop3A_433 = arith.constant 0 : i32
        %parallel_loop3A_434 = arith.cmpi slt, %parallel_loop3A_427, %parallel_loop3A_433 : i32
        %parallel_loop3A_435 = arith.xori %parallel_loop3A_432, %parallel_loop3A_434 : i1
        %parallel_loop3A_436 = arith.andi %parallel_loop3A_435, %parallel_loop3A_430 : i1
        %parallel_loop3A_437 = arith.addi %parallel_loop3A_428, %parallel_loop3A_427 : i32
        %parallel_loop3A_438 = arith.select %parallel_loop3A_436, %parallel_loop3A_437, %parallel_loop3A_428 : i32
        %parallel_loop3A_439 = arith.constant 1 : i32
        %parallel_loop3A_440 = arith.index_cast %parallel_loop3A_439 : i32 to index
        %parallel_loop3A_441 = arith.index_cast %parallel_loop3A_422 : i32 to index
        %parallel_loop3A_442 = arith.index_cast %parallel_loop3A_438 : i32 to index
        %parallel_loop3A_443 = tpu.vector_load %arg11[%parallel_loop3A_440, %parallel_loop3A_441, %parallel_loop3A_442] {strides = array<i32>} : memref<4x4x256xf32, #tpu.memory_space<vmem>>, vector<16xf32>,
        tpu.vector_store %arg11[%parallel_loop3A_440, %parallel_loop3A_441, %parallel_loop3A_442], %parallel_loop3A_398 {strides = array<i32>} : memref<4x4x256xf32, #tpu.memory_space<vmem>>, vector<16xf32>,
        %parallel_loop3A_444 = arith.addf %parallel_loop3A_306, %parallel_loop3A_339 : vector<32xbf16>
        %parallel_loop3A_445 = tpu.unpack_subelements %parallel_loop3A_444, 0 {pack_format = #tpu.pack_format<interleaved>} : vector<32xbf16> -> vector<16xf32>
        %parallel_loop3A_446 = tpu.unpack_subelements %parallel_loop3A_444, 1 {pack_format = #tpu.pack_format<interleaved>} : vector<32xbf16> -> vector<16xf32>
        %parallel_loop3A_447 = arith.addf %parallel_loop3A_445, %parallel_loop3A_446 : vector<16xf32>
        %parallel_loop3A_448 = arith.constant 256 : i32
        %parallel_loop3A_449 = arith.divsi %parallel_loop3A_65, %parallel_loop3A_448 : i32
        %parallel_loop3A_450 = arith.constant 0 : i32
        %parallel_loop3A_451 = arith.cmpi sgt, %parallel_loop3A_65, %parallel_loop3A_450 : i32
        %parallel_loop3A_452 = arith.extui %parallel_loop3A_451 : i1 to i32
        %parallel_loop3A_453 = arith.constant 0 : i32
        %parallel_loop3A_454 = arith.cmpi slt, %parallel_loop3A_65, %parallel_loop3A_453 : i32
        %parallel_loop3A_455 = arith.extui %parallel_loop3A_454 : i1 to i32
        %parallel_loop3A_456 = arith.subi %parallel_loop3A_452, %parallel_loop3A_455 : i32
        %parallel_loop3A_457 = arith.constant 0 : i32
        %parallel_loop3A_458 = arith.cmpi sgt, %parallel_loop3A_448, %parallel_loop3A_457 : i32
        %parallel_loop3A_459 = arith.extui %parallel_loop3A_458 : i1 to i32
        %parallel_loop3A_460 = arith.constant 0 : i32
        %parallel_loop3A_461 = arith.cmpi slt, %parallel_loop3A_448, %parallel_loop3A_460 : i32
        %parallel_loop3A_462 = arith.extui %parallel_loop3A_461 : i1 to i32
        %parallel_loop3A_463 = arith.subi %parallel_loop3A_459, %parallel_loop3A_462 : i32
        %parallel_loop3A_464 = arith.cmpi ne, %parallel_loop3A_456, %parallel_loop3A_463 : i32
        %parallel_loop3A_465 = arith.remsi %parallel_loop3A_65, %parallel_loop3A_448 : i32
        %parallel_loop3A_466 = arith.constant 0 : i32
        %parallel_loop3A_467 = arith.cmpi ne, %parallel_loop3A_465, %parallel_loop3A_466 : i32
        %parallel_loop3A_468 = arith.andi %parallel_loop3A_464, %parallel_loop3A_467 : i1
        %parallel_loop3A_469 = arith.constant 1 : i32
        %parallel_loop3A_470 = arith.subi %parallel_loop3A_449, %parallel_loop3A_469 : i32
        %parallel_loop3A_471 = arith.select %parallel_loop3A_468, %parallel_loop3A_470, %parallel_loop3A_449 : i32
        %parallel_loop3A_472 = arith.constant 256 : i32
        %parallel_loop3A_473 = arith.constant 0 : i32
        %parallel_loop3A_474 = arith.cmpi eq, %parallel_loop3A_472, %parallel_loop3A_473 : i32
        %parallel_loop3A_475 = arith.constant 1 : i32
        %parallel_loop3A_476 = arith.select %parallel_loop3A_474, %parallel_loop3A_475, %parallel_loop3A_472 : i32
        %parallel_loop3A_477 = arith.remsi %parallel_loop3A_65, %parallel_loop3A_476 : i32
        %parallel_loop3A_478 = arith.constant 0 : i32
        %parallel_loop3A_479 = arith.cmpi ne, %parallel_loop3A_477, %parallel_loop3A_478 : i32
        %parallel_loop3A_480 = arith.constant 0 : i32
        %parallel_loop3A_481 = arith.cmpi slt, %parallel_loop3A_477, %parallel_loop3A_480 : i32
        %parallel_loop3A_482 = arith.constant 0 : i32
        %parallel_loop3A_483 = arith.cmpi slt, %parallel_loop3A_476, %parallel_loop3A_482 : i32
        %parallel_loop3A_484 = arith.xori %parallel_loop3A_481, %parallel_loop3A_483 : i1
        %parallel_loop3A_485 = arith.andi %parallel_loop3A_484, %parallel_loop3A_479 : i1
        %parallel_loop3A_486 = arith.addi %parallel_loop3A_477, %parallel_loop3A_476 : i32
        %parallel_loop3A_487 = arith.select %parallel_loop3A_485, %parallel_loop3A_486, %parallel_loop3A_477 : i32
        %parallel_loop3A_488 = arith.constant 2 : i32
        %parallel_loop3A_489 = arith.index_cast %parallel_loop3A_488 : i32 to index
        %parallel_loop3A_490 = arith.index_cast %parallel_loop3A_471 : i32 to index
        %parallel_loop3A_491 = arith.index_cast %parallel_loop3A_487 : i32 to index
        %parallel_loop3A_492 = tpu.vector_load %arg11[%parallel_loop3A_489, %parallel_loop3A_490, %parallel_loop3A_491] {strides = array<i32>} : memref<4x4x256xf32, #tpu.memory_space<vmem>>, vector<16xf32>,
        tpu.vector_store %arg11[%parallel_loop3A_489, %parallel_loop3A_490, %parallel_loop3A_491], %parallel_loop3A_447 {strides = array<i32>} : memref<4x4x256xf32, #tpu.memory_space<vmem>>, vector<16xf32>,
        %parallel_loop3A_493 = arith.addf %parallel_loop3A_312, %parallel_loop3A_345 : vector<32xbf16>
        %parallel_loop3A_494 = tpu.unpack_subelements %parallel_loop3A_493, 0 {pack_format = #tpu.pack_format<interleaved>} : vector<32xbf16> -> vector<16xf32>
        %parallel_loop3A_495 = tpu.unpack_subelements %parallel_loop3A_493, 1 {pack_format = #tpu.pack_format<interleaved>} : vector<32xbf16> -> vector<16xf32>
        %parallel_loop3A_496 = arith.addf %parallel_loop3A_494, %parallel_loop3A_495 : vector<16xf32>
        %parallel_loop3A_497 = arith.constant 256 : i32
        %parallel_loop3A_498 = arith.divsi %parallel_loop3A_65, %parallel_loop3A_497 : i32
        %parallel_loop3A_499 = arith.constant 0 : i32
        %parallel_loop3A_500 = arith.cmpi sgt, %parallel_loop3A_65, %parallel_loop3A_499 : i32
        %parallel_loop3A_501 = arith.extui %parallel_loop3A_500 : i1 to i32
        %parallel_loop3A_502 = arith.constant 0 : i32
        %parallel_loop3A_503 = arith.cmpi slt, %parallel_loop3A_65, %parallel_loop3A_502 : i32
        %parallel_loop3A_504 = arith.extui %parallel_loop3A_503 : i1 to i32
        %parallel_loop3A_505 = arith.subi %parallel_loop3A_501, %parallel_loop3A_504 : i32
        %parallel_loop3A_506 = arith.constant 0 : i32
        %parallel_loop3A_507 = arith.cmpi sgt, %parallel_loop3A_497, %parallel_loop3A_506 : i32
        %parallel_loop3A_508 = arith.extui %parallel_loop3A_507 : i1 to i32
        %parallel_loop3A_509 = arith.constant 0 : i32
        %parallel_loop3A_510 = arith.cmpi slt, %parallel_loop3A_497, %parallel_loop3A_509 : i32
        %parallel_loop3A_511 = arith.extui %parallel_loop3A_510 : i1 to i32
        %parallel_loop3A_512 = arith.subi %parallel_loop3A_508, %parallel_loop3A_511 : i32
        %parallel_loop3A_513 = arith.cmpi ne, %parallel_loop3A_505, %parallel_loop3A_512 : i32
        %parallel_loop3A_514 = arith.remsi %parallel_loop3A_65, %parallel_loop3A_497 : i32
        %parallel_loop3A_515 = arith.constant 0 : i32
        %parallel_loop3A_516 = arith.cmpi ne, %parallel_loop3A_514, %parallel_loop3A_515 : i32
        %parallel_loop3A_517 = arith.andi %parallel_loop3A_513, %parallel_loop3A_516 : i1
        %parallel_loop3A_518 = arith.constant 1 : i32
        %parallel_loop3A_519 = arith.subi %parallel_loop3A_498, %parallel_loop3A_518 : i32
        %parallel_loop3A_520 = arith.select %parallel_loop3A_517, %parallel_loop3A_519, %parallel_loop3A_498 : i32
        %parallel_loop3A_521 = arith.constant 256 : i32
        %parallel_loop3A_522 = arith.constant 0 : i32
        %parallel_loop3A_523 = arith.cmpi eq, %parallel_loop3A_521, %parallel_loop3A_522 : i32
        %parallel_loop3A_524 = arith.constant 1 : i32
        %parallel_loop3A_525 = arith.select %parallel_loop3A_523, %parallel_loop3A_524, %parallel_loop3A_521 : i32
        %parallel_loop3A_526 = arith.remsi %parallel_loop3A_65, %parallel_loop3A_525 : i32
        %parallel_loop3A_527 = arith.constant 0 : i32
        %parallel_loop3A_528 = arith.cmpi ne, %parallel_loop3A_526, %parallel_loop3A_527 : i32
        %parallel_loop3A_529 = arith.constant 0 : i32
        %parallel_loop3A_530 = arith.cmpi slt, %parallel_loop3A_526, %parallel_loop3A_529 : i32
        %parallel_loop3A_531 = arith.constant 0 : i32
        %parallel_loop3A_532 = arith.cmpi slt, %parallel_loop3A_525, %parallel_loop3A_531 : i32
        %parallel_loop3A_533 = arith.xori %parallel_loop3A_530, %parallel_loop3A_532 : i1
        %parallel_loop3A_534 = arith.andi %parallel_loop3A_533, %parallel_loop3A_528 : i1
        %parallel_loop3A_535 = arith.addi %parallel_loop3A_526, %parallel_loop3A_525 : i32
        %parallel_loop3A_536 = arith.select %parallel_loop3A_534, %parallel_loop3A_535, %parallel_loop3A_526 : i32
        %parallel_loop3A_537 = arith.constant 3 : i32
        %parallel_loop3A_538 = arith.index_cast %parallel_loop3A_537 : i32 to index
        %parallel_loop3A_539 = arith.index_cast %parallel_loop3A_520 : i32 to index
        %parallel_loop3A_540 = arith.index_cast %parallel_loop3A_536 : i32 to index
        %parallel_loop3A_541 = tpu.vector_load %arg11[%parallel_loop3A_538, %parallel_loop3A_539, %parallel_loop3A_540] {strides = array<i32>} : memref<4x4x256xf32, #tpu.memory_space<vmem>>, vector<16xf32>,
        tpu.vector_store %arg11[%parallel_loop3A_538, %parallel_loop3A_539, %parallel_loop3A_540], %parallel_loop3A_496 {strides = array<i32>} : memref<4x4x256xf32, #tpu.memory_space<vmem>>, vector<16xf32>,
      } {sc.loop_unroll_factor = 2 : i64, sc.parallel_access}
      %mul3A_60 = arith.constant 4 : i32
      %mul3A_61 = arith.muli %add3A_56, %mul3A_60 : i32
      "tpu.region"() ({
        %run_scoped3A = tpu.sem_alloc : memref<!tpu.dma_semaphore, #tpu.memory_space<semaphore_mem>>
        %dma_start3A_63 = arith.constant 0 : i32
        %dma_start3A_64 = arith.constant 0 : i32
        %dma_start3A_65 = tpu.memref_slice %arg5[%arg1, %dma_start3A_63, %arg0, %mul3A_61, %dma_start3A_64] : memref<16x4x2x128x256xf32, #tpu.memory_space<hbm>> -> memref<1x4x1x4x256xf32, #tpu.memory_space<hbm>>
        %dma_start3A_66 = tpu.memref_squeeze %dma_start3A_65 : memref<1x4x1x4x256xf32, #tpu.memory_space<hbm>> -> memref<4x4x256xf32, #tpu.memory_space<hbm>>
        %dma_start3A_67 = arith.constant 0 : i32
        %dma_start3A_68 = arith.constant 0 : i32
        %dma_start3A_69 = tpu.memref_slice %arg5[%arg1, %dma_start3A_67, %arg0, %mul3A_61, %dma_start3A_68] : memref<16x4x2x128x256xf32, #tpu.memory_space<hbm>> -> memref<1x4x1x4x256xf32, #tpu.memory_space<hbm>>
        %dma_start3A_70 = tpu.memref_squeeze %dma_start3A_69 : memref<1x4x1x4x256xf32, #tpu.memory_space<hbm>> -> memref<4x4x256xf32, #tpu.memory_space<hbm>>
        tpu.enqueue_dma source(%arg11 : memref<4x4x256xf32, #tpu.memory_space<vmem>>) target(%dma_start3A_70 : memref<4x4x256xf32, #tpu.memory_space<hbm>>) target_semaphore(%run_scoped3A : memref<!tpu.dma_semaphore, #tpu.memory_space<semaphore_mem>>)
        %dma_wait3A_71 = arith.constant 0 : i32
        %dma_wait3A_72 = arith.constant 0 : i32
        %dma_wait3A_73 = tpu.memref_slice %arg5[%arg1, %dma_wait3A_71, %arg0, %mul3A_61, %dma_wait3A_72] : memref<16x4x2x128x256xf32, #tpu.memory_space<hbm>> -> memref<1x4x1x4x256xf32, #tpu.memory_space<hbm>>
        %dma_wait3A_74 = tpu.memref_squeeze %dma_wait3A_73 : memref<1x4x1x4x256xf32, #tpu.memory_space<hbm>> -> memref<4x4x256xf32, #tpu.memory_space<hbm>>
        %dma_wait3A_75 = arith.constant 0 : i32
        %dma_wait3A_76 = arith.constant 0 : i32
        %dma_wait3A_77 = tpu.memref_slice %arg5[%arg1, %dma_wait3A_75, %arg0, %mul3A_61, %dma_wait3A_76] : memref<16x4x2x128x256xf32, #tpu.memory_space<hbm>> -> memref<1x4x1x4x256xf32, #tpu.memory_space<hbm>>
        %dma_wait3A_78 = tpu.memref_squeeze %dma_wait3A_77 : memref<1x4x1x4x256xf32, #tpu.memory_space<hbm>> -> memref<4x4x256xf32, #tpu.memory_space<hbm>>
        tpu.wait_dma2 semaphore(%run_scoped3A : memref<!tpu.dma_semaphore, #tpu.memory_space<semaphore_mem>>) src(%arg11 : memref<4x4x256xf32, #tpu.memory_space<vmem>>) dst(%dma_wait3A_78 : memref<4x4x256xf32, #tpu.memory_space<hbm>>)
        tpu.yield
      }) : () -> ()
      %scan3A_62 = arith.constant 0 : i32
      scf.yield %scan3A_62 : i32
    }
    %scan3A_14 = arith.constant 16 : i32
    return
  }
}

module attributes {stable_mosaic.version = 14 : i64} {
  func.func @_normalize_body(%arg0: memref<4x128x2048xf32, #tpu.memory_space<vmem>>, %arg1: memref<128x4x2048xi32, #tpu.memory_space<vmem>>) attributes {dimension_semantics = [], scalar_prefetch = 0 : i64, scratch_operands = 0 : i64, tpu.core_type = #tpu.core_type<tc>} {
    %get3A = arith.constant 0 : index
    %get3A_0 = arith.constant 0 : index
    %get3A_1 = arith.constant 0 : index
    %get3A_2 = vector.load %arg0[%get3A, %get3A_0, %get3A_1] : memref<4x128x2048xf32, #tpu.memory_space<vmem>>, vector<4x128x2048xf32>
    %reduce_sum3A = arith.constant dense<0.000000e+00> : vector<4xf32>
    %reduce_sum3A_3 = vector.multi_reduction <add>, %get3A_2, %reduce_sum3A [1, 2] : vector<4x128x2048xf32> to vector<4xf32>
    %broadcast_in_dim3A = vector.shape_cast %reduce_sum3A_3 : vector<4xf32> to vector<4x1x1xf32>
    %div3A = arith.constant 2.621440e+05 : f32
    %div3A_4 = vector.broadcast %div3A : f32 to vector<4x1x1xf32>
    %div3A_5 = arith.divf %broadcast_in_dim3A, %div3A_4 : vector<4x1x1xf32>
    %sub3A = vector.broadcast %div3A_5 : vector<4x1x1xf32> to vector<4x128x2048xf32>
    %sub3A_6 = arith.subf %get3A_2, %sub3A : vector<4x128x2048xf32>
    %mul3A = arith.mulf %sub3A_6, %sub3A_6 : vector<4x128x2048xf32>
    %reduce_sum3A_7 = arith.constant dense<0.000000e+00> : vector<4xf32>
    %reduce_sum3A_8 = vector.multi_reduction <add>, %mul3A, %reduce_sum3A_7 [1, 2] : vector<4x128x2048xf32> to vector<4xf32>
    %broadcast_in_dim3A_9 = vector.shape_cast %reduce_sum3A_8 : vector<4xf32> to vector<4x1x1xf32>
    %div3A_10 = arith.constant 2.621440e+05 : f32
    %div3A_11 = vector.broadcast %div3A_10 : f32 to vector<4x1x1xf32>
    %div3A_12 = arith.divf %broadcast_in_dim3A_9, %div3A_11 : vector<4x1x1xf32>
    %add3A = arith.constant 1.1920929E-7 : f32
    %add3A_13 = vector.broadcast %add3A : f32 to vector<4x1x1xf32>
    %add3A_14 = arith.addf %div3A_12, %add3A_13 : vector<4x1x1xf32>
    %sqrt3A = math.sqrt %add3A_14 : vector<4x1x1xf32>
    %div3A_15 = vector.broadcast %sqrt3A : vector<4x1x1xf32> to vector<4x128x2048xf32>
    %div3A_16 = arith.divf %sub3A_6, %div3A_15 : vector<4x128x2048xf32>
    %slice3A = vector.extract_strided_slice %div3A_16 {offsets = [0, 0, 1], sizes = [4, 128, 2047], strides = [1, 1, 1]} : vector<4x128x2048xf32> to vector<4x128x2047xf32>
    %broadcast_in_dim3A_17 = arith.constant 0.000000e+00 : f32
    %broadcast_in_dim3A_18 = vector.broadcast %broadcast_in_dim3A_17 : f32 to vector<4x128x1xf32>
    %concatenate3A = tpu.concatenate %slice3A, %broadcast_in_dim3A_18 in 2 : vector<4x128x2047xf32>, vector<4x128x1xf32> -> vector<4x128x2048xf32>
    %convert_element_type3A = arith.truncf %div3A_16 : vector<4x128x2048xf32> to vector<4x128x2048xbf16>
    %bitcast_convert_type3A = tpu.bitcast %convert_element_type3A : vector<4x128x2048xbf16> -> vector<4x128x2048xi16>
    %convert_element_type3A_19 = arith.truncf %concatenate3A : vector<4x128x2048xf32> to vector<4x128x2048xbf16>
    %bitcast_convert_type3A_20 = tpu.bitcast %convert_element_type3A_19 : vector<4x128x2048xbf16> -> vector<4x128x2048xi16>
    %convert_element_type3A_21 = arith.extui %bitcast_convert_type3A : vector<4x128x2048xi16> to vector<4x128x2048xi32>
    %convert_element_type3A_22 = arith.extui %bitcast_convert_type3A_20 : vector<4x128x2048xi16> to vector<4x128x2048xi32>
    %shift_left3A = arith.constant 16 : i32
    %shift_left3A_23 = vector.broadcast %shift_left3A : i32 to vector<4x128x2048xi32>
    %shift_left3A_24 = arith.shli %convert_element_type3A_22, %shift_left3A_23 : vector<4x128x2048xi32>
    %or3A = arith.ori %convert_element_type3A_21, %shift_left3A_24 : vector<4x128x2048xi32>
    %bitcast_convert_type3A_25 = tpu.bitcast %or3A : vector<4x128x2048xi32> -> vector<4x128x2048xi32>
    %transpose3A = tpu.transpose %bitcast_convert_type3A_25, [1, 0, 2] : vector<4x128x2048xi32> -> vector<128x4x2048xi32>
    %swap3A = arith.constant 0 : index
    %swap3A_26 = arith.constant 0 : index
    %swap3A_27 = arith.constant 0 : index
    %swap3A_28 = vector.load %arg1[%swap3A, %swap3A_26, %swap3A_27] : memref<128x4x2048xi32, #tpu.memory_space<vmem>>, vector<128x4x2048xi32>
    tpu.vector_store %arg1[%swap3A, %swap3A_26, %swap3A_27], %transpose3A {strides = array<i32>} : memref<128x4x2048xi32, #tpu.memory_space<vmem>>, vector<128x4x2048xi32>,
    return
  }
}

module attributes {stable_mosaic.version = 14 : i64} {
  func.func @_lut_body(%arg0: i32, %arg1: memref<2048x128xf32, #tpu.memory_space<vmem>>, %arg2: memref<2048x128xi8, #tpu.memory_space<vmem>>, %arg3: memref<2048x128xi32, #tpu.memory_space<vmem>>, %arg4: memref<1x128xf32, #tpu.memory_space<vmem>>, %arg5: memref<128x2048xi32, #tpu.memory_space<vmem>>, %arg6: memref<128x2048xi32, #tpu.memory_space<vmem>>) attributes {dimension_semantics = [#tpu.dimension_semantics<arbitrary>], iteration_bounds = array<i64: 32>, scalar_prefetch = 0 : i64, scratch_operands = 0 : i64, tpu.core_type = #tpu.core_type<tc>, window_params = [{transform_indices = @transform_0, window_bounds = array<i64: 2048, 128>}, {transform_indices = @transform_1, window_bounds = array<i64: 2048, 128>}, {transform_indices = @transform_2, window_bounds = array<i64: 2048, 128>}, {pipeline_mode = #tpu.pipeline_mode<synchronous>, transform_indices = @transform_3, window_bounds = array<i64: 1, 128>}, {transform_indices = @transform_4, window_bounds = array<i64: 128, 2048>}, {transform_indices = @transform_5, window_bounds = array<i64: 128, 2048>}]} {
    %get3A = arith.constant 0 : index
    %get3A_0 = arith.constant 0 : index
    %get3A_1 = vector.load %arg1[%get3A, %get3A_0] : memref<2048x128xf32, #tpu.memory_space<vmem>>, vector<2048x128xf32>
    %get3A_2 = arith.constant 0 : index
    %get3A_3 = arith.constant 0 : index
    %get3A_4 = vector.load %arg2[%get3A_2, %get3A_3] : memref<2048x128xi8, #tpu.memory_space<vmem>>, vector<2048x128xi8>
    %convert_element_type3A = arith.uitofp %get3A_4 : vector<2048x128xi8> to vector<2048x128xf32>
    %get3A_5 = arith.constant 0 : index
    %get3A_6 = arith.constant 0 : index
    %get3A_7 = vector.load %arg4[%get3A_5, %get3A_6] : memref<1x128xf32, #tpu.memory_space<vmem>>, vector<1x128xf32>
    %reduce_sum3A = vector.shape_cast %get3A_7 : vector<1x128xf32> to vector<1x1x128xf32>
    %reduce_sum3A_8 = arith.constant dense<0.000000e+00> : vector<1xf32>
    %reduce_sum3A_9 = vector.multi_reduction <add>, %reduce_sum3A, %reduce_sum3A_8 [1, 2] : vector<1x1x128xf32> to vector<1xf32>
    %reduce_sum3A_10 = vector.shape_cast %reduce_sum3A_9 : vector<1xf32> to vector<1x1x1xf32>
    %reduce_sum3A_11 = vector.extract %reduce_sum3A_10[0, 0, 0] : f32 from vector<1x1x1xf32>
    %max3A = arith.constant 1.17549435E-38 : f32
    %max3A_12 = arith.maximumf %reduce_sum3A_11, %max3A : f32
    %div3A = vector.broadcast %max3A_12 : f32 to vector<1x128xf32>
    %div3A_13 = arith.divf %get3A_7, %div3A : vector<1x128xf32>
    %mul3A = vector.broadcast %div3A_13 : vector<1x128xf32> to vector<2048x128xf32>
    %mul3A_14 = arith.mulf %convert_element_type3A, %mul3A : vector<2048x128xf32>
    %mul3A_15 = arith.mulf %mul3A_14, %get3A_1 : vector<2048x128xf32>
    %sub3A = arith.subf %mul3A_14, %mul3A_15 : vector<2048x128xf32>
    %convert_element_type3A_16 = arith.truncf %sub3A : vector<2048x128xf32> to vector<2048x128xbf16>
    %bitcast_convert_type3A = tpu.bitcast %convert_element_type3A_16 : vector<2048x128xbf16> -> vector<2048x128xi16>
    %convert_element_type3A_17 = arith.truncf %mul3A_15 : vector<2048x128xf32> to vector<2048x128xbf16>
    %bitcast_convert_type3A_18 = tpu.bitcast %convert_element_type3A_17 : vector<2048x128xbf16> -> vector<2048x128xi16>
    %convert_element_type3A_19 = arith.extui %bitcast_convert_type3A : vector<2048x128xi16> to vector<2048x128xi32>
    %convert_element_type3A_20 = arith.extui %bitcast_convert_type3A_18 : vector<2048x128xi16> to vector<2048x128xi32>
    %shift_left3A = arith.constant 16 : i32
    %shift_left3A_21 = vector.broadcast %shift_left3A : i32 to vector<2048x128xi32>
    %shift_left3A_22 = arith.shli %convert_element_type3A_20, %shift_left3A_21 : vector<2048x128xi32>
    %or3A = arith.ori %convert_element_type3A_19, %shift_left3A_22 : vector<2048x128xi32>
    %bitcast_convert_type3A_23 = tpu.bitcast %or3A : vector<2048x128xi32> -> vector<2048x128xi32>
    %transpose3A = tpu.transpose %bitcast_convert_type3A_23, [1, 0] : vector<2048x128xi32> -> vector<128x2048xi32>
    %swap3A = arith.constant 0 : index
    %swap3A_24 = arith.constant 0 : index
    %swap3A_25 = vector.load %arg5[%swap3A, %swap3A_24] : memref<128x2048xi32, #tpu.memory_space<vmem>>, vector<128x2048xi32>
    tpu.vector_store %arg5[%swap3A, %swap3A_24], %transpose3A {strides = array<i32>} : memref<128x2048xi32, #tpu.memory_space<vmem>>, vector<128x2048xi32>,
    %get3A_26 = arith.constant 0 : index
    %get3A_27 = arith.constant 0 : index
    %get3A_28 = vector.load %arg3[%get3A_26, %get3A_27] : memref<2048x128xi32, #tpu.memory_space<vmem>>, vector<2048x128xi32>
    %transpose3A_29 = tpu.transpose %get3A_28, [1, 0] : vector<2048x128xi32> -> vector<128x2048xi32>
    %swap3A_30 = arith.constant 0 : index
    %swap3A_31 = arith.constant 0 : index
    %swap3A_32 = vector.load %arg6[%swap3A_30, %swap3A_31] : memref<128x2048xi32, #tpu.memory_space<vmem>>, vector<128x2048xi32>
    tpu.vector_store %arg6[%swap3A_30, %swap3A_31], %transpose3A_29 {strides = array<i32>} : memref<128x2048xi32, #tpu.memory_space<vmem>>, vector<128x2048xi32>,
    return
  }
  func.func @transform_0(%arg0: i32) -> (i32, i32) {
    %c0_i32 = arith.constant 0 : i32
    %c0_i32_0 = arith.constant 0 : i32
    return %arg0, %c0_i32 : i32, i32
  }
  func.func @transform_1(%arg0: i32) -> (i32, i32) {
    %c0_i32 = arith.constant 0 : i32
    %c0_i32_0 = arith.constant 0 : i32
    return %arg0, %c0_i32 : i32, i32
  }
  func.func @transform_2(%arg0: i32) -> (i32, i32) {
    %c0_i32 = arith.constant 0 : i32
    %c0_i32_0 = arith.constant 0 : i32
    return %arg0, %c0_i32 : i32, i32
  }
  func.func @transform_3(%arg0: i32) -> (i32, i32) {
    %c0_i32 = arith.constant 0 : i32
    %c0_i32_0 = arith.constant 0 : i32
    %c0_i32_1 = arith.constant 0 : i32
    return %c0_i32, %c0_i32_0 : i32, i32
  }
  func.func @transform_4(%arg0: i32) -> (i32, i32) {
    %c0_i32 = arith.constant 0 : i32
    %c0_i32_0 = arith.constant 0 : i32
    return %c0_i32, %arg0 : i32, i32
  }
  func.func @transform_5(%arg0: i32) -> (i32, i32) {
    %c0_i32 = arith.constant 0 : i32
    %c0_i32_0 = arith.constant 0 : i32
    return %c0_i32, %arg0 : i32, i32
  }
}

module attributes {stable_mosaic.version = 14 : i64} {
  func.func @_reduce_body(%arg0: i32, %arg1: memref<16x4x2048xf32, #tpu.memory_space<vmem>>, %arg2: memref<4x2048xf32, #tpu.memory_space<vmem>>) attributes {dimension_semantics = [#tpu.dimension_semantics<arbitrary>], iteration_bounds = array<i64: 32>, scalar_prefetch = 0 : i64, scratch_operands = 0 : i64, tpu.core_type = #tpu.core_type<tc>, window_params = [{transform_indices = @transform_0, window_bounds = array<i64: 16, 4, 2048>}, {transform_indices = @transform_1, window_bounds = array<i64: 4, 2048>}]} {
    %get3A = arith.constant 0 : index
    %get3A_0 = arith.constant 0 : index
    %get3A_1 = arith.constant 0 : index
    %get3A_2 = vector.load %arg1[%get3A, %get3A_0, %get3A_1] : memref<16x4x2048xf32, #tpu.memory_space<vmem>>, vector<16x4x2048xf32>
    %reduce_sum3A = arith.constant dense<0.000000e+00> : vector<4x2048xf32>
    %reduce_sum3A_3 = vector.multi_reduction <add>, %get3A_2, %reduce_sum3A [0] : vector<16x4x2048xf32> to vector<4x2048xf32>
    %swap3A = arith.constant 0 : index
    %swap3A_4 = arith.constant 0 : index
    %swap3A_5 = vector.load %arg2[%swap3A, %swap3A_4] : memref<4x2048xf32, #tpu.memory_space<vmem>>, vector<4x2048xf32>
    tpu.vector_store %arg2[%swap3A, %swap3A_4], %reduce_sum3A_3 {strides = array<i32>} : memref<4x2048xf32, #tpu.memory_space<vmem>>, vector<4x2048xf32>,
    return
  }
  func.func @transform_0(%arg0: i32) -> (i32, i32, i32) {
    %c0_i32 = arith.constant 0 : i32
    %c0_i32_0 = arith.constant 0 : i32
    %c0_i32_1 = arith.constant 0 : i32
    return %c0_i32, %c0_i32_0, %arg0 : i32, i32, i32
  }
  func.func @transform_1(%arg0: i32) -> (i32, i32) {
    %c0_i32 = arith.constant 0 : i32
    %c0_i32_0 = arith.constant 0 : i32
    return %c0_i32, %arg0 : i32, i32
  }
}

</mosaic_0001>

<sc_bundles>
// kernel: kernel.6.cloned.1.call-start
scs
__scs_entry_jumppad:
0x0: {  	(pc) =	sbr.rel $0x88, $3  }
0x1: {  	(tag) =	ssettag $0x0;
	lr =	simm.s32 $0x1  }
0x2: {  	[smem:$0x3F9C] =	sst lr;
	_ =	strace $0xD0000000  }
0x3: {  	_ = 	snop  }
0x4: {  	_ = 	snop  }
0x5: {  	_ = 	snop  }
0x6: {  	_ = 	snop  }
0x7: {  	_ = 	snop  }
__scs_overlays_trampoline_lowered:
0x8: {  	[smem:$0x3FAB] =	sst s0  }
0x9: {  	[smem:$0x3FAC] =	sst s1  }
0xa: {  	[smem:$0x3FAD] =	sst s2  }
0xb: {  	[smem:$0x3FAE] =	sst s3  }
0xc: {  	[smem:$0x3FAF] =	sst s4  }
0xd: {  	[smem:$0x3FB0] =	sst s5  }
0xe: {  	[smem:$0x3FB1] =	sst s6  }
0xf: {  	[smem:$0x3FB2] =	sst s7  }
0x10: {  	[smem:$0x3FB3] =	sst s8  }
0x11: {  	[smem:$0x3FB4] =	sst s9;
	s0 =	simm.s32 @!p0 $0x0  }
0x12: {  	s1 =	sld [smem:$0x3F9A];
	s0 =	simm.s32 @p0 $0x1  }
0x13: {  	[smem:$0x3FB5] =	sst s0;
	s0 =	simm.s32 @!p1 $0x0  }
0x14: {  	s2 =	sld [smem:$0x3F99];
	s0 =	simm.s32 @p1 $0x1  }
0x15: {  	[smem:$0x3FB6] =	sst s0;
	s0 =	simm.s32 @!p2 $0x0  }
0x16: {  	s3 =	sld [smem:$0x3FDB];
	s0 =	simm.s32 @p2 $0x1  }
0x17: {  	s4 =	simm.s32 $0x1BF5;
	[smem:$0x3FB8] =	sst s0  }
0x18: {  	s0 =	sld [smem:$0x3F9B];
	_ =	swait.ge [sflag:s4], $0x0  }
0x19: {  	s7 =	sld [smem:$0x3F9C]  }
0x1a: {  	s8 =	sadd.s32 $0xFFFFE003, lr  }
0x1b: {  	s9 =	sadd.s32 $0xFFFFFEF7, lr;
	s5 =	simm.s32 $0xFFFFFFFF;
	p2 =	slt.u32 s8, $0xFFFFF086  }
0x1c: {  	p1 =	slt.u32 s9, $0xF7A;
	s5 =	simm.s32 @!p2 $0x0  }
0x1d: {  	s5 =	simm.s32 @p1 $0x1;
	p0 =	seq.s32 s7, s2  }
0x1e: {  	s7 =	smul.u32 @!p0 $0xF7A, s2;
	p2 =	seq.s32 @!p0 s5, $0x0  }
0x1f: {  	s9 =	smul.u32 $0xF7A, s1;
	s8 =	simm.s32 @!p0 $0x1BF5;
	p2 =	por !p2, p0  }
0x20: {  	[sflag:s8] =	ssyncset.s32 @!p0 $0xFFFFF086;
	s6 =	sadd.s32 @!p0 s3, s7;
	s7 =	simm.s32 @!p0 $0x108  }
0x21: {  	s3 =	sadd.s32 s3, s9;
	s6 =	sadd.s32 @!p0 $0x88, s6;
	s7 =	simm.s32 @p2 $0x1082  }
0x22: {  	[simem:s7], [sflag:s8] =	dma.local @!p0 [hbm:s6], $0xF7A  }
0x23: {  	s9 =	sor.u32 $0xD0000000, s2;
	s6 =	simm.s32 $0x108;
	_ =	swait.ge @!p0 [sflag:s8], $0x0  }
0x24: {  	s3 =	sadd.s32 $0x88, s3;
	s6 =	simm.s32 @!p1 $0x1082;
	[sflag:s4] =	ssyncset.s32 $0xFFFFF086  }
0x25: {  	[simem:s6], [sflag:s4] =	dma.local [hbm:s3], $0xF7A  }
0x26: {  	[smem:$0x3F9C] =	sst s1;
	(tag) =	ssettag s2;
	_ =	strace s9  }
0x27: {  	s1 =	sld [smem:$0x3FAC]  }
0x28: {  	s2 =	sld [smem:$0x3FAD]  }
0x29: {  	s4 =	sld [smem:$0x3FAF]  }
0x2a: {  	p0 =	seq.s32 s5, $0x0;
	s5 =	sld [smem:$0x3FB0]  }
0x2b: {  	s6 =	sld [smem:$0x3FB1]  }
0x2c: {  	s7 =	sld [smem:$0x3FB2]  }
0x2d: {  	s3 =	simm.s32 $0x108;
	s8 =	sld [smem:$0x3FB3]  }
0x2e: {  	s3 =	simm.s32 @!p0 $0x1082;
	s9 =	sld [smem:$0x3FB4]  }
0x2f: {  	lr =	sadd.s32 s0, s3;
	s0 =	sld [smem:$0x3FAB]  }
0x30: {  	s3 =	sld [smem:$0x3FAE]  }
0x31: {  	[smem:$0x3FB7] =	sst s10  }
0x32: {  	s10 =	sld [smem:$0x3FB5];
	_ =	sdelay $0x3  }
0x33: {  	p0 =	seq.s32 s10, $0x1;
	s10 =	sld [smem:$0x3FB7];
	_ =	sdelay $0x3  }
0x34: {  	[smem:$0x3FB7] =	sst s10  }
0x35: {  	s10 =	sld [smem:$0x3FB6];
	_ =	sdelay $0x3  }
0x36: {  	p1 =	seq.s32 s10, $0x1;
	s10 =	sld [smem:$0x3FB7];
	_ =	sdelay $0x3  }
0x37: {  	[smem:$0x3FB7] =	sst s10  }
0x38: {  	s10 =	sld [smem:$0x3FB8]  }
0x39: {  	_ = 	snop;
	(pc) =	sbr.ind lr, $3  }
0x3a: {  	_ = 	snop  }
0x3b: {  	_ = 	snop  }
0x3c: {  	p2 =	seq.s32 s10, $0x1;
	s10 =	sld [smem:$0x3FB7]  }
0x3d: {  	_ =	shalt  }
0x3e: {  	_ =	shalt  }
0x3f: {  	_ =	shalt  }
0x40: {  	_ =	shalt  }
0x41: {  	_ =	shalt  }
0x42: {  	_ =	shalt  }
0x43: {  	_ =	shalt  }
0x44: {  	_ =	shalt  }
0x45: {  	_ =	shalt  }
0x46: {  	_ =	shalt  }
0x47: {  	_ =	shalt  }
0x48: {  	_ =	shalt  }
0x49: {  	_ =	shalt  }
0x4a: {  	_ =	shalt  }
0x4b: {  	_ =	shalt  }
0x4c: {  	_ =	shalt  }
0x4d: {  	_ =	shalt  }
0x4e: {  	_ =	shalt  }
0x4f: {  	_ =	shalt  }
0x50: {  	_ =	shalt  }
0x51: {  	_ =	shalt  }
0x52: {  	_ =	shalt  }
0x53: {  	_ =	shalt  }
0x54: {  	_ =	shalt  }
0x55: {  	_ =	shalt  }
0x56: {  	_ =	shalt  }
0x57: {  	_ =	shalt  }
0x58: {  	_ =	shalt  }
0x59: {  	_ =	shalt  }
0x5a: {  	_ =	shalt  }
0x5b: {  	_ =	shalt  }
0x5c: {  	_ =	shalt  }
0x5d: {  	_ =	shalt  }
0x5e: {  	_ =	shalt  }
0x5f: {  	_ =	shalt  }
0x60: {  	_ =	shalt  }
0x61: {  	_ =	shalt  }
0x62: {  	_ =	shalt  }
0x63: {  	_ =	shalt  }
0x64: {  	_ =	shalt  }
0x65: {  	_ =	shalt  }
0x66: {  	_ =	shalt  }
0x67: {  	_ =	shalt  }
0x68: {  	_ =	shalt  }
0x69: {  	_ =	shalt  }
0x6a: {  	_ =	shalt  }
0x6b: {  	_ =	shalt  }
0x6c: {  	_ =	shalt  }
0x6d: {  	_ =	shalt  }
0x6e: {  	_ =	shalt  }
0x6f: {  	_ =	shalt  }
0x70: {  	_ =	shalt  }
0x71: {  	_ =	shalt  }
0x72: {  	_ =	shalt  }
0x73: {  	_ =	shalt  }
0x74: {  	_ =	shalt  }
0x75: {  	_ =	shalt  }
0x76: {  	_ =	shalt  }
0x77: {  	_ =	shalt  }
0x78: {  	_ =	shalt  }
0x79: {  	_ =	shalt  }
0x7a: {  	_ =	shalt  }
0x7b: {  	_ =	shalt  }
0x7c: {  	_ =	shalt  }
0x7d: {  	_ =	shalt  }
0x7e: {  	_ =	shalt  }
0x7f: {  	_ =	shalt  }
0x80: {  	_ =	shalt  }
0x81: {  	_ =	shalt  }
0x82: {  	_ =	shalt  }
0x83: {  	_ =	shalt  }
0x84: {  	_ =	shalt  }
0x85: {  	_ =	shalt  }
0x86: {  	_ =	shalt  }
0x87: {  	_ =	shalt  }
.Lfunc_end0:
.L_simem_size_0:
called_computation_lowered:
.L_overlay_start_0:
0x88: {  	s2 =	sld [smem:$0x3FD9]  }
0x89: {  	s3 =	sld [smem:$0x3FFE];
	_ =	sdelay $0x1  }
0x8a: {  	s1 =	srdreg.scid  }
0x8b: {  	s0 =	sand.u32 $0x1, s1  }
0x8c: {  	s16 =	sshll.u32 s0, $0xA;
	s2 =	sadd.s32 s3, s2  }
0x8d: {  	s2 =	sadd.s32 s2, s16  }
0x8e: {  	[smem:$0x3FC3] =	sst s2  }
0x8f: {  	_ = 	snop  }
0x90: {  	(tm) =	ssettm $0x1  }
0x91: {  	s17 =	sld [smem:$0x3FFB];
	_ =	sdelay $0x3  }
0x92: {  	_ =	strace s17  }
0x93: {  	s2 =	sld [smem:$0x3FFC];
	_ =	sdelay $0x3  }
0x94: {  	_ =	strace s2  }
0x95: {  	s2 =	sld [smem:$0x3FFD];
	_ =	sdelay $0x3  }
0x96: {  	_ =	strace s2  }
0x97: {  	_ =	strace $0x8FFFFFFF  }
0x98: {  	s18 =	sld [smem:$0x3FDB];
	_ =	sdelay $0x1  }
0x99: {  	s19 =	simm.s32 $_scs_section_size  }
0x9a: {  	s4 =	simm.s32 $_size__tile_overlayer_lowered;
	s5 =	simm.s32 $_tile_overlayer_lowered  }
0x9b: {  	s22 =	simm.s32 $0x1BFF;
	s21 =	sshll.u32 s5, $0x1;
	s2 =	sadd.s32 s19, s18  }
0x9c: {  	s6 =	simm.s32 $0x0;
	s20 =	sshll.u32 s4, $0x1;
	s4 =	sadd.s32 s21, s2  }
0x9d: {  	[timem:s6], [sflag:s22] =	dma.local [hbm:s4], s20  }
0x9e: {  	_ =	swait.ge [sflag:s22], s20  }
0x9f: {  	s3 =	ssub.s32 $0x0, s20;
	[sflag:s22] =	ssyncset.done $0x0  }
0xa0: {  	[sflag:s22] =	ssyncadd.s32 s3;
	_ =	sdelay $0x1  }
0xa1: {  	s23 =	simm.s32 $0x1B8B  }
0xa2: {  	_ =	swait.ge [sflag:s23], $0x1  }
0xa3: {  	[sflag:s23] =	ssyncset.done $0x0  }
0xa4: {  	s25 =	simm.s32 $0x1B8E;
	s24 =	sld [smem:$0x3FFE];
	[sflag:s23] =	ssyncadd.s32 $0xFFFFFFFF  }
0xa5: {  	s26 =	simm.s32 $execute0_lowered;
	[smem:$0x3FD2] =	sst s25  }
0xa6: {  	s4 =	sshll.u32 s26, $0x1;
	_ =	strace $0x80000046;
	[dreg:$0x1] =	wrdreg $0xFFFFFFFF  }
0xa7: {  	s28 =	simm.s32 $_size_execute0_lowered;
	s2 =	sadd.s32 s2, s4;
	[dreg:$0x0] =	wrdreg $0x0  }
0xa8: {  	s4 =	sshll.u32 s28, $0x1;
	[dreg:$0x2] =	wrdreg s2  }
0xa9: {  	[dreg:$0x3] =	wrdreg s4  }
0xaa: {  	[dreg:$0x4] =	wrdreg $0xC0  }
0xab: {  	_ =	task [dreg:s6], $0x5FFFF  }
0xac: {  	[dreg:$0x1] =	wrdreg $0xFFFFFFFF  }
0xad: {  	[dreg:$0x0] =	wrdreg $0x60  }
0xae: {  	[dreg:$0x2] =	wrdreg s24  }
0xaf: {  	[dreg:$0x3] =	wrdreg $0x9  }
0xb0: {  	_ =	task.clear_ibuf [dreg:s6], $0x4FFFF;
	_ =	strace $0x90000046  }
0xb1: {  	s29 =	simm.s32 $0x9;
	_ =	strace $0x80000048  }
0xb2: {  	_ =	swait.ge [sflag:s29], $0x1  }
0xb3: {  	[sflag:s29] =	ssyncadd.s32 $0xFFFFFFFF  }
0xb4: {  	_ =	strace $0x90000048  }
0xb5: {  	_ =	sfence  }
0xb6: {  	s30 =	sld [smem:$0x0];
	_ =	sdelay $0x2  }
0xb7: {  	s31 =	sshll.u32 s1, $0xD;
	s1 =	sshrl.u32 s1, $0x2  }
0xb8: {  	s3 =	sand.u32 $0x4000, s31;
	s1 =	sadd.s32 s1, s30  }
0xb9: {  	s0 =	sor.u32 s3, s0;
	s1 =	sshll.u32 s1, $0x11  }
0xba: {  	s0 =	sor.u32 s1, s0  }
0xbb: {  	s0 =	sadd.s32 $0x8F2B, s0  }
0xbc: {  	[sflag:s0] =	ssyncadd.remote.s32 $0x1  }
0xbd: {  	_ =	sfence.sel $0xFFFF  }
0xbe: {  	[dreg:$0x0] =	wrdreg $0xFFFFFFFF;
	(pc) =	sbr.abs _section_cstart, $3  }
0xbf: {  	[dreg:$0x1] =	wrdreg $0xFFFFFFFF  }
0xc0: {  	_ =	task.clear_ibuf [dreg:s6], $0x2FFFF;
	_ =	strace $0x9FFFFFFF  }
0xc1: {  	(tm) =	ssettm $0x7FFFFFFF  }
tec
execute0_lowered:
.L_overlay_start_1:
0x0: {  	(tag) =	ssettag $0x1  }
0x1: {  	s0 =	rddreg [dreg:$0x0];
	s2 =	simm.s32 $0x0;
	s4 =	stileid.u32  }
0x2: {  	s3 =	srdreg.scid;
	s14 =	simm.s32 $0x3;
	[smem:$0x7FF] =	sst s2  }
0x3: {  	s1 =	sshll.u32 s4, $0xD;
	s5 =	sand.u32 $0x1, s3;
	s19 =	sadd.s32 $0x121200, s0  }
0x4: {  	s21 =	sadd.s32 $0x21200, s0;
	s8 =	sshll.u32 s4, $0x13;
	s10 =	sadd.s32 $0x221200, s0  }
0x5: {  	s26 =	sshll.u32 s4, $0x10;
	s29 =	sshll.u32 s4, $0x12;
	_ =	strace $0x80000047  }
0x6: {  	s1 =	sadd.s32 s1, s0;
	s6 =	ssub.s32 $0x2, s5;
	[dreg:$0x3] =	wrdreg s10  }
0x7: {  	s9 =	sshll.u32 s5, $0x12;
	[dreg:$0x2] =	wrdreg s21;
	s0 =	sadd.s32 $0x221240, s0  }
0x8: {  	s22 =	sor.u32 s9, s8;
	s1 =	sadd.s32 $0x1200, s1;
	[dreg:$0xa] =	wrdreg s0  }
0x9: {  	s23 =	sshll.u32 s5, $0xF;
	[dreg:$0x4] =	wrdreg s1;
	s28 =	sor.u32 $0x2000, s22  }
0xa: {  	s5 =	sor.u32 s26, s23;
	s1 =	sor.u32 s23, s29;
	[dreg:$0x7] =	wrdreg s28  }
0xb: {  	s24 =	sshrl.u32 s22, $0x3;
	s30 =	sor.u32 $0x800, s5;
	[dreg:$0x8] =	wrdreg s1  }
0xc: {  	s7 =	sshrl.u32 s6, $0x1;
	s25 =	sadd.s32 s19, s24;
	[dreg:$0x9] =	wrdreg s30  }
0xd: {  	s6 =	ssub.s32 s6, s7;
	s3 =	sadd.s32 s21, s24;
	[dreg:$0x5] =	wrdreg s25  }
0xe: {  	s20 =	simm.s32 $0x200;
	s31 =	smax.u32 s6, $0x1;
	[dreg:$0x6] =	wrdreg s3  }
0xf: {  	v0 =	vimm.bf16 $0.0e+00;
	s21 =	simm.s32 $0x400;
	s1 =	simm.s32 $0x0;
	[dreg:$0xb] =	wrdreg s31  }
.LBB2_1:
0x10: {  	[dreg:$0xc] =	wrdreg s1  }
0x11: {  	s0 =	rddreg [dreg:$0x4]  }
0x12: {  	[tilespmem:s2], [sflag:$0x3] =	stream.linear.gather [hbm4b:s0+s2], $0x10000, $0x38;
	[tilespmem:$0x19000] =	vst v63  }
0x13: {  	_ =	swait.ge [sflag:s14], $0x10000  }
0x14: {  	[sflag:s14] =	ssyncset.done $0x0  }
0x15: {  	s28 =	simm.s32 $0x10000;
	s26 =	rddreg [dreg:$0x5];
	[sflag:s14] =	ssyncadd.s32 $0xFFFF0000  }
0x16: {  	[tilespmem:s28], [sflag:$0x1] =	stream.linear.gather [hbm4b:s26+s2], $0x2000, $0x38;
	[tilespmem:$0x19000] =	vst v63  }
0x17: {  	s31 =	simm.s32 $0x12000;
	s29 =	simm.s32 $0x0;
	s30 =	rddreg [dreg:$0x6]  }
0x18: {  	[tilespmem:s31], [sflag:$0x1] =	stream.linear.gather [hbm4b:s30+s2], $0x2000, $0x38;
	[tilespmem:$0x19000] =	vst v63  }
.LBB2_2:
0x19: {  	s0 =	sshll.u32 s29, $0xE;
	s1 =	rddreg [dreg:$0x7]  }
0x1a: {  	s0 =	sadd.s32 s1, s0  }
0x1b: {  	s30 =	simm.s32 $0x0;
	s0 =	sshrl.u32 s0, $0x3  }
0x1c: {  	s3 =	simm.s32 $0x14000;
	s11 =	rddreg [dreg:$0x2];
	s10 =	sadd.s32 s19, s0  }
0x1d: {  	[tilespmem:s3], [sflag:$0x2] =	stream.linear.gather [hbm4b:s10+s30], $0x2000, $0x38;
	[tilespmem:$0x19000] =	vst v63  }
0x1e: {  	s12 =	simm.s32 $0x16000;
	s13 =	simm.s32 $0x1;
	s0 =	sadd.s32 s11, s0  }
0x1f: {  	[tilespmem:s12], [sflag:$0x2] =	stream.linear.gather [hbm4b:s0+s30], $0x2000, $0x38;
	[tilespmem:$0x19000] =	vst v63  }
0x20: {  	_ =	swait.ge [sflag:s13], $0x2000  }
0x21: {  	[sflag:s13] =	ssyncset.done $0x0  }
0x22: {  	[sflag:s13] =	ssyncadd.s32 $0xFFFFE000  }
0x23: {  	s15 =	simm.s32 $0x10;
	_ =	swait.ge [sflag:s13], $0x2000  }
0x24: {  	s5 =	sor.u32 s15, s30;
	s16 =	sand.u32 $0x1C00, s30;
	[sflag:s13] =	ssyncset.done $0x0  }
0x25: {  	s7 =	sand.u32 $0x70, s15;
	s17 =	sor.u32 $0x380, s5;
	[sflag:s13] =	ssyncadd.s32 $0xFFFFE000  }
0x26: {  	s18 =	sor.u32 s16, s7;
	v3 =	vld [tilespmem:s17+$0x12000]  }
0x27: {  	v8 =	vld [tilespmem:s18+$0x12200]  }
0x28: {  	v12 =	vld [tilespmem:s18+$0x12280]  }
0x29: {  	v1 =	vld [tilespmem:s17+$0x10000]  }
0x2a: {  	v2 =	vld [tilespmem:s18+$0x10000]  }
0x2b: {  	v13 =	vld [tilespmem:s18+$0x12100]  }
0x2c: {  	s22 =	sand.u32 $0x7, s30;
	v4 =	vld [tilespmem:s18+$0x12180]  }
0x2d: {  	s1 =	sshll.u32 s22, $0x4;
	v7 =	vld [tilespmem:s18+$0x12000]  }
0x2e: {  	s1 =	sadd.s32 $0x0, s1;
	v6 =	vld [tilespmem:s18+$0x10200]  }
0x2f: {  	s1 =	sadd.s32 $0x10, s1;
	v15 =	vld [tilespmem:s18+$0x10080]  }
0x30: {  	s1 =	sor.u32 $0x300, s1;
	v5 =	vld [tilespmem:s18+$0x12080];
	v9 =	vshll.u32 v2, $0x3;
	v10 =	vand.u32 $0x7F, v1;
	v1 =	vshll.u32 v1, $0x3  }
0x31: {  	s23 =	sand.u32 $0x60, s30;
	v20 =	vld [tilespmem:s1+$0x10000];
	v2 =	vand.u32 $0x7F, v2;
	v9 =	vand.u32 $0xFFFFFC00, v9;
	v1 =	vand.u32 $0xFFFFFC00, v1  }
0x32: {  	s0 =	sor.u32 s23, s16;
	v11 =	vld [tilespmem:s18+$0x10280];
	v9 =	vor.u32 v2, v9;
	v1 =	vor.u32 v10, v1  }
0x33: {  	v56 =	vld [tilespmem:s0+$0x12080];
	v16 =	vshll.u32 v6, $0x3;
	v14 =	vadd.s32 $0xC200, v1  }
0x34: {  	v18 =	vand.u32 $0x7F, v6;
	v6 =	vld [tilespmem:s1+$0x12000];
	v26 =	vshll.u32 v15, $0x3;
	v17 =	vadd.s32 $0xC280, v1  }
0x35: {  	v15 =	vand.u32 $0x7F, v15;
	v16 =	vand.u32 $0xFFFFFC00, v16;
	v2 =	vld [tilespmem:s18+$0x10100];
	v19 =	vadd.s32 $0xC300, v1  }
0x36: {  	v29 =	vshll.u32 v20, $0x3;
	v10 =	vld [tilespmem:s18+$0x10180];
	v16 =	vor.u32 v18, v16;
	v1 =	vadd.s32 $0xC380, v1  }
0x37: {  	v20 =	vand.u32 $0x7F, v20;
	v29 =	vand.u32 $0xFFFFFC00, v29;
	v27 =	vadd.s32 $0x8100, v16;
	v21 =	vld.idx.msk [tilespmem:v9+s2+$0x0], $0xffff  }
0x38: {  	v23 =	vadd.s32 $0x8000, v16;
	v25 =	vadd.s32 $0x8080, v16;
	v16 =	vadd.s32 $0x8180, v16;
	v14 =	vld.idx.msk [tilespmem:v14+s2+$0x0], $0xffff  }
0x39: {  	v26 =	vand.u32 $0xFFFFFC00, v26;
	v20 =	vor.u32 v20, v29;
	v28 =	vor.u32 $0x180, v9;
	v17 =	vld.idx.msk [tilespmem:v17+s2+$0x0], $0xffff  }
0x3a: {  	v18 =	vand.u32 $0x7F, v11;
	v11 =	vshll.u32 v11, $0x3;
	v29 =	vadd.s32 $0xC180, v20;
	v19 =	vld.idx.msk [tilespmem:v19+s2+$0x0], $0xffff  }
0x3b: {  	v15 =	vor.u32 v15, v26;
	v11 =	vand.u32 $0xFFFFFC00, v11;
	v26 =	vld.idx.msk [tilespmem:v1+s2+$0x0], $0xffff  }
0x3c: {  	v51 =	vor.u32 $0x200, v15;
	v11 =	vor.u32 v18, v11;
	v27 =	vld.idx.msk [tilespmem:v27+s2+$0x0], $0xffff  }
0x3d: {  	v53 =	vor.u32 $0x280, v15;
	v18 =	vadd.s32 $0x8200, v11;
	v30 =	vadd.s32 $0x8380, v11;
	v16 =	vld.idx.msk [tilespmem:v16+s2+$0x0], $0xffff  }
0x3e: {  	v22 =	vand.u32 $0x7F, v2;
	v2 =	vshll.u32 v2, $0x3;
	v1 =	vor.u32 $0x380, v15;
	v28 =	vld.idx.msk [tilespmem:v28+s2+$0x0], $0xffff  }
0x3f: {  	v24 =	vand.u32 $0x7F, v10;
	v10 =	vshll.u32 v10, $0x3;
	v2 =	vand.u32 $0xFFFFFC00, v2;
	v29 =	vld.idx.msk [tilespmem:v29+s2+$0x0], $0xffff  }
0x40: {  	v10 =	vand.u32 $0xFFFFFC00, v10;
	v15 =	vor.u32 $0x300, v15;
	v2 =	vor.u32 v22, v2;
	v22 =	vld.idx.msk [tilespmem:v23+s2+$0x0], $0xffff  }
0x41: {  	v10 =	vor.u32 v24, v10;
	v24 =	vld.idx.msk [tilespmem:v25+s2+$0x0], $0xffff;
	v23 =	vadd.s32 $0x4180, v2  }
0x42: {  	v25 =	vadd.s32 $0x4380, v10;
	v18 =	vld.idx.msk [tilespmem:v18+s2+$0x0], $0xffff  }
0x43: {  	v31 =	vld.idx.msk [tilespmem:v1+s2+$0x0], $0xffff;
	v1 =	vadd.s32 $0x8280, v11;
	v11 =	vadd.s32 $0x8300, v11  }
0x44: {  	v30 =	vld.idx.msk [tilespmem:v30+s2+$0x0], $0xffff  }
0x45: {  	v32 =	vadd.s32 $0x4000, v2;
	v15 =	vld.idx.msk [tilespmem:v15+s2+$0x0], $0xffff  }
0x46: {  	v33 =	vadd.s32 $0x4080, v2;
	v23 =	vld.idx.msk [tilespmem:v23+s2+$0x0], $0xffff  }
0x47: {  	v34 =	vadd.s32 $0x4100, v2;
	v36 =	vadd.s32 $0x4200, v10;
	v2 =	vmul.bf16 v17, v3;
	v25 =	vld.idx.msk [tilespmem:v25+s2+$0x0], $0xffff  }
0x48: {  	v37 =	vadd.s32 $0x4280, v10;
	v26 =	vmul.bf16 v26, v3;
	v38 =	vld.idx.msk [tilespmem:v11+s2+$0x0], $0xffff;
	v11 =	vmul.bf16 v21, v7  }
0x49: {  	v10 =	vadd.s32 $0x4300, v10;
	v35 =	vld.idx.msk [tilespmem:v1+s2+$0x0], $0xffff;
	v1 =	vmul.bf16 v14, v3;
	v21 =	vmul.bf16 v22, v8  }
0x4a: {  	v14 =	vld.idx.msk [tilespmem:v32+s2+$0x0], $0xffff;
	v22 =	vmul.bf16 v28, v7;
	v28 =	vor.u32 $0x80, v9;
	v17 =	vmul.bf16 v31, v5  }
0x4b: {  	v3 =	vmul.bf16 v19, v3;
	v19 =	vld.idx.msk [tilespmem:v53+s2+$0x0], $0xffff;
	v23 =	vmul.bf16 v23, v13  }
0x4c: {  	v50 =	vld.idx.msk [tilespmem:v33+s2+$0x0], $0xffff;
	v22 =	vadd.bf16 v0, v22;
	v17 =	vadd.bf16 v0, v17;
	v25 =	vmul.bf16 v25, v4  }
0x4d: {  	v9 =	vor.u32 $0x100, v9;
	v31 =	vld.idx.msk [tilespmem:v34+s2+$0x0], $0xffff  }
0x4e: {  	v16 =	vmul.bf16 v16, v8;
	v22 =	vadd.bf16 v23, v22;
	v23 =	vld.idx.msk [tilespmem:v10+s2+$0x0], $0xffff;
	v10 =	vadd.bf16 v25, v17  }
0x4f: {  	v17 =	vmul.bf16 v30, v12;
	v30 =	vadd.s32 $0xC080, v20;
	v25 =	vld.idx.msk [tilespmem:v28+s2+$0x0], $0xffff;
	v28 =	vadd.s32 $0xC000, v20  }
0x50: {  	v52 =	vld.idx.msk [tilespmem:v36+s2+$0x0], $0xffff;
	v20 =	vadd.s32 $0xC100, v20;
	v14 =	vmul.bf16 v14, v13;
	v19 =	vmul.bf16 v19, v5  }
0x51: {  	v37 =	vld.idx.msk [tilespmem:v37+s2+$0x0], $0xffff;
	v16 =	vadd.bf16 v16, v22;
	v10 =	vadd.bf16 v17, v10;
	v17 =	vmul.bf16 v29, v6  }
0x52: {  	v22 =	vld.idx.msk [tilespmem:v9+s2+$0x0], $0xffff;
	v9 =	vmul.bf16 v24, v8;
	v8 =	vmul.bf16 v27, v8;
	v24 =	vadd.bf16 v0, v11  }
0x53: {  	v29 =	vld.idx.msk [tilespmem:v51+s2+$0x0], $0xffff;
	v11 =	vmul.bf16 v18, v12;
	v27 =	vmul.bf16 v31, v13;
	v19 =	vadd.bf16 v0, v19  }
0x54: {  	v31 =	vld [tilespmem:s0+$0x10000];
	v16 =	vadd.bf16 v17, v16;
	v17 =	vadd.bf16 v26, v10;
	v10 =	vmul.bf16 v35, v12  }
0x55: {  	v26 =	vmul.bf16 v50, v13;
	v24 =	vadd.bf16 v14, v24;
	v12 =	vmul.bf16 v38, v12;
	v35 =	vld [tilespmem:s0+$0x12100]  }
0x56: {  	v14 =	vmul.bf16 v23, v4;
	v18 =	vld.idx.msk [tilespmem:v28+s2+$0x0], $0xffff;
	v16 =	vadd.bf16 v17, v16;
	v28 =	vmul.bf16 v52, v4  }
0x57: {  	v13 =	vld.idx.msk [tilespmem:v20+s2+$0x0], $0xffff;
	v20 =	vmul.bf16 v37, v4;
	v23 =	vmul.bf16 v25, v7;
	v4 =	vadd.bf16 v21, v24  }
0x58: {  	v17 =	vld.idx.msk [tilespmem:v30+s2+$0x0], $0xffff;
	v21 =	vmul.bf16 v22, v7;
	v30 =	vunpack.i.u.bf16.f32 v16;
	v16 =	vunpack.i.l.bf16.f32 v16  }
0x59: {  	v25 =	vld [tilespmem:s0+$0x10080];
	v22 =	vmul.bf16 v29, v5;
	v7 =	vadd.f32 v16, v30;
	v16 =	vadd.bf16 v0, v23  }
0x5a: {  	v24 =	vld [tilespmem:s0+$0x10100];
	v29 =	vmul.bf16 v15, v5;
	v36 =	vadd.bf16 v20, v19;
	v21 =	vadd.bf16 v0, v21  }
0x5b: {  	s24 =	sand.u32 $0x3, s30;
	v37 =	vld [tilespmem:s0+$0x12180];
	v5 =	vshll.u32 v31, $0x3;
	v22 =	vadd.bf16 v0, v22;
	v15 =	vadd.bf16 v26, v16  }
0x5c: {  	s1 =	sshll.u32 s24, $0x5;
	v23 =	vld [tilespmem:s0+$0x10180];
	v16 =	vadd.bf16 v27, v21;
	v21 =	vand.u32 $0x7F, v31;
	v27 =	vand.u32 $0xFFFFFC00, v5  }
0x5d: {  	s1 =	sadd.s32 $0x0, s1;
	v29 =	vadd.bf16 v0, v29;
	v26 =	vld [tilespmem:s0+$0x10280];
	v5 =	vmul.bf16 v18, v6;
	v21 =	vor.u32 v21, v27  }
0x5e: {  	s10 =	sor.u32 $0x300, s1;
	v30 =	vld [tilespmem:s0+$0x10200];
	v18 =	vadd.bf16 v28, v22;
	v22 =	vshll.u32 v25, $0x3;
	v25 =	vand.u32 $0x7F, v25  }
0x5f: {  	s6 =	sor.u32 s30, s30;
	v31 =	vld [tilespmem:s10+$0x10000];
	v17 =	vmul.bf16 v17, v6;
	v22 =	vand.u32 $0xFFFFFC00, v22;
	v54 =	vor.u32 $0x80, v21  }
0x60: {  	s31 =	sor.u32 $0x380, s6;
	v28 =	vld [tilespmem:s0+$0x12000];
	v19 =	vshll.u32 v24, $0x3;
	v55 =	vor.u32 $0x100, v21;
	v22 =	vor.u32 v25, v22  }
0x61: {  	v27 =	vld [tilespmem:s31+$0x10000];
	v25 =	vor.u32 $0x180, v21;
	v20 =	vor.u32 $0x200, v22;
	v57 =	vshll.u32 v23, $0x3  }
0x62: {  	v23 =	vand.u32 $0x7F, v23;
	v38 =	vand.u32 $0xFFFFFC00, v57;
	v59 =	vshll.u32 v26, $0x3;
	v21 =	vld.idx.msk [tilespmem:v21+s2+$0x0], $0xffff  }
0x63: {  	v39 =	vor.u32 $0x280, v22;
	v23 =	vor.u32 v23, v38;
	v38 =	vand.u32 $0xFFFFFC00, v59;
	v59 =	vld [tilespmem:s0+$0x12200]  }
0x64: {  	v24 =	vand.u32 $0x7F, v24;
	v19 =	vand.u32 $0xFFFFFC00, v19;
	v40 =	vor.u32 $0x300, v22;
	v32 =	vld.idx.msk [tilespmem:v54+s2+$0x0], $0xffff  }
0x65: {  	v29 =	vadd.bf16 v14, v29;
	v19 =	vor.u32 v24, v19;
	v22 =	vor.u32 $0x380, v22;
	v24 =	vld.idx.msk [tilespmem:v55+s2+$0x0], $0xffff  }
0x66: {  	v13 =	vmul.bf16 v13, v6;
	v15 =	vadd.bf16 v9, v15;
	v41 =	vadd.s32 $0x4000, v19;
	v25 =	vld.idx.msk [tilespmem:v25+s2+$0x0], $0xffff  }
0x67: {  	v9 =	vadd.bf16 v12, v29;
	v58 =	vshll.u32 v30, $0x3;
	v42 =	vadd.s32 $0x4080, v19;
	v20 =	vld.idx.msk [tilespmem:v20+s2+$0x0], $0xffff  }
0x68: {  	v43 =	vadd.s32 $0x4100, v19;
	v19 =	vadd.s32 $0x4180, v19;
	v30 =	vand.u32 $0x7F, v30;
	v39 =	vld.idx.msk [tilespmem:v39+s2+$0x0], $0xffff  }
0x69: {  	v33 =	vand.u32 $0xFFFFFC00, v58;
	v26 =	vand.u32 $0x7F, v26;
	v47 =	vshll.u32 v31, $0x3;
	v40 =	vld.idx.msk [tilespmem:v40+s2+$0x0], $0xffff  }
0x6a: {  	v30 =	vor.u32 v30, v33;
	v31 =	vand.u32 $0x7F, v31;
	v44 =	vadd.s32 $0x4200, v23;
	v22 =	vld.idx.msk [tilespmem:v22+s2+$0x0], $0xffff  }
0x6b: {  	v45 =	vadd.s32 $0x4280, v23;
	v46 =	vadd.s32 $0x4300, v23;
	v23 =	vadd.s32 $0x4380, v23;
	v60 =	vld.idx.msk [tilespmem:v41+s2+$0x0], $0xffff  }
0x6c: {  	v61 =	vshll.u32 v27, $0x3;
	v62 =	vadd.s32 $0x8000, v30;
	v48 =	vadd.s32 $0x8080, v30;
	v42 =	vld.idx.msk [tilespmem:v42+s2+$0x0], $0xffff  }
0x6d: {  	v49 =	vadd.s32 $0x8100, v30;
	v30 =	vadd.s32 $0x8180, v30;
	v47 =	vand.u32 $0xFFFFFC00, v47;
	v43 =	vld.idx.msk [tilespmem:v43+s2+$0x0], $0xffff  }
0x6e: {  	v27 =	vand.u32 $0x7F, v27;
	v26 =	vor.u32 v26, v38;
	v38 =	vand.u32 $0xFFFFFC00, v61;
	v19 =	vld.idx.msk [tilespmem:v19+s2+$0x0], $0xffff  }
0x6f: {  	v31 =	vor.u32 v31, v47;
	v50 =	vadd.s32 $0x8200, v26;
	v51 =	vadd.s32 $0x8280, v26;
	v44 =	vld.idx.msk [tilespmem:v44+s2+$0x0], $0xffff  }
0x70: {  	v52 =	vadd.s32 $0x8300, v26;
	v26 =	vadd.s32 $0x8380, v26;
	v27 =	vor.u32 v27, v38;
	v45 =	vld.idx.msk [tilespmem:v45+s2+$0x0], $0xffff  }
0x71: {  	v47 =	vadd.s32 $0xC080, v31;
	v41 =	vadd.s32 $0xC100, v31;
	v63 =	vld.idx.msk [tilespmem:v46+s2+$0x0], $0xffff;
	v21 =	vmul.bf16 v21, v28  }
0x72: {  	v53 =	vadd.s32 $0xC280, v27;
	v23 =	vld.idx.msk [tilespmem:v23+s2+$0x0], $0xffff;
	v32 =	vmul.bf16 v32, v28;
	v24 =	vmul.bf16 v24, v28  }
0x73: {  	v46 =	vadd.s32 $0xC000, v31;
	v34 =	vld.idx.msk [tilespmem:v62+s2+$0x0], $0xffff;
	v25 =	vmul.bf16 v25, v28;
	v20 =	vmul.bf16 v20, v56  }
0x74: {  	v49 =	vld.idx.msk [tilespmem:v49+s2+$0x0], $0xffff;
	v28 =	vadd.s32 $0xC180, v31;
	v39 =	vmul.bf16 v39, v56;
	v40 =	vmul.bf16 v40, v56  }
0x75: {  	v30 =	vld.idx.msk [tilespmem:v30+s2+$0x0], $0xffff;
	v22 =	vmul.bf16 v22, v56;
	v56 =	vadd.s32 $0xC200, v27;
	v21 =	vadd.bf16 v0, v21  }
0x76: {  	v42 =	vmul.bf16 v42, v35;
	v57 =	vld.idx.msk [tilespmem:v26+s2+$0x0], $0xffff;
	v26 =	vadd.bf16 v10, v36;
	v32 =	vadd.bf16 v0, v32  }
0x77: {  	v62 =	vld [tilespmem:s0+$0x12280];
	v43 =	vmul.bf16 v43, v35;
	v24 =	vadd.bf16 v0, v24;
	v25 =	vadd.bf16 v0, v25  }
0x78: {  	v31 =	vld.idx.msk [tilespmem:v48+s2+$0x0], $0xffff;
	v19 =	vmul.bf16 v19, v35;
	v20 =	vadd.bf16 v0, v20;
	v39 =	vadd.bf16 v0, v39  }
0x79: {  	v50 =	vld.idx.msk [tilespmem:v50+s2+$0x0], $0xffff;
	v40 =	vadd.bf16 v0, v40;
	v22 =	vadd.bf16 v0, v22;
	v44 =	vmul.bf16 v44, v37  }
0x7a: {  	v51 =	vld.idx.msk [tilespmem:v51+s2+$0x0], $0xffff;
	v45 =	vmul.bf16 v45, v37;
	v32 =	vadd.bf16 v42, v32;
	v14 =	vmul.bf16 v63, v37  }
0x7b: {  	v52 =	vld.idx.msk [tilespmem:v52+s2+$0x0], $0xffff;
	v23 =	vmul.bf16 v23, v37;
	v58 =	vadd.bf16 v43, v24;
	v25 =	vadd.bf16 v19, v25  }
0x7c: {  	v6 =	vld.idx.msk [tilespmem:v41+s2+$0x0], $0xffff;
	v19 =	vmul.bf16 v60, v35;
	v63 =	vadd.s32 $0xC300, v27;
	v24 =	vadd.bf16 v17, v15  }
0x7d: {  	v15 =	vmul.bf16 v49, v59;
	v17 =	vmul.bf16 v30, v59;
	v40 =	vadd.bf16 v14, v40;
	v14 =	vld.idx.msk [tilespmem:v46+s2+$0x0], $0xffff  }
0x7e: {  	s28 =	simm.s32 $0x0;
	s25 =	sand.u32 $0x200, s30;
	s26 =	sand.u32 $0x180, s30;
	v12 =	vmul.bf16 v31, v59;
	v60 =	vadd.bf16 v44, v20;
	v21 =	vadd.bf16 v19, v21;
	v19 =	vld.idx.msk [tilespmem:v47+s2+$0x0], $0xffff  }
0x7f: {  	s6 =	simm.s32 $0x0;
	s17 =	simm.s32 $0x0;
	s0 =	sor.u32 s26, s25;
	v20 =	vadd.bf16 v23, v22;
	v23 =	vadd.s32 $0xC380, v27;
	v22 =	vadd.bf16 v8, v16;
	v8 =	vld.idx.msk [tilespmem:v28+s2+$0x0], $0xffff  }
0x80: {  	s8 =	sor.u32 $0x18000, s0;
	s11 =	sor.u32 $0x18400, s0;
	s9 =	sor.u32 $0x18C00, s0;
	v61 =	vadd.bf16 v45, v39;
	v16 =	vadd.bf16 v11, v18;
	v11 =	vld.idx.msk [tilespmem:v56+s2+$0x0], $0xffff;
	v27 =	vmul.bf16 v50, v62  }
0x81: {  	s12 =	sor.u32 $0x18800, s0;
	s15 =	sor.u32 s23, s8;
	s13 =	sor.u32 s7, s9;
	v30 =	vmul.bf16 v51, v62;
	v15 =	vadd.bf16 v15, v58;
	v10 =	vadd.bf16 v13, v22;
	v13 =	vld.idx.msk [tilespmem:v53+s2+$0x0], $0xffff  }
0x82: {  	s1 =	sor.u32 s23, s11;
	s0 =	sor.u32 s23, s12;
	s16 =	sor.u32 s23, s9;
	v31 =	vmul.bf16 v52, v62;
	v22 =	vadd.bf16 v17, v25;
	v17 =	vadd.bf16 v27, v60;
	v27 =	vld [tilespmem:s10+$0x12000]  }
0x83: {  	s9 =	sor.u32 s7, s8;
	s5 =	sor.u32 s7, s11;
	s18 =	sor.u32 s7, s12;
	v28 =	vmul.bf16 v34, v59;
	v29 =	vmul.bf16 v57, v62;
	v12 =	vadd.bf16 v12, v32;
	v18 =	vld.idx.msk [tilespmem:v63+s2+$0x0], $0xffff  }
0x84: {  	s7 =	simm.s32 $0x1;
	s8 =	simm.s32 $0x0;
	[tilespmem:s13+$0x0] =	vst v7;
	s13 =	simm.s32 $0x0;
	v7 =	vadd.bf16 v31, v40;
	v25 =	vld.idx.msk [tilespmem:v23+s2+$0x0], $0xffff;
	v23 =	vadd.bf16 v30, v61  }
.LBB2_3:
0x85: {  	s10 =	sand.u32 $0x3, s7;
	v28 =	vadd.bf16 v28, v21;
	v29 =	vadd.bf16 v29, v20;
	v20 =	vld [tilespmem:s31+$0x12000]  }
0x86: {  	v1 =	vadd.bf16 v1, v16;
	v2 =	vadd.bf16 v2, v26;
	s30 =	sadd.s32 $0x20, s30;
	s10 =	sshll.u32 s10, $0x5  }
0x87: {  	v4 =	vadd.bf16 v5, v4;
	v3 =	vadd.bf16 v3, v9;
	s8 =	sadd.s32 $0x100, s8;
	s12 =	sand.u32 $0x60, s30;
	s11 =	sadd.s32 $0x10, s30  }
0x88: {  	s24 =	sor.u32 s30, s8;
	s10 =	sadd.s32 s10, s8;
	s23 =	sor.u32 s11, s8;
	v2 =	vadd.bf16 v2, v24  }
0x89: {  	s31 =	sand.u32 $0x1C00, s8;
	s22 =	sand.u32 $0x70, s11;
	v1 =	vadd.bf16 v1, v4;
	s25 =	sor.u32 $0x380, s23;
	v5 =	vmul.bf16 v14, v27;
	v14 =	vmul.bf16 v19, v27  }
0x8a: {  	s11 =	sor.u32 s12, s31;
	v3 =	vadd.bf16 v3, v10;
	s10 =	sor.u32 $0x300, s10;
	s23 =	sor.u32 s31, s22;
	v6 =	vmul.bf16 v6, v27;
	v8 =	vmul.bf16 v8, v27;
	v9 =	vld [tilespmem:s25+$0x12000]  }
0x8b: {  	s31 =	sor.u32 $0x380, s24;
	v11 =	vmul.bf16 v11, v20;
	v13 =	vmul.bf16 v13, v20;
	v10 =	vld [tilespmem:s23+$0x12200];
	v12 =	vadd.bf16 v14, v12  }
0x8c: {  	v6 =	vadd.bf16 v6, v15;
	v14 =	vmul.bf16 v18, v20;
	v15 =	vmul.bf16 v25, v20;
	v4 =	vld [tilespmem:s23+$0x12280]  }
0x8d: {  	v8 =	vadd.bf16 v8, v22;
	v20 =	vunpack.i.u.bf16.f32 v1;
	v17 =	vadd.bf16 v11, v17;
	v16 =	vld [tilespmem:s25+$0x10000]  }
0x8e: {  	v21 =	vunpack.i.l.bf16.f32 v1;
	v13 =	vadd.bf16 v13, v23;
	v7 =	vadd.bf16 v14, v7;
	v18 =	vld [tilespmem:s23+$0x10000]  }
0x8f: {  	v1 =	vadd.bf16 v5, v28;
	v22 =	vunpack.i.u.bf16.f32 v2;
	v5 =	vadd.bf16 v15, v29;
	v11 =	vld [tilespmem:s23+$0x12100]  }
0x90: {  	v23 =	vunpack.i.l.bf16.f32 v2;
	v15 =	vadd.bf16 v13, v12;
	v6 =	vadd.bf16 v7, v6;
	v14 =	vld [tilespmem:s23+$0x12180]  }
0x91: {  	v25 =	vunpack.i.u.bf16.f32 v3;
	v1 =	vadd.bf16 v17, v1;
	v24 =	vadd.bf16 v5, v8;
	v12 =	vld [tilespmem:s23+$0x12000]  }
0x92: {  	s13 =	sadd.s32 $0x2, s13;
	v26 =	vunpack.i.l.bf16.f32 v3;
	v13 =	vunpack.i.u.bf16.f32 v15;
	v15 =	vunpack.i.l.bf16.f32 v15;
	v2 =	vld [tilespmem:s23+$0x10200]  }
0x93: {  	s24 =	sand.u32 $0x7, s13;
	v7 =	vand.u32 $0x7F, v16;
	v8 =	vshll.u32 v16, $0x3;
	v3 =	vshll.u32 v18, $0x3;
	v5 =	vld [tilespmem:s23+$0x12080]  }
0x94: {  	s6 =	sadd.s32 $0x2, s6;
	s24 =	sshll.u32 s24, $0x4;
	v16 =	vand.u32 $0x7F, v18;
	v8 =	vand.u32 $0xFFFFFC00, v8;
	v3 =	vand.u32 $0xFFFFFC00, v3;
	v27 =	vld [tilespmem:s23+$0x10280]  }
0x95: {  	p0 =	slt.u32 s6, $0x3E;
	s24 =	sadd.s32 s8, s24;
	v17 =	vunpack.i.u.bf16.f32 v1;
	v7 =	vor.u32 v7, v8;
	v28 =	vor.u32 v16, v3;
	v3 =	vld [tilespmem:s23+$0x10100]  }
0x96: {  	s24 =	sadd.s32 $0x10, s24;
	v19 =	vunpack.i.l.bf16.f32 v1;
	v29 =	vadd.s32 $0xC200, v7;
	v16 =	vunpack.i.u.bf16.f32 v6;
	v8 =	vld [tilespmem:s23+$0x10180]  }
0x97: {  	v18 =	vunpack.i.l.bf16.f32 v6;
	v31 =	vadd.s32 $0xC280, v7;
	v1 =	vld [tilespmem:s23+$0x10080];
	v30 =	vshll.u32 v2, $0x3;
	s23 =	sor.u32 $0x300, s24  }
0x98: {  	v32 =	vadd.s32 $0xC300, v7;
	v2 =	vand.u32 $0x7F, v2;
	v30 =	vand.u32 $0xFFFFFC00, v30;
	v6 =	vld [tilespmem:s23+$0x12000]  }
0x99: {  	v7 =	vadd.s32 $0xC380, v7;
	v2 =	vor.u32 v2, v30;
	v30 =	vand.u32 $0x7F, v27;
	v33 =	vld [tilespmem:s23+$0x10000]  }
0x9a: {  	v27 =	vshll.u32 v27, $0x3;
	v34 =	vld.idx.msk [tilespmem:v28+s2+$0x0], $0xffff;
	v35 =	vand.u32 $0x7F, v3;
	v36 =	vadd.s32 $0x8000, v2  }
0x9b: {  	v3 =	vshll.u32 v3, $0x3;
	v38 =	vadd.s32 $0x8080, v2;
	v37 =	vand.u32 $0x7F, v8;
	v29 =	vld.idx.msk [tilespmem:v29+s2+$0x0], $0xffff  }
0x9c: {  	v40 =	vadd.s32 $0x8100, v2;
	v8 =	vshll.u32 v8, $0x3;
	v39 =	vshll.u32 v1, $0x3;
	v31 =	vld.idx.msk [tilespmem:v31+s2+$0x0], $0xffff  }
0x9d: {  	v2 =	vadd.s32 $0x8180, v2;
	v1 =	vand.u32 $0x7F, v1;
	v39 =	vand.u32 $0xFFFFFC00, v39;
	v32 =	vld.idx.msk [tilespmem:v32+s2+$0x0], $0xffff  }
0x9e: {  	v41 =	vor.u32 $0x180, v28;
	v39 =	vor.u32 v1, v39;
	v1 =	vand.u32 $0xFFFFFC00, v3;
	v42 =	vld.idx.msk [tilespmem:v7+s2+$0x0], $0xffff  }
0x9f: {  	v3 =	vor.u32 $0x380, v39;
	v35 =	vor.u32 v35, v1;
	v1 =	vand.u32 $0xFFFFFC00, v8;
	v7 =	vld.idx.msk [tilespmem:v36+s2+$0x0], $0xffff  }
0xa0: {  	v8 =	vadd.s32 $0x4180, v35;
	v36 =	vor.u32 v37, v1;
	v37 =	vld.idx.msk [tilespmem:v38+s2+$0x0], $0xffff;
	v1 =	vand.u32 $0xFFFFFC00, v27  }
0xa1: {  	v27 =	vmul.bf16 v34, v12;
	v34 =	vadd.s32 $0x4380, v36;
	v38 =	vld.idx.msk [tilespmem:v40+s2+$0x0], $0xffff;
	v30 =	vor.u32 v30, v1  }
0xa2: {  	v1 =	vmul.bf16 v29, v9;
	v40 =	vld.idx.msk [tilespmem:v2+s2+$0x0], $0xffff;
	v43 =	vadd.s32 $0x8200, v30;
	v2 =	vshll.u32 v33, $0x3  }
0xa3: {  	v33 =	vand.u32 $0x7F, v33;
	v29 =	vld.idx.msk [tilespmem:v41+s2+$0x0], $0xffff;
	v41 =	vadd.s32 $0x8380, v30;
	v2 =	vand.u32 $0xFFFFFC00, v2  }
0xa4: {  	v27 =	vadd.bf16 v0, v27;
	v45 =	vadd.s32 $0x8280, v30;
	v44 =	vld.idx.msk [tilespmem:v3+s2+$0x0], $0xffff;
	v33 =	vor.u32 v33, v2  }
0xa5: {  	v47 =	vmul.bf16 v7, v10;
	v2 =	vmul.bf16 v31, v9;
	v46 =	vld.idx.msk [tilespmem:v8+s2+$0x0], $0xffff;
	v48 =	vadd.s32 $0xC180, v33  }
0xa6: {  	v30 =	vadd.s32 $0x8300, v30;
	v3 =	vmul.bf16 v32, v9;
	v7 =	vmul.bf16 v37, v10;
	v31 =	vld.idx.msk [tilespmem:v34+s2+$0x0], $0xffff  }
0xa7: {  	v32 =	vadd.s32 $0x4000, v35;
	v37 =	vunpack.i.u.bf16.f32 v24;
	v8 =	vmul.bf16 v38, v10;
	v34 =	vld.idx.msk [tilespmem:v43+s2+$0x0], $0xffff  }
0xa8: {  	v20 =	vadd.f32 v21, v20;
	v24 =	vunpack.i.l.bf16.f32 v24;
	v38 =	vadd.s32 $0x4080, v35;
	v41 =	vld.idx.msk [tilespmem:v41+s2+$0x0], $0xffff  }
0xa9: {  	v22 =	vadd.f32 v23, v22;
	v23 =	vadd.f32 v26, v25;
	v21 =	vadd.s32 $0x4100, v35;
	v35 =	vld.idx.msk [tilespmem:v45+s2+$0x0], $0xffff  }
0xaa: {  	v25 =	vmul.bf16 v29, v12;
	v29 =	vadd.s32 $0x4200, v36;
	v26 =	vmul.bf16 v44, v5;
	v43 =	vld.idx.msk [tilespmem:v48+s2+$0x0], $0xffff;
	[tilespmem:s9+$0x0] =	vst v20  }
0xab: {  	v44 =	vadd.s32 $0x4280, v36;
	v36 =	vadd.s32 $0x4300, v36;
	v20 =	vmul.bf16 v46, v11;
	v30 =	vld.idx.msk [tilespmem:v30+s2+$0x0], $0xffff;
	[tilespmem:s5+$0x0] =	vst v22  }
0xac: {  	v22 =	vadd.bf16 v0, v25;
	v25 =	vadd.bf16 v0, v26;
	v31 =	vmul.bf16 v31, v14;
	v26 =	vld.idx.msk [tilespmem:v32+s2+$0x0], $0xffff  }
0xad: {  	v10 =	vmul.bf16 v40, v10;
	v32 =	vor.u32 $0x80, v28;
	v28 =	vor.u32 $0x100, v28;
	v38 =	vld.idx.msk [tilespmem:v38+s2+$0x0], $0xffff;
	[tilespmem:s18+$0x0] =	vst v23  }
0xae: {  	v20 =	vadd.bf16 v20, v22;
	v22 =	vadd.bf16 v31, v25;
	v23 =	vmul.bf16 v41, v4;
	v21 =	vld.idx.msk [tilespmem:v21+s2+$0x0], $0xffff  }
0xaf: {  	v40 =	vmul.bf16 v42, v9;
	v25 =	vor.u32 $0x200, v39;
	v31 =	vor.u32 $0x280, v39;
	v29 =	vld.idx.msk [tilespmem:v29+s2+$0x0], $0xffff  }
0xb0: {  	v20 =	vadd.bf16 v10, v20;
	v22 =	vadd.bf16 v23, v22;
	v23 =	vmul.bf16 v43, v6;
	v41 =	vld.idx.msk [tilespmem:v44+s2+$0x0], $0xffff  }
0xb1: {  	v39 =	vor.u32 $0x300, v39;
	v9 =	vmul.bf16 v35, v4;
	v10 =	vmul.bf16 v34, v4;
	v36 =	vld.idx.msk [tilespmem:v36+s2+$0x0], $0xffff  }
0xb2: {  	v34 =	vadd.s32 $0xC000, v33;
	v20 =	vadd.bf16 v23, v20;
	v22 =	vadd.bf16 v40, v22;
	v32 =	vld.idx.msk [tilespmem:v32+s2+$0x0], $0xffff  }
0xb3: {  	v35 =	vadd.s32 $0xC080, v33;
	v26 =	vmul.bf16 v26, v11;
	v23 =	vld.idx.msk [tilespmem:v28+s2+$0x0], $0xffff;
	v28 =	vmul.bf16 v38, v11  }
0xb4: {  	s28 =	sadd.s32 $0x80, s28;
	s17 =	sadd.s32 $0x10, s17;
	v33 =	vadd.s32 $0xC100, v33;
	v21 =	vmul.bf16 v21, v11;
	v20 =	vadd.bf16 v22, v20;
	v25 =	vld.idx.msk [tilespmem:v25+s2+$0x0], $0xffff  }
0xb5: {  	s9 =	sand.u32 $0x180, s17;
	s5 =	sand.u32 $0x200, s28;
	v26 =	vadd.bf16 v26, v27;
	v11 =	vmul.bf16 v30, v4;
	v27 =	vmul.bf16 v29, v14;
	v22 =	vld.idx.msk [tilespmem:v31+s2+$0x0], $0xffff  }
0xb6: {  	s5 =	sor.u32 s9, s5;
	v30 =	vmul.bf16 v41, v14;
	v31 =	vunpack.i.u.bf16.f32 v20;
	v20 =	vunpack.i.l.bf16.f32 v20;
	v29 =	vld.idx.msk [tilespmem:v39+s2+$0x0], $0xffff  }
0xb7: {  	s9 =	sor.u32 $0x18000, s5;
	s18 =	sor.u32 $0x18400, s5;
	s23 =	sor.u32 $0x18C00, s5;
	v4 =	vadd.bf16 v47, v26;
	v14 =	vmul.bf16 v36, v14;
	v20 =	vadd.f32 v20, v31;
	v26 =	vld.idx.msk [tilespmem:v34+s2+$0x0], $0xffff  }
0xb8: {  	v17 =	vadd.f32 v19, v17;
	v13 =	vadd.f32 v15, v13;
	s25 =	sor.u32 $0x18800, s5;
	s24 =	sor.u32 s12, s9;
	s5 =	sor.u32 s22, s23;
	v31 =	vmul.bf16 v32, v12;
	v32 =	vld.idx.msk [tilespmem:v35+s2+$0x0], $0xffff  }
0xb9: {  	v16 =	vadd.f32 v18, v16;
	s3 =	sor.u32 s12, s18;
	s4 =	sor.u32 s12, s25;
	s12 =	sor.u32 s12, s23;
	v15 =	vmul.bf16 v23, v12;
	v12 =	vld.idx.msk [tilespmem:v33+s2+$0x0], $0xffff;
	[tilespmem:s5+$0x0] =	vst v20  }
0xba: {  	s9 =	sor.u32 s22, s9;
	v19 =	vadd.bf16 v0, v31;
	v20 =	vmul.bf16 v25, v5;
	s5 =	sor.u32 s22, s18;
	s18 =	sor.u32 s22, s25;
	v18 =	vld [tilespmem:s11+$0x10000];
	[tilespmem:s15+$0x0] =	vst v17;
	v17 =	vadd.f32 v24, v37  }
0xbb: {  	v15 =	vadd.bf16 v0, v15;
	v22 =	vmul.bf16 v22, v5;
	s15 =	smov.u32 s24;
	v23 =	vld [tilespmem:s11+$0x10080];
	[tilespmem:s1+$0x0] =	vst v13;
	s1 =	smov.u32 s3  }
0xbc: {  	v20 =	vadd.bf16 v0, v20;
	v25 =	vmul.bf16 v29, v5;
	v13 =	vadd.bf16 v28, v19;
	v24 =	vld [tilespmem:s11+$0x10100];
	[tilespmem:s0+$0x0] =	vst v16;
	s0 =	smov.u32 s4  }
0xbd: {  	v22 =	vadd.bf16 v0, v22;
	v16 =	vadd.bf16 v21, v15;
	v5 =	vmul.bf16 v26, v6;
	v28 =	vld [tilespmem:s11+$0x10180];
	[tilespmem:s16+$0x0] =	vst v17;
	s16 =	smov.u32 s12  }
0xbe: {  	v19 =	vadd.bf16 v0, v25;
	v17 =	vadd.bf16 v27, v20;
	v15 =	vmul.bf16 v32, v6;
	v21 =	vld [tilespmem:s11+$0x10200]  }
0xbf: {  	v20 =	vand.u32 $0x7F, v18;
	v25 =	vshll.u32 v18, $0x3;
	v26 =	vld [tilespmem:s11+$0x10280];
	v18 =	vadd.bf16 v30, v22  }
0xc0: {  	v22 =	vand.u32 $0xFFFFFC00, v25;
	v25 =	vand.u32 $0x7F, v23;
	v23 =	vshll.u32 v23, $0x3;
	v27 =	vld [tilespmem:s10+$0x10000]  }
0xc1: {  	v20 =	vor.u32 v20, v22;
	v22 =	vand.u32 $0xFFFFFC00, v23;
	v23 =	vshll.u32 v24, $0x3;
	v29 =	vld [tilespmem:s31+$0x10000]  }
0xc2: {  	v30 =	vld [tilespmem:s11+$0x12000];
	v31 =	vor.u32 $0x80, v20;
	v22 =	vor.u32 v25, v22;
	v25 =	vshll.u32 v28, $0x3  }
0xc3: {  	v32 =	vor.u32 $0x100, v20;
	v33 =	vor.u32 $0x180, v20;
	v34 =	vld [tilespmem:s11+$0x12080];
	v35 =	vor.u32 $0x200, v22  }
0xc4: {  	v36 =	vor.u32 $0x280, v22;
	v37 =	vor.u32 $0x300, v22;
	v22 =	vor.u32 $0x380, v22;
	v38 =	vld [tilespmem:s11+$0x12100]  }
0xc5: {  	v24 =	vand.u32 $0x7F, v24;
	v23 =	vand.u32 $0xFFFFFC00, v23;
	v25 =	vand.u32 $0xFFFFFC00, v25;
	v39 =	vld [tilespmem:s11+$0x12180]  }
0xc6: {  	v23 =	vor.u32 v24, v23;
	v24 =	vand.u32 $0x7F, v28;
	v28 =	vshll.u32 v21, $0x3;
	v20 =	vld.idx.msk [tilespmem:v20+s2+$0x0], $0xffff  }
0xc7: {  	v40 =	vadd.s32 $0x4000, v23;
	v24 =	vor.u32 v24, v25;
	v25 =	vshll.u32 v26, $0x3;
	v31 =	vld.idx.msk [tilespmem:v31+s2+$0x0], $0xffff  }
0xc8: {  	v41 =	vadd.s32 $0x4080, v23;
	v42 =	vadd.s32 $0x4100, v23;
	v23 =	vadd.s32 $0x4180, v23;
	v32 =	vld.idx.msk [tilespmem:v32+s2+$0x0], $0xffff  }
0xc9: {  	v43 =	vadd.s32 $0x4200, v24;
	v44 =	vadd.s32 $0x4280, v24;
	v45 =	vadd.s32 $0x4300, v24;
	v33 =	vld.idx.msk [tilespmem:v33+s2+$0x0], $0xffff  }
0xca: {  	v28 =	vand.u32 $0xFFFFFC00, v28;
	v24 =	vadd.s32 $0x4380, v24;
	v25 =	vand.u32 $0xFFFFFC00, v25;
	v35 =	vld.idx.msk [tilespmem:v35+s2+$0x0], $0xffff  }
0xcb: {  	v21 =	vand.u32 $0x7F, v21;
	v26 =	vand.u32 $0x7F, v26;
	v46 =	vshll.u32 v27, $0x3;
	v36 =	vld.idx.msk [tilespmem:v36+s2+$0x0], $0xffff  }
0xcc: {  	v21 =	vor.u32 v21, v28;
	v25 =	vor.u32 v26, v25;
	v26 =	vshll.u32 v29, $0x3;
	v37 =	vld.idx.msk [tilespmem:v37+s2+$0x0], $0xffff  }
0xcd: {  	v28 =	vadd.s32 $0x8000, v21;
	v47 =	vadd.s32 $0x8080, v21;
	v48 =	vadd.s32 $0x8100, v21;
	v22 =	vld.idx.msk [tilespmem:v22+s2+$0x0], $0xffff  }
0xce: {  	v21 =	vadd.s32 $0x8180, v21;
	v49 =	vadd.s32 $0x8200, v25;
	v50 =	vadd.s32 $0x8280, v25;
	v40 =	vld.idx.msk [tilespmem:v40+s2+$0x0], $0xffff  }
0xcf: {  	v46 =	vand.u32 $0xFFFFFC00, v46;
	v51 =	vadd.s32 $0x8300, v25;
	v25 =	vadd.s32 $0x8380, v25;
	v41 =	vld.idx.msk [tilespmem:v41+s2+$0x0], $0xffff  }
0xd0: {  	v27 =	vand.u32 $0x7F, v27;
	v29 =	vand.u32 $0x7F, v29;
	v26 =	vand.u32 $0xFFFFFC00, v26;
	v42 =	vld.idx.msk [tilespmem:v42+s2+$0x0], $0xffff  }
0xd1: {  	v27 =	vor.u32 v27, v46;
	v26 =	vor.u32 v29, v26;
	v31 =	vmul.bf16 v31, v30;
	v23 =	vld.idx.msk [tilespmem:v23+s2+$0x0], $0xffff  }
0xd2: {  	v29 =	vmul.bf16 v32, v30;
	v32 =	vmul.bf16 v33, v30;
	v33 =	vld.idx.msk [tilespmem:v43+s2+$0x0], $0xffff;
	v43 =	vadd.s32 $0xC000, v27  }
0xd3: {  	v46 =	vadd.s32 $0xC080, v27;
	v35 =	vmul.bf16 v35, v34;
	v36 =	vmul.bf16 v36, v34;
	v44 =	vld.idx.msk [tilespmem:v44+s2+$0x0], $0xffff  }
0xd4: {  	v37 =	vmul.bf16 v37, v34;
	v22 =	vmul.bf16 v22, v34;
	v34 =	vld.idx.msk [tilespmem:v45+s2+$0x0], $0xffff;
	v45 =	vadd.s32 $0xC100, v27  }
0xd5: {  	v20 =	vmul.bf16 v20, v30;
	v30 =	vadd.s32 $0xC200, v26;
	v27 =	vadd.s32 $0xC180, v27;
	v24 =	vld.idx.msk [tilespmem:v24+s2+$0x0], $0xffff  }
0xd6: {  	v52 =	vadd.s32 $0xC280, v26;
	v53 =	vadd.s32 $0xC300, v26;
	v54 =	vadd.s32 $0xC380, v26;
	v28 =	vld.idx.msk [tilespmem:v28+s2+$0x0], $0xffff  }
0xd7: {  	v26 =	vadd.bf16 v0, v31;
	v29 =	vadd.bf16 v0, v29;
	v31 =	vmul.bf16 v40, v38;
	v40 =	vld.idx.msk [tilespmem:v47+s2+$0x0], $0xffff  }
0xd8: {  	v32 =	vadd.bf16 v0, v32;
	v35 =	vadd.bf16 v0, v35;
	v41 =	vmul.bf16 v41, v38;
	v47 =	vld.idx.msk [tilespmem:v48+s2+$0x0], $0xffff  }
0xd9: {  	v36 =	vadd.bf16 v0, v36;
	v37 =	vadd.bf16 v0, v37;
	v42 =	vmul.bf16 v42, v38;
	v48 =	vld.idx.msk [tilespmem:v21+s2+$0x0], $0xffff  }
0xda: {  	v21 =	vadd.bf16 v0, v20;
	v20 =	vadd.bf16 v0, v22;
	v22 =	vmul.bf16 v23, v38;
	v23 =	vld.idx.msk [tilespmem:v49+s2+$0x0], $0xffff  }
0xdb: {  	v33 =	vmul.bf16 v33, v39;
	v38 =	vmul.bf16 v44, v39;
	v49 =	vadd.bf16 v14, v19;
	v44 =	vld.idx.msk [tilespmem:v50+s2+$0x0], $0xffff  }
0xdc: {  	v41 =	vadd.bf16 v41, v26;
	v14 =	vmul.bf16 v34, v39;
	v19 =	vmul.bf16 v24, v39;
	v34 =	vld.idx.msk [tilespmem:v51+s2+$0x0], $0xffff  }
0xdd: {  	v12 =	vmul.bf16 v12, v6;
	v29 =	vadd.bf16 v42, v29;
	v22 =	vadd.bf16 v22, v32;
	v25 =	vld.idx.msk [tilespmem:v25+s2+$0x0], $0xffff  }
0xde: {  	v32 =	vadd.bf16 v33, v35;
	v33 =	vadd.bf16 v38, v36;
	v35 =	vld [tilespmem:s11+$0x12200]  }
0xdf: {  	v36 =	vadd.bf16 v14, v37;
	v20 =	vadd.bf16 v19, v20;
	v37 =	vld [tilespmem:s11+$0x12280]  }
0xe0: {  	v7 =	vadd.bf16 v7, v13;
	v21 =	vadd.bf16 v31, v21;
	v14 =	vld.idx.msk [tilespmem:v43+s2+$0x0], $0xffff  }
0xe1: {  	v13 =	vadd.bf16 v8, v16;
	v16 =	vadd.bf16 v10, v17;
	v19 =	vld.idx.msk [tilespmem:v46+s2+$0x0], $0xffff  }
0xe2: {  	v26 =	vadd.bf16 v9, v18;
	v9 =	vadd.bf16 v11, v49;
	v6 =	vld.idx.msk [tilespmem:v45+s2+$0x0], $0xffff  }
0xe3: {  	v24 =	vadd.bf16 v15, v7;
	v28 =	vmul.bf16 v28, v35;
	v17 =	vmul.bf16 v40, v35;
	v8 =	vld.idx.msk [tilespmem:v27+s2+$0x0], $0xffff  }
.Ltmp0:
0xe4: {  	v10 =	vadd.bf16 v12, v13;
	v7 =	vmul.bf16 v47, v35;
	v27 =	vmul.bf16 v48, v35;
	v11 =	vld.idx.msk [tilespmem:v30+s2+$0x0], $0xffff;
	(pc) =	sbr.rel @p0 .LBB2_3-.Ltmp0, $4  }
0xe5: {  	v12 =	vadd.bf16 v17, v41;
	v17 =	vmul.bf16 v23, v37;
	v23 =	vmul.bf16 v44, v37;
	v13 =	vld.idx.msk [tilespmem:v52+s2+$0x0], $0xffff  }
0xe6: {  	v15 =	vadd.bf16 v7, v29;
	v7 =	vmul.bf16 v34, v37;
	v29 =	vmul.bf16 v25, v37;
	v18 =	vld.idx.msk [tilespmem:v53+s2+$0x0], $0xffff  }
0xe7: {  	v22 =	vadd.bf16 v27, v22;
	v17 =	vadd.bf16 v17, v32;
	v25 =	vld.idx.msk [tilespmem:v54+s2+$0x0], $0xffff  }
0xe8: {  	s7 =	sadd.s32 $0x1, s7;
	v23 =	vadd.bf16 v23, v33;
	v7 =	vadd.bf16 v7, v36;
	v27 =	vld [tilespmem:s10+$0x12000]  }
0xe9: {  	_ = 	snop  }
0xea: {  	v21 =	vadd.bf16 v28, v21;
	v28 =	vld [tilespmem:s31+$0x12000];
	v2 =	vadd.bf16 v2, v26  }
0xeb: {  	v1 =	vadd.bf16 v1, v16;
	v4 =	vadd.bf16 v5, v4  }
0xec: {  	v20 =	vadd.bf16 v29, v20;
	v3 =	vadd.bf16 v3, v9  }
0xed: {  	v2 =	vadd.bf16 v2, v24;
	v1 =	vadd.bf16 v1, v4;
	v5 =	vmul.bf16 v14, v27  }
0xee: {  	v3 =	vadd.bf16 v3, v10;
	v9 =	vmul.bf16 v19, v27;
	v4 =	vmul.bf16 v6, v27  }
0xef: {  	v6 =	vmul.bf16 v8, v27;
	v10 =	vmul.bf16 v13, v28;
	v13 =	vunpack.i.u.bf16.f32 v1  }
0xf0: {  	v1 =	vunpack.i.l.bf16.f32 v1;
	v8 =	vadd.bf16 v9, v12;
	v9 =	vmul.bf16 v11, v28  }
0xf1: {  	v4 =	vadd.bf16 v4, v15;
	v11 =	vmul.bf16 v18, v28;
	v6 =	vadd.bf16 v6, v22  }
0xf2: {  	v12 =	vmul.bf16 v25, v28;
	v5 =	vadd.bf16 v5, v21;
	v1 =	vadd.f32 v1, v13  }
0xf3: {  	v10 =	vadd.bf16 v10, v23;
	v7 =	vadd.bf16 v11, v7  }
0xf4: {  	v9 =	vadd.bf16 v9, v17;
	v11 =	vadd.bf16 v12, v20  }
0xf5: {  	v8 =	vadd.bf16 v10, v8;
	v10 =	vunpack.i.u.bf16.f32 v2;
	v4 =	vadd.bf16 v7, v4  }
0xf6: {  	v2 =	vunpack.i.l.bf16.f32 v2;
	v5 =	vadd.bf16 v9, v5;
	v6 =	vadd.bf16 v11, v6  }
0xf7: {  	v7 =	vunpack.i.u.bf16.f32 v3;
	v3 =	vunpack.i.l.bf16.f32 v3;
	v2 =	vadd.f32 v2, v10  }
0xf8: {  	[tilespmem:s9+$0x0] =	vst v1;
	v3 =	vadd.f32 v3, v7;
	v9 =	vunpack.i.u.bf16.f32 v5;
	v5 =	vunpack.i.l.bf16.f32 v5  }
0xf9: {  	v1 =	vunpack.i.u.bf16.f32 v8;
	v7 =	vunpack.i.l.bf16.f32 v8;
	[tilespmem:s5+$0x0] =	vst v2;
	v2 =	vadd.f32 v5, v9  }
0xfa: {  	v1 =	vadd.f32 v7, v1;
	v5 =	vunpack.i.u.bf16.f32 v4;
	v4 =	vunpack.i.l.bf16.f32 v4;
	[tilespmem:s18+$0x0] =	vst v3  }
0xfb: {  	v3 =	vunpack.i.u.bf16.f32 v6;
	v6 =	vunpack.i.l.bf16.f32 v6;
	v4 =	vadd.f32 v4, v5;
	[tilespmem:s15+$0x0] =	vst v2  }
0xfc: {  	v2 =	vadd.f32 v6, v3;
	[tilespmem:s1+$0x0] =	vst v1  }
0xfd: {  	s3 =	sshll.u32 s29, $0xB;
	s1 =	rddreg [dreg:$0x8];
	[tilespmem:s0+$0x0] =	vst v4  }
0xfe: {  	s1 =	sadd.s32 s1, s3;
	[tilespmem:s16+$0x0] =	vst v2  }
0xff: {  	s30 =	sshrl.u32 s1, $0x3;
	s0 =	rddreg [dreg:$0x3]  }
0x100: {  	s4 =	simm.s32 $0x18000;
	s0 =	sadd.s32 s0, s30  }
0x101: {  	[hbm4b:s0+s20] =	stream.strided.scatter [tilespmem:s4], [sflag:$0x3], $0x400, s21, s20, $0x38;
	[tilespmem:$0x19000] =	vst v63  }
0x102: {  	s5 =	sadd.s32 $0x2000, s0;
	s4 =	simm.s32 $0x18400  }
0x103: {  	[hbm4b:s5+s20] =	stream.strided.scatter [tilespmem:s4], [sflag:$0x3], $0x400, s21, s20, $0x38;
	[tilespmem:$0x19000] =	vst v63  }
0x104: {  	s7 =	simm.s32 $0x18800;
	s6 =	sadd.s32 $0x4000, s0  }
0x105: {  	[hbm4b:s6+s20] =	stream.strided.scatter [tilespmem:s7], [sflag:$0x3], $0x400, s21, s20, $0x38;
	[tilespmem:$0x19000] =	vst v63  }
0x106: {  	s8 =	simm.s32 $0x18C00;
	s0 =	sadd.s32 $0x6000, s0  }
0x107: {  	[hbm4b:s0+s20] =	stream.strided.scatter [tilespmem:s8], [sflag:$0x3], $0x400, s21, s20, $0x38;
	[tilespmem:$0x19000] =	vst v63  }
0x108: {  	_ =	swait.ge [sflag:s14], $0x1000  }
0x109: {  	p0 =	seq.s32 s29, $0xF;
	s0 =	rddreg [dreg:$0x9]  }
0x10a: {  	s4 =	simm.s32 @!p0 $0x10000;
	[sflag:s14] =	ssyncset.done $0x0;
	s0 =	sadd.s32 @!p0 s3, s0  }
0x10b: {  	[sflag:s14] =	ssyncadd.s32 $0xFFFFF000;
	s3 =	simm.s32 @!p0 $0x0;
	s1 =	sadd.s32 @!p0 s19, s0  }
0x10c: {  	[tilespmem:s4], [sflag:$0x1] =	stream.linear.gather @!p0 [hbm4b:s1+s3], $0x2000, $0x38;
	[tilespmem:$0x19000] =	vst v63  }
0x10d: {  	s1 =	rddreg [dreg:$0x2]  }
0x10e: {  	s9 =	simm.s32 $0x2;
	s0 =	sadd.s32 @!p0 s1, s0;
	s1 =	simm.s32 @!p0 $0x12000  }
0x10f: {  	[tilespmem:s1], [sflag:$0x1] =	stream.linear.gather @!p0 [hbm4b:s0+s3], $0x2000, $0x38;
	[tilespmem:$0x19000] =	vst v63  }
0x110: {  	_ =	swait.ge [sflag:s9], $0x2000  }
0x111: {  	[sflag:s9] =	ssyncset.done $0x0  }
0x112: {  	[sflag:s9] =	ssyncadd.s32 $0xFFFFE000  }
0x113: {  	s31 =	simm.s32 $0x0;
	s10 =	simm.s32 $0x10;
	_ =	swait.ge [sflag:s9], $0x2000  }
0x114: {  	s11 =	sor.u32 s10, s31;
	s12 =	sand.u32 $0x1C00, s31;
	[sflag:s9] =	ssyncset.done $0x0  }
0x115: {  	s13 =	sand.u32 $0x70, s10;
	s15 =	sor.u32 $0x380, s11;
	[sflag:s9] =	ssyncadd.s32 $0xFFFFE000  }
0x116: {  	s16 =	sor.u32 s12, s13;
	v3 =	vld [tilespmem:s15+$0x16000]  }
0x117: {  	v8 =	vld [tilespmem:s16+$0x16200]  }
0x118: {  	v12 =	vld [tilespmem:s16+$0x16280]  }
0x119: {  	v1 =	vld [tilespmem:s15+$0x14000]  }
0x11a: {  	v2 =	vld [tilespmem:s16+$0x14000]  }
0x11b: {  	v13 =	vld [tilespmem:s16+$0x16100]  }
0x11c: {  	s17 =	sand.u32 $0x7, s31;
	v4 =	vld [tilespmem:s16+$0x16180]  }
0x11d: {  	s1 =	sshll.u32 s17, $0x4;
	v7 =	vld [tilespmem:s16+$0x16000]  }
0x11e: {  	s1 =	sadd.s32 $0x0, s1;
	v6 =	vld [tilespmem:s16+$0x14200]  }
0x11f: {  	s1 =	sadd.s32 $0x10, s1;
	v15 =	vld [tilespmem:s16+$0x14080]  }
0x120: {  	s1 =	sor.u32 $0x300, s1;
	v5 =	vld [tilespmem:s16+$0x16080];
	v9 =	vshll.u32 v2, $0x3;
	v10 =	vand.u32 $0x7F, v1;
	v1 =	vshll.u32 v1, $0x3  }
0x121: {  	s6 =	sand.u32 $0x60, s31;
	v20 =	vld [tilespmem:s1+$0x14000];
	v2 =	vand.u32 $0x7F, v2;
	v9 =	vand.u32 $0xFFFFFC00, v9;
	v1 =	vand.u32 $0xFFFFFC00, v1  }
0x122: {  	s18 =	sor.u32 s6, s12;
	v11 =	vld [tilespmem:s16+$0x14280];
	v9 =	vor.u32 v2, v9;
	v1 =	vor.u32 v10, v1  }
0x123: {  	v56 =	vld [tilespmem:s18+$0x16080];
	v16 =	vshll.u32 v6, $0x3;
	v14 =	vadd.s32 $0xC200, v1  }
0x124: {  	v18 =	vand.u32 $0x7F, v6;
	v6 =	vld [tilespmem:s1+$0x16000];
	v26 =	vshll.u32 v15, $0x3;
	v17 =	vadd.s32 $0xC280, v1  }
0x125: {  	v15 =	vand.u32 $0x7F, v15;
	v16 =	vand.u32 $0xFFFFFC00, v16;
	v2 =	vld [tilespmem:s16+$0x14100];
	v19 =	vadd.s32 $0xC300, v1  }
0x126: {  	v29 =	vshll.u32 v20, $0x3;
	v10 =	vld [tilespmem:s16+$0x14180];
	v16 =	vor.u32 v18, v16;
	v1 =	vadd.s32 $0xC380, v1  }
0x127: {  	v20 =	vand.u32 $0x7F, v20;
	v29 =	vand.u32 $0xFFFFFC00, v29;
	v27 =	vadd.s32 $0x8100, v16;
	v21 =	vld.idx.msk [tilespmem:v9+s2+$0x0], $0xffff  }
0x128: {  	v23 =	vadd.s32 $0x8000, v16;
	v25 =	vadd.s32 $0x8080, v16;
	v16 =	vadd.s32 $0x8180, v16;
	v14 =	vld.idx.msk [tilespmem:v14+s2+$0x0], $0xffff  }
0x129: {  	v26 =	vand.u32 $0xFFFFFC00, v26;
	v20 =	vor.u32 v20, v29;
	v28 =	vor.u32 $0x180, v9;
	v17 =	vld.idx.msk [tilespmem:v17+s2+$0x0], $0xffff  }
0x12a: {  	v18 =	vand.u32 $0x7F, v11;
	v11 =	vshll.u32 v11, $0x3;
	v29 =	vadd.s32 $0xC180, v20;
	v19 =	vld.idx.msk [tilespmem:v19+s2+$0x0], $0xffff  }
0x12b: {  	v15 =	vor.u32 v15, v26;
	v11 =	vand.u32 $0xFFFFFC00, v11;
	v26 =	vld.idx.msk [tilespmem:v1+s2+$0x0], $0xffff  }
0x12c: {  	v51 =	vor.u32 $0x200, v15;
	v11 =	vor.u32 v18, v11;
	v27 =	vld.idx.msk [tilespmem:v27+s2+$0x0], $0xffff  }
0x12d: {  	v53 =	vor.u32 $0x280, v15;
	v18 =	vadd.s32 $0x8200, v11;
	v30 =	vadd.s32 $0x8380, v11;
	v16 =	vld.idx.msk [tilespmem:v16+s2+$0x0], $0xffff  }
0x12e: {  	v22 =	vand.u32 $0x7F, v2;
	v2 =	vshll.u32 v2, $0x3;
	v1 =	vor.u32 $0x380, v15;
	v28 =	vld.idx.msk [tilespmem:v28+s2+$0x0], $0xffff  }
0x12f: {  	v24 =	vand.u32 $0x7F, v10;
	v10 =	vshll.u32 v10, $0x3;
	v2 =	vand.u32 $0xFFFFFC00, v2;
	v29 =	vld.idx.msk [tilespmem:v29+s2+$0x0], $0xffff  }
0x130: {  	v10 =	vand.u32 $0xFFFFFC00, v10;
	v15 =	vor.u32 $0x300, v15;
	v2 =	vor.u32 v22, v2;
	v22 =	vld.idx.msk [tilespmem:v23+s2+$0x0], $0xffff  }
0x131: {  	v10 =	vor.u32 v24, v10;
	v24 =	vld.idx.msk [tilespmem:v25+s2+$0x0], $0xffff;
	v23 =	vadd.s32 $0x4180, v2  }
0x132: {  	v25 =	vadd.s32 $0x4380, v10;
	v18 =	vld.idx.msk [tilespmem:v18+s2+$0x0], $0xffff  }
0x133: {  	v31 =	vld.idx.msk [tilespmem:v1+s2+$0x0], $0xffff;
	v1 =	vadd.s32 $0x8280, v11;
	v11 =	vadd.s32 $0x8300, v11  }
0x134: {  	v30 =	vld.idx.msk [tilespmem:v30+s2+$0x0], $0xffff  }
0x135: {  	v32 =	vadd.s32 $0x4000, v2;
	v15 =	vld.idx.msk [tilespmem:v15+s2+$0x0], $0xffff  }
0x136: {  	v33 =	vadd.s32 $0x4080, v2;
	v23 =	vld.idx.msk [tilespmem:v23+s2+$0x0], $0xffff  }
0x137: {  	v34 =	vadd.s32 $0x4100, v2;
	v36 =	vadd.s32 $0x4200, v10;
	v2 =	vmul.bf16 v17, v3;
	v25 =	vld.idx.msk [tilespmem:v25+s2+$0x0], $0xffff  }
0x138: {  	v37 =	vadd.s32 $0x4280, v10;
	v26 =	vmul.bf16 v26, v3;
	v38 =	vld.idx.msk [tilespmem:v11+s2+$0x0], $0xffff;
	v11 =	vmul.bf16 v21, v7  }
0x139: {  	v10 =	vadd.s32 $0x4300, v10;
	v35 =	vld.idx.msk [tilespmem:v1+s2+$0x0], $0xffff;
	v1 =	vmul.bf16 v14, v3;
	v21 =	vmul.bf16 v22, v8  }
0x13a: {  	v14 =	vld.idx.msk [tilespmem:v32+s2+$0x0], $0xffff;
	v22 =	vmul.bf16 v28, v7;
	v28 =	vor.u32 $0x80, v9;
	v17 =	vmul.bf16 v31, v5  }
0x13b: {  	v3 =	vmul.bf16 v19, v3;
	v19 =	vld.idx.msk [tilespmem:v53+s2+$0x0], $0xffff;
	v23 =	vmul.bf16 v23, v13  }
0x13c: {  	v50 =	vld.idx.msk [tilespmem:v33+s2+$0x0], $0xffff;
	v22 =	vadd.bf16 v0, v22;
	v17 =	vadd.bf16 v0, v17;
	v25 =	vmul.bf16 v25, v4  }
0x13d: {  	v9 =	vor.u32 $0x100, v9;
	v31 =	vld.idx.msk [tilespmem:v34+s2+$0x0], $0xffff  }
0x13e: {  	v16 =	vmul.bf16 v16, v8;
	v22 =	vadd.bf16 v23, v22;
	v23 =	vld.idx.msk [tilespmem:v10+s2+$0x0], $0xffff;
	v10 =	vadd.bf16 v25, v17  }
0x13f: {  	v17 =	vmul.bf16 v30, v12;
	v30 =	vadd.s32 $0xC080, v20;
	v25 =	vld.idx.msk [tilespmem:v28+s2+$0x0], $0xffff;
	v28 =	vadd.s32 $0xC000, v20  }
0x140: {  	v52 =	vld.idx.msk [tilespmem:v36+s2+$0x0], $0xffff;
	v20 =	vadd.s32 $0xC100, v20;
	v14 =	vmul.bf16 v14, v13;
	v19 =	vmul.bf16 v19, v5  }
0x141: {  	v37 =	vld.idx.msk [tilespmem:v37+s2+$0x0], $0xffff;
	v16 =	vadd.bf16 v16, v22;
	v10 =	vadd.bf16 v17, v10;
	v17 =	vmul.bf16 v29, v6  }
0x142: {  	v22 =	vld.idx.msk [tilespmem:v9+s2+$0x0], $0xffff;
	v9 =	vmul.bf16 v24, v8;
	v8 =	vmul.bf16 v27, v8;
	v24 =	vadd.bf16 v0, v11  }
0x143: {  	v29 =	vld.idx.msk [tilespmem:v51+s2+$0x0], $0xffff;
	v11 =	vmul.bf16 v18, v12;
	v27 =	vmul.bf16 v31, v13;
	v19 =	vadd.bf16 v0, v19  }
0x144: {  	v31 =	vld [tilespmem:s18+$0x14000];
	v16 =	vadd.bf16 v17, v16;
	v17 =	vadd.bf16 v26, v10;
	v10 =	vmul.bf16 v35, v12  }
0x145: {  	v26 =	vmul.bf16 v50, v13;
	v24 =	vadd.bf16 v14, v24;
	v12 =	vmul.bf16 v38, v12;
	v35 =	vld [tilespmem:s18+$0x16100]  }
0x146: {  	v14 =	vmul.bf16 v23, v4;
	v18 =	vld.idx.msk [tilespmem:v28+s2+$0x0], $0xffff;
	v16 =	vadd.bf16 v17, v16;
	v28 =	vmul.bf16 v52, v4  }
0x147: {  	v13 =	vld.idx.msk [tilespmem:v20+s2+$0x0], $0xffff;
	v20 =	vmul.bf16 v37, v4;
	v23 =	vmul.bf16 v25, v7;
	v4 =	vadd.bf16 v21, v24  }
0x148: {  	v17 =	vld.idx.msk [tilespmem:v30+s2+$0x0], $0xffff;
	v21 =	vmul.bf16 v22, v7;
	v30 =	vunpack.i.u.bf16.f32 v16;
	v16 =	vunpack.i.l.bf16.f32 v16  }
0x149: {  	v25 =	vld [tilespmem:s18+$0x14080];
	v22 =	vmul.bf16 v29, v5;
	v7 =	vadd.f32 v16, v30;
	v16 =	vadd.bf16 v0, v23  }
0x14a: {  	v24 =	vld [tilespmem:s18+$0x14100];
	v29 =	vmul.bf16 v15, v5;
	v36 =	vadd.bf16 v20, v19;
	v21 =	vadd.bf16 v0, v21  }
0x14b: {  	s26 =	smov.u32 s19;
	s19 =	sand.u32 $0x3, s31;
	v37 =	vld [tilespmem:s18+$0x16180];
	v5 =	vshll.u32 v31, $0x3;
	v22 =	vadd.bf16 v0, v22;
	v15 =	vadd.bf16 v26, v16  }
0x14c: {  	s0 =	sshll.u32 s19, $0x5;
	v23 =	vld [tilespmem:s18+$0x14180];
	v16 =	vadd.bf16 v27, v21;
	v21 =	vand.u32 $0x7F, v31;
	v27 =	vand.u32 $0xFFFFFC00, v5  }
0x14d: {  	s0 =	sadd.s32 $0x0, s0;
	v29 =	vadd.bf16 v0, v29;
	v26 =	vld [tilespmem:s18+$0x14280];
	v5 =	vmul.bf16 v18, v6;
	v21 =	vor.u32 v21, v27  }
0x14e: {  	s11 =	sor.u32 $0x300, s0;
	v30 =	vld [tilespmem:s18+$0x14200];
	v18 =	vadd.bf16 v28, v22;
	v22 =	vshll.u32 v25, $0x3;
	v25 =	vand.u32 $0x7F, v25  }
0x14f: {  	s22 =	sor.u32 s31, s31;
	v31 =	vld [tilespmem:s11+$0x14000];
	v17 =	vmul.bf16 v17, v6;
	v22 =	vand.u32 $0xFFFFFC00, v22;
	v54 =	vor.u32 $0x80, v21  }
0x150: {  	s0 =	sor.u32 $0x380, s22;
	v28 =	vld [tilespmem:s18+$0x16000];
	v19 =	vshll.u32 v24, $0x3;
	v55 =	vor.u32 $0x100, v21;
	v22 =	vor.u32 v25, v22  }
0x151: {  	v27 =	vld [tilespmem:s0+$0x14000];
	v25 =	vor.u32 $0x180, v21;
	v20 =	vor.u32 $0x200, v22;
	v57 =	vshll.u32 v23, $0x3  }
0x152: {  	v23 =	vand.u32 $0x7F, v23;
	v38 =	vand.u32 $0xFFFFFC00, v57;
	v59 =	vshll.u32 v26, $0x3;
	v21 =	vld.idx.msk [tilespmem:v21+s2+$0x0], $0xffff  }
0x153: {  	v39 =	vor.u32 $0x280, v22;
	v23 =	vor.u32 v23, v38;
	v38 =	vand.u32 $0xFFFFFC00, v59;
	v59 =	vld [tilespmem:s18+$0x16200]  }
0x154: {  	v24 =	vand.u32 $0x7F, v24;
	v19 =	vand.u32 $0xFFFFFC00, v19;
	v40 =	vor.u32 $0x300, v22;
	v32 =	vld.idx.msk [tilespmem:v54+s2+$0x0], $0xffff  }
0x155: {  	v29 =	vadd.bf16 v14, v29;
	v19 =	vor.u32 v24, v19;
	v22 =	vor.u32 $0x380, v22;
	v24 =	vld.idx.msk [tilespmem:v55+s2+$0x0], $0xffff  }
0x156: {  	v13 =	vmul.bf16 v13, v6;
	v15 =	vadd.bf16 v9, v15;
	v41 =	vadd.s32 $0x4000, v19;
	v25 =	vld.idx.msk [tilespmem:v25+s2+$0x0], $0xffff  }
0x157: {  	v9 =	vadd.bf16 v12, v29;
	v58 =	vshll.u32 v30, $0x3;
	v42 =	vadd.s32 $0x4080, v19;
	v20 =	vld.idx.msk [tilespmem:v20+s2+$0x0], $0xffff  }
0x158: {  	v43 =	vadd.s32 $0x4100, v19;
	v19 =	vadd.s32 $0x4180, v19;
	v30 =	vand.u32 $0x7F, v30;
	v39 =	vld.idx.msk [tilespmem:v39+s2+$0x0], $0xffff  }
0x159: {  	v33 =	vand.u32 $0xFFFFFC00, v58;
	v26 =	vand.u32 $0x7F, v26;
	v47 =	vshll.u32 v31, $0x3;
	v40 =	vld.idx.msk [tilespmem:v40+s2+$0x0], $0xffff  }
0x15a: {  	v30 =	vor.u32 v30, v33;
	v31 =	vand.u32 $0x7F, v31;
	v44 =	vadd.s32 $0x4200, v23;
	v22 =	vld.idx.msk [tilespmem:v22+s2+$0x0], $0xffff  }
0x15b: {  	v45 =	vadd.s32 $0x4280, v23;
	v46 =	vadd.s32 $0x4300, v23;
	v23 =	vadd.s32 $0x4380, v23;
	v60 =	vld.idx.msk [tilespmem:v41+s2+$0x0], $0xffff  }
0x15c: {  	v61 =	vshll.u32 v27, $0x3;
	v62 =	vadd.s32 $0x8000, v30;
	v48 =	vadd.s32 $0x8080, v30;
	v42 =	vld.idx.msk [tilespmem:v42+s2+$0x0], $0xffff  }
0x15d: {  	v49 =	vadd.s32 $0x8100, v30;
	v30 =	vadd.s32 $0x8180, v30;
	v47 =	vand.u32 $0xFFFFFC00, v47;
	v43 =	vld.idx.msk [tilespmem:v43+s2+$0x0], $0xffff  }
0x15e: {  	v27 =	vand.u32 $0x7F, v27;
	v26 =	vor.u32 v26, v38;
	v38 =	vand.u32 $0xFFFFFC00, v61;
	v19 =	vld.idx.msk [tilespmem:v19+s2+$0x0], $0xffff  }
0x15f: {  	v31 =	vor.u32 v31, v47;
	v50 =	vadd.s32 $0x8200, v26;
	v51 =	vadd.s32 $0x8280, v26;
	v44 =	vld.idx.msk [tilespmem:v44+s2+$0x0], $0xffff  }
0x160: {  	v52 =	vadd.s32 $0x8300, v26;
	v26 =	vadd.s32 $0x8380, v26;
	v27 =	vor.u32 v27, v38;
	v45 =	vld.idx.msk [tilespmem:v45+s2+$0x0], $0xffff  }
0x161: {  	v47 =	vadd.s32 $0xC080, v31;
	v41 =	vadd.s32 $0xC100, v31;
	v63 =	vld.idx.msk [tilespmem:v46+s2+$0x0], $0xffff;
	v21 =	vmul.bf16 v21, v28  }
0x162: {  	v53 =	vadd.s32 $0xC280, v27;
	v23 =	vld.idx.msk [tilespmem:v23+s2+$0x0], $0xffff;
	v32 =	vmul.bf16 v32, v28;
	v24 =	vmul.bf16 v24, v28  }
0x163: {  	v46 =	vadd.s32 $0xC000, v31;
	v34 =	vld.idx.msk [tilespmem:v62+s2+$0x0], $0xffff;
	v25 =	vmul.bf16 v25, v28;
	v20 =	vmul.bf16 v20, v56  }
0x164: {  	v49 =	vld.idx.msk [tilespmem:v49+s2+$0x0], $0xffff;
	v28 =	vadd.s32 $0xC180, v31;
	v39 =	vmul.bf16 v39, v56;
	v40 =	vmul.bf16 v40, v56  }
0x165: {  	v30 =	vld.idx.msk [tilespmem:v30+s2+$0x0], $0xffff;
	v22 =	vmul.bf16 v22, v56;
	v56 =	vadd.s32 $0xC200, v27;
	v21 =	vadd.bf16 v0, v21  }
0x166: {  	v42 =	vmul.bf16 v42, v35;
	v57 =	vld.idx.msk [tilespmem:v26+s2+$0x0], $0xffff;
	v26 =	vadd.bf16 v10, v36;
	v32 =	vadd.bf16 v0, v32  }
0x167: {  	v62 =	vld [tilespmem:s18+$0x16280];
	v43 =	vmul.bf16 v43, v35;
	v24 =	vadd.bf16 v0, v24;
	v25 =	vadd.bf16 v0, v25  }
0x168: {  	v31 =	vld.idx.msk [tilespmem:v48+s2+$0x0], $0xffff;
	v19 =	vmul.bf16 v19, v35;
	v20 =	vadd.bf16 v0, v20;
	v39 =	vadd.bf16 v0, v39  }
0x169: {  	v50 =	vld.idx.msk [tilespmem:v50+s2+$0x0], $0xffff;
	v40 =	vadd.bf16 v0, v40;
	v22 =	vadd.bf16 v0, v22;
	v44 =	vmul.bf16 v44, v37  }
0x16a: {  	v51 =	vld.idx.msk [tilespmem:v51+s2+$0x0], $0xffff;
	v45 =	vmul.bf16 v45, v37;
	v32 =	vadd.bf16 v42, v32;
	v14 =	vmul.bf16 v63, v37  }
0x16b: {  	v52 =	vld.idx.msk [tilespmem:v52+s2+$0x0], $0xffff;
	v23 =	vmul.bf16 v23, v37;
	v58 =	vadd.bf16 v43, v24;
	v25 =	vadd.bf16 v19, v25  }
0x16c: {  	v6 =	vld.idx.msk [tilespmem:v41+s2+$0x0], $0xffff;
	v19 =	vmul.bf16 v60, v35;
	v63 =	vadd.s32 $0xC300, v27;
	v24 =	vadd.bf16 v17, v15  }
0x16d: {  	s23 =	sand.u32 $0x200, s31;
	s24 =	sand.u32 $0x180, s31;
	v15 =	vmul.bf16 v49, v59;
	v17 =	vmul.bf16 v30, v59;
	v40 =	vadd.bf16 v14, v40;
	v14 =	vld.idx.msk [tilespmem:v46+s2+$0x0], $0xffff  }
0x16e: {  	s1 =	sor.u32 s24, s23;
	v12 =	vmul.bf16 v31, v59;
	v60 =	vadd.bf16 v44, v20;
	v21 =	vadd.bf16 v19, v21;
	v19 =	vld.idx.msk [tilespmem:v47+s2+$0x0], $0xffff  }
0x16f: {  	s28 =	simm.s32 $0x0;
	s7 =	simm.s32 $0x0;
	s3 =	sor.u32 $0x18000, s1;
	v20 =	vadd.bf16 v23, v22;
	v23 =	vadd.s32 $0xC380, v27;
	v22 =	vadd.bf16 v8, v16;
	v8 =	vld.idx.msk [tilespmem:v28+s2+$0x0], $0xffff  }
0x170: {  	s25 =	sor.u32 $0x18400, s1;
	s8 =	sor.u32 $0x18C00, s1;
	s12 =	sor.u32 $0x18800, s1;
	v61 =	vadd.bf16 v45, v39;
	v16 =	vadd.bf16 v11, v18;
	v11 =	vld.idx.msk [tilespmem:v56+s2+$0x0], $0xffff;
	v27 =	vmul.bf16 v50, v62  }
0x171: {  	s15 =	sor.u32 s6, s3;
	s17 =	sor.u32 s13, s8;
	s16 =	sor.u32 s6, s25;
	v30 =	vmul.bf16 v51, v62;
	v15 =	vadd.bf16 v15, v58;
	v10 =	vadd.bf16 v13, v22;
	v13 =	vld.idx.msk [tilespmem:v53+s2+$0x0], $0xffff  }
0x172: {  	s1 =	sor.u32 s6, s12;
	s6 =	sor.u32 s6, s8;
	s10 =	sor.u32 s13, s3;
	v31 =	vmul.bf16 v52, v62;
	v22 =	vadd.bf16 v17, v25;
	v17 =	vadd.bf16 v27, v60;
	v27 =	vld [tilespmem:s11+$0x16000]  }
0x173: {  	s9 =	sor.u32 s13, s25;
	s5 =	sor.u32 s13, s12;
	s8 =	simm.s32 $0x1;
	v28 =	vmul.bf16 v34, v59;
	v29 =	vmul.bf16 v57, v62;
	v12 =	vadd.bf16 v12, v32;
	v18 =	vld.idx.msk [tilespmem:v63+s2+$0x0], $0xffff  }
0x174: {  	s13 =	simm.s32 $0x0;
	[tilespmem:s17+$0x0] =	vst v7;
	s17 =	simm.s32 $0x0;
	s18 =	simm.s32 $0x0;
	v7 =	vadd.bf16 v31, v40;
	v25 =	vld.idx.msk [tilespmem:v23+s2+$0x0], $0xffff;
	v23 =	vadd.bf16 v30, v61  }
.LBB2_5:
0x175: {  	s3 =	sand.u32 $0x3, s8;
	v28 =	vadd.bf16 v28, v21;
	v29 =	vadd.bf16 v29, v20;
	v20 =	vld [tilespmem:s0+$0x16000]  }
0x176: {  	v1 =	vadd.bf16 v1, v16;
	v2 =	vadd.bf16 v2, v26;
	s31 =	sadd.s32 $0x20, s31;
	s0 =	sshll.u32 s3, $0x5  }
0x177: {  	v4 =	vadd.bf16 v5, v4;
	v3 =	vadd.bf16 v3, v9;
	s13 =	sadd.s32 $0x100, s13;
	s22 =	sand.u32 $0x60, s31;
	s3 =	sadd.s32 $0x10, s31  }
0x178: {  	s4 =	sor.u32 s31, s13;
	s0 =	sadd.s32 s0, s13;
	s11 =	sor.u32 s3, s13;
	v2 =	vadd.bf16 v2, v24  }
0x179: {  	s24 =	sand.u32 $0x1C00, s13;
	s23 =	sand.u32 $0x70, s3;
	v1 =	vadd.bf16 v1, v4;
	s3 =	sor.u32 $0x380, s11;
	v5 =	vmul.bf16 v14, v27;
	v14 =	vmul.bf16 v19, v27  }
0x17a: {  	s12 =	sor.u32 s22, s24;
	v3 =	vadd.bf16 v3, v10;
	s11 =	sor.u32 $0x300, s0;
	s24 =	sor.u32 s24, s23;
	v6 =	vmul.bf16 v6, v27;
	v8 =	vmul.bf16 v8, v27;
	v9 =	vld [tilespmem:s3+$0x16000]  }
0x17b: {  	s0 =	sor.u32 $0x380, s4;
	v11 =	vmul.bf16 v11, v20;
	v13 =	vmul.bf16 v13, v20;
	v10 =	vld [tilespmem:s24+$0x16200];
	v12 =	vadd.bf16 v14, v12  }
0x17c: {  	v6 =	vadd.bf16 v6, v15;
	v14 =	vmul.bf16 v18, v20;
	v15 =	vmul.bf16 v25, v20;
	v4 =	vld [tilespmem:s24+$0x16280]  }
0x17d: {  	v8 =	vadd.bf16 v8, v22;
	v20 =	vunpack.i.u.bf16.f32 v1;
	v17 =	vadd.bf16 v11, v17;
	v16 =	vld [tilespmem:s3+$0x14000]  }
0x17e: {  	v21 =	vunpack.i.l.bf16.f32 v1;
	v13 =	vadd.bf16 v13, v23;
	v7 =	vadd.bf16 v14, v7;
	v18 =	vld [tilespmem:s24+$0x14000]  }
0x17f: {  	v1 =	vadd.bf16 v5, v28;
	v22 =	vunpack.i.u.bf16.f32 v2;
	v5 =	vadd.bf16 v15, v29;
	v11 =	vld [tilespmem:s24+$0x16100]  }
0x180: {  	v23 =	vunpack.i.l.bf16.f32 v2;
	v15 =	vadd.bf16 v13, v12;
	v6 =	vadd.bf16 v7, v6;
	v14 =	vld [tilespmem:s24+$0x16180]  }
0x181: {  	v25 =	vunpack.i.u.bf16.f32 v3;
	v1 =	vadd.bf16 v17, v1;
	v24 =	vadd.bf16 v5, v8;
	v12 =	vld [tilespmem:s24+$0x16000]  }
0x182: {  	s28 =	sadd.s32 $0x2, s28;
	v26 =	vunpack.i.l.bf16.f32 v3;
	v13 =	vunpack.i.u.bf16.f32 v15;
	v15 =	vunpack.i.l.bf16.f32 v15;
	v2 =	vld [tilespmem:s24+$0x14200]  }
0x183: {  	s3 =	sand.u32 $0x7, s28;
	v7 =	vand.u32 $0x7F, v16;
	v8 =	vshll.u32 v16, $0x3;
	v3 =	vshll.u32 v18, $0x3;
	v5 =	vld [tilespmem:s24+$0x16080]  }
0x184: {  	s7 =	sadd.s32 $0x2, s7;
	s3 =	sshll.u32 s3, $0x4;
	v16 =	vand.u32 $0x7F, v18;
	v8 =	vand.u32 $0xFFFFFC00, v8;
	v3 =	vand.u32 $0xFFFFFC00, v3;
	v27 =	vld [tilespmem:s24+$0x14280]  }
0x185: {  	p0 =	slt.u32 s7, $0x3E;
	s3 =	sadd.s32 s13, s3;
	v17 =	vunpack.i.u.bf16.f32 v1;
	v7 =	vor.u32 v7, v8;
	v28 =	vor.u32 v16, v3;
	v3 =	vld [tilespmem:s24+$0x14100]  }
0x186: {  	s3 =	sadd.s32 $0x10, s3;
	v19 =	vunpack.i.l.bf16.f32 v1;
	v29 =	vadd.s32 $0xC200, v7;
	v16 =	vunpack.i.u.bf16.f32 v6;
	v8 =	vld [tilespmem:s24+$0x14180]  }
0x187: {  	s3 =	sor.u32 $0x300, s3;
	v18 =	vunpack.i.l.bf16.f32 v6;
	v31 =	vadd.s32 $0xC280, v7;
	v1 =	vld [tilespmem:s24+$0x14080];
	v30 =	vshll.u32 v2, $0x3  }
0x188: {  	v32 =	vadd.s32 $0xC300, v7;
	v2 =	vand.u32 $0x7F, v2;
	v30 =	vand.u32 $0xFFFFFC00, v30;
	v6 =	vld [tilespmem:s3+$0x16000]  }
0x189: {  	v7 =	vadd.s32 $0xC380, v7;
	v2 =	vor.u32 v2, v30;
	v30 =	vand.u32 $0x7F, v27;
	v33 =	vld [tilespmem:s3+$0x14000]  }
0x18a: {  	v27 =	vshll.u32 v27, $0x3;
	v34 =	vld.idx.msk [tilespmem:v28+s2+$0x0], $0xffff;
	v35 =	vand.u32 $0x7F, v3;
	v36 =	vadd.s32 $0x8000, v2  }
0x18b: {  	v3 =	vshll.u32 v3, $0x3;
	v38 =	vadd.s32 $0x8080, v2;
	v37 =	vand.u32 $0x7F, v8;
	v29 =	vld.idx.msk [tilespmem:v29+s2+$0x0], $0xffff  }
0x18c: {  	v40 =	vadd.s32 $0x8100, v2;
	v8 =	vshll.u32 v8, $0x3;
	v39 =	vshll.u32 v1, $0x3;
	v31 =	vld.idx.msk [tilespmem:v31+s2+$0x0], $0xffff  }
0x18d: {  	v2 =	vadd.s32 $0x8180, v2;
	v1 =	vand.u32 $0x7F, v1;
	v39 =	vand.u32 $0xFFFFFC00, v39;
	v32 =	vld.idx.msk [tilespmem:v32+s2+$0x0], $0xffff  }
0x18e: {  	v41 =	vor.u32 $0x180, v28;
	v39 =	vor.u32 v1, v39;
	v1 =	vand.u32 $0xFFFFFC00, v3;
	v42 =	vld.idx.msk [tilespmem:v7+s2+$0x0], $0xffff  }
0x18f: {  	v3 =	vor.u32 $0x380, v39;
	v35 =	vor.u32 v35, v1;
	v1 =	vand.u32 $0xFFFFFC00, v8;
	v7 =	vld.idx.msk [tilespmem:v36+s2+$0x0], $0xffff  }
0x190: {  	v8 =	vadd.s32 $0x4180, v35;
	v36 =	vor.u32 v37, v1;
	v37 =	vld.idx.msk [tilespmem:v38+s2+$0x0], $0xffff;
	v1 =	vand.u32 $0xFFFFFC00, v27  }
0x191: {  	v27 =	vmul.bf16 v34, v12;
	v34 =	vadd.s32 $0x4380, v36;
	v38 =	vld.idx.msk [tilespmem:v40+s2+$0x0], $0xffff;
	v30 =	vor.u32 v30, v1  }
0x192: {  	v1 =	vmul.bf16 v29, v9;
	v40 =	vld.idx.msk [tilespmem:v2+s2+$0x0], $0xffff;
	v43 =	vadd.s32 $0x8200, v30;
	v2 =	vshll.u32 v33, $0x3  }
0x193: {  	v33 =	vand.u32 $0x7F, v33;
	v29 =	vld.idx.msk [tilespmem:v41+s2+$0x0], $0xffff;
	v41 =	vadd.s32 $0x8380, v30;
	v2 =	vand.u32 $0xFFFFFC00, v2  }
0x194: {  	v27 =	vadd.bf16 v0, v27;
	v45 =	vadd.s32 $0x8280, v30;
	v44 =	vld.idx.msk [tilespmem:v3+s2+$0x0], $0xffff;
	v33 =	vor.u32 v33, v2  }
0x195: {  	v47 =	vmul.bf16 v7, v10;
	v2 =	vmul.bf16 v31, v9;
	v46 =	vld.idx.msk [tilespmem:v8+s2+$0x0], $0xffff;
	v48 =	vadd.s32 $0xC180, v33  }
0x196: {  	v30 =	vadd.s32 $0x8300, v30;
	v3 =	vmul.bf16 v32, v9;
	v7 =	vmul.bf16 v37, v10;
	v31 =	vld.idx.msk [tilespmem:v34+s2+$0x0], $0xffff  }
0x197: {  	v32 =	vadd.s32 $0x4000, v35;
	v37 =	vunpack.i.u.bf16.f32 v24;
	v8 =	vmul.bf16 v38, v10;
	v34 =	vld.idx.msk [tilespmem:v43+s2+$0x0], $0xffff  }
0x198: {  	v20 =	vadd.f32 v21, v20;
	v24 =	vunpack.i.l.bf16.f32 v24;
	v38 =	vadd.s32 $0x4080, v35;
	v41 =	vld.idx.msk [tilespmem:v41+s2+$0x0], $0xffff  }
0x199: {  	v22 =	vadd.f32 v23, v22;
	v23 =	vadd.f32 v26, v25;
	v21 =	vadd.s32 $0x4100, v35;
	v35 =	vld.idx.msk [tilespmem:v45+s2+$0x0], $0xffff  }
0x19a: {  	v25 =	vmul.bf16 v29, v12;
	v29 =	vadd.s32 $0x4200, v36;
	v26 =	vmul.bf16 v44, v5;
	v43 =	vld.idx.msk [tilespmem:v48+s2+$0x0], $0xffff;
	[tilespmem:s10+$0x0] =	vst v20  }
0x19b: {  	v44 =	vadd.s32 $0x4280, v36;
	v36 =	vadd.s32 $0x4300, v36;
	v20 =	vmul.bf16 v46, v11;
	v30 =	vld.idx.msk [tilespmem:v30+s2+$0x0], $0xffff;
	[tilespmem:s9+$0x0] =	vst v22  }
0x19c: {  	v22 =	vadd.bf16 v0, v25;
	v25 =	vadd.bf16 v0, v26;
	v31 =	vmul.bf16 v31, v14;
	v26 =	vld.idx.msk [tilespmem:v32+s2+$0x0], $0xffff  }
0x19d: {  	v10 =	vmul.bf16 v40, v10;
	v32 =	vor.u32 $0x80, v28;
	v28 =	vor.u32 $0x100, v28;
	v38 =	vld.idx.msk [tilespmem:v38+s2+$0x0], $0xffff;
	[tilespmem:s5+$0x0] =	vst v23  }
0x19e: {  	v20 =	vadd.bf16 v20, v22;
	v22 =	vadd.bf16 v31, v25;
	v23 =	vmul.bf16 v41, v4;
	v21 =	vld.idx.msk [tilespmem:v21+s2+$0x0], $0xffff  }
0x19f: {  	v40 =	vmul.bf16 v42, v9;
	v25 =	vor.u32 $0x200, v39;
	v31 =	vor.u32 $0x280, v39;
	v29 =	vld.idx.msk [tilespmem:v29+s2+$0x0], $0xffff  }
0x1a0: {  	v20 =	vadd.bf16 v10, v20;
	v22 =	vadd.bf16 v23, v22;
	v23 =	vmul.bf16 v43, v6;
	v41 =	vld.idx.msk [tilespmem:v44+s2+$0x0], $0xffff  }
0x1a1: {  	v39 =	vor.u32 $0x300, v39;
	v9 =	vmul.bf16 v35, v4;
	v10 =	vmul.bf16 v34, v4;
	v36 =	vld.idx.msk [tilespmem:v36+s2+$0x0], $0xffff  }
0x1a2: {  	v34 =	vadd.s32 $0xC000, v33;
	v20 =	vadd.bf16 v23, v20;
	v22 =	vadd.bf16 v40, v22;
	v32 =	vld.idx.msk [tilespmem:v32+s2+$0x0], $0xffff  }
0x1a3: {  	v35 =	vadd.s32 $0xC080, v33;
	v26 =	vmul.bf16 v26, v11;
	v23 =	vld.idx.msk [tilespmem:v28+s2+$0x0], $0xffff;
	v28 =	vmul.bf16 v38, v11  }
0x1a4: {  	s17 =	sadd.s32 $0x80, s17;
	s18 =	sadd.s32 $0x10, s18;
	v33 =	vadd.s32 $0xC100, v33;
	v21 =	vmul.bf16 v21, v11;
	v20 =	vadd.bf16 v22, v20;
	v25 =	vld.idx.msk [tilespmem:v25+s2+$0x0], $0xffff  }
0x1a5: {  	s4 =	sand.u32 $0x180, s18;
	s3 =	sand.u32 $0x200, s17;
	v26 =	vadd.bf16 v26, v27;
	v11 =	vmul.bf16 v30, v4;
	v27 =	vmul.bf16 v29, v14;
	v22 =	vld.idx.msk [tilespmem:v31+s2+$0x0], $0xffff  }
0x1a6: {  	s3 =	sor.u32 s4, s3;
	v30 =	vmul.bf16 v41, v14;
	v31 =	vunpack.i.u.bf16.f32 v20;
	v20 =	vunpack.i.l.bf16.f32 v20;
	v29 =	vld.idx.msk [tilespmem:v39+s2+$0x0], $0xffff  }
0x1a7: {  	s4 =	sor.u32 $0x18000, s3;
	s9 =	sor.u32 $0x18C00, s3;
	s5 =	sor.u32 $0x18400, s3;
	v4 =	vadd.bf16 v47, v26;
	v14 =	vmul.bf16 v36, v14;
	v20 =	vadd.f32 v20, v31;
	v26 =	vld.idx.msk [tilespmem:v34+s2+$0x0], $0xffff  }
0x1a8: {  	v17 =	vadd.f32 v19, v17;
	v13 =	vadd.f32 v15, v13;
	s24 =	sor.u32 s22, s4;
	s10 =	sor.u32 s23, s9;
	s3 =	sor.u32 $0x18800, s3;
	v31 =	vmul.bf16 v32, v12;
	v32 =	vld.idx.msk [tilespmem:v35+s2+$0x0], $0xffff  }
0x1a9: {  	v16 =	vadd.f32 v18, v16;
	s25 =	sor.u32 s22, s5;
	s19 =	sor.u32 s22, s3;
	s22 =	sor.u32 s22, s9;
	v15 =	vmul.bf16 v23, v12;
	v12 =	vld.idx.msk [tilespmem:v33+s2+$0x0], $0xffff;
	[tilespmem:s10+$0x0] =	vst v20  }
0x1aa: {  	s9 =	sor.u32 s23, s5;
	s5 =	sor.u32 s23, s3;
	v19 =	vadd.bf16 v0, v31;
	v20 =	vmul.bf16 v25, v5;
	s10 =	sor.u32 s23, s4;
	v18 =	vld [tilespmem:s12+$0x14000];
	[tilespmem:s15+$0x0] =	vst v17;
	v17 =	vadd.f32 v24, v37  }
0x1ab: {  	v15 =	vadd.bf16 v0, v15;
	v22 =	vmul.bf16 v22, v5;
	s15 =	smov.u32 s24;
	v23 =	vld [tilespmem:s12+$0x14080];
	[tilespmem:s16+$0x0] =	vst v13;
	s16 =	smov.u32 s25  }
0x1ac: {  	v20 =	vadd.bf16 v0, v20;
	v25 =	vmul.bf16 v29, v5;
	v13 =	vadd.bf16 v28, v19;
	v24 =	vld [tilespmem:s12+$0x14100];
	[tilespmem:s1+$0x0] =	vst v16;
	s1 =	smov.u32 s19  }
0x1ad: {  	v22 =	vadd.bf16 v0, v22;
	v16 =	vadd.bf16 v21, v15;
	v5 =	vmul.bf16 v26, v6;
	v28 =	vld [tilespmem:s12+$0x14180];
	[tilespmem:s6+$0x0] =	vst v17;
	s6 =	smov.u32 s22  }
0x1ae: {  	v19 =	vadd.bf16 v0, v25;
	v17 =	vadd.bf16 v27, v20;
	v15 =	vmul.bf16 v32, v6;
	v21 =	vld [tilespmem:s12+$0x14200]  }
0x1af: {  	v20 =	vand.u32 $0x7F, v18;
	v25 =	vshll.u32 v18, $0x3;
	v26 =	vld [tilespmem:s12+$0x14280];
	v18 =	vadd.bf16 v30, v22  }
0x1b0: {  	v22 =	vand.u32 $0xFFFFFC00, v25;
	v25 =	vand.u32 $0x7F, v23;
	v23 =	vshll.u32 v23, $0x3;
	v27 =	vld [tilespmem:s11+$0x14000]  }
0x1b1: {  	v20 =	vor.u32 v20, v22;
	v22 =	vand.u32 $0xFFFFFC00, v23;
	v23 =	vshll.u32 v24, $0x3;
	v29 =	vld [tilespmem:s0+$0x14000]  }
0x1b2: {  	v30 =	vld [tilespmem:s12+$0x16000];
	v31 =	vor.u32 $0x80, v20;
	v22 =	vor.u32 v25, v22;
	v25 =	vshll.u32 v28, $0x3  }
0x1b3: {  	v32 =	vor.u32 $0x100, v20;
	v33 =	vor.u32 $0x180, v20;
	v34 =	vld [tilespmem:s12+$0x16080];
	v35 =	vor.u32 $0x200, v22  }
0x1b4: {  	v36 =	vor.u32 $0x280, v22;
	v37 =	vor.u32 $0x300, v22;
	v22 =	vor.u32 $0x380, v22;
	v38 =	vld [tilespmem:s12+$0x16100]  }
0x1b5: {  	v24 =	vand.u32 $0x7F, v24;
	v23 =	vand.u32 $0xFFFFFC00, v23;
	v25 =	vand.u32 $0xFFFFFC00, v25;
	v39 =	vld [tilespmem:s12+$0x16180]  }
0x1b6: {  	v23 =	vor.u32 v24, v23;
	v24 =	vand.u32 $0x7F, v28;
	v28 =	vshll.u32 v21, $0x3;
	v20 =	vld.idx.msk [tilespmem:v20+s2+$0x0], $0xffff  }
0x1b7: {  	v40 =	vadd.s32 $0x4000, v23;
	v24 =	vor.u32 v24, v25;
	v25 =	vshll.u32 v26, $0x3;
	v31 =	vld.idx.msk [tilespmem:v31+s2+$0x0], $0xffff  }
0x1b8: {  	v41 =	vadd.s32 $0x4080, v23;
	v42 =	vadd.s32 $0x4100, v23;
	v23 =	vadd.s32 $0x4180, v23;
	v32 =	vld.idx.msk [tilespmem:v32+s2+$0x0], $0xffff  }
0x1b9: {  	v43 =	vadd.s32 $0x4200, v24;
	v44 =	vadd.s32 $0x4280, v24;
	v45 =	vadd.s32 $0x4300, v24;
	v33 =	vld.idx.msk [tilespmem:v33+s2+$0x0], $0xffff  }
0x1ba: {  	v28 =	vand.u32 $0xFFFFFC00, v28;
	v24 =	vadd.s32 $0x4380, v24;
	v25 =	vand.u32 $0xFFFFFC00, v25;
	v35 =	vld.idx.msk [tilespmem:v35+s2+$0x0], $0xffff  }
0x1bb: {  	v21 =	vand.u32 $0x7F, v21;
	v26 =	vand.u32 $0x7F, v26;
	v46 =	vshll.u32 v27, $0x3;
	v36 =	vld.idx.msk [tilespmem:v36+s2+$0x0], $0xffff  }
0x1bc: {  	v21 =	vor.u32 v21, v28;
	v25 =	vor.u32 v26, v25;
	v26 =	vshll.u32 v29, $0x3;
	v37 =	vld.idx.msk [tilespmem:v37+s2+$0x0], $0xffff  }
0x1bd: {  	v28 =	vadd.s32 $0x8000, v21;
	v47 =	vadd.s32 $0x8080, v21;
	v48 =	vadd.s32 $0x8100, v21;
	v22 =	vld.idx.msk [tilespmem:v22+s2+$0x0], $0xffff  }
0x1be: {  	v21 =	vadd.s32 $0x8180, v21;
	v49 =	vadd.s32 $0x8200, v25;
	v50 =	vadd.s32 $0x8280, v25;
	v40 =	vld.idx.msk [tilespmem:v40+s2+$0x0], $0xffff  }
0x1bf: {  	v46 =	vand.u32 $0xFFFFFC00, v46;
	v51 =	vadd.s32 $0x8300, v25;
	v25 =	vadd.s32 $0x8380, v25;
	v41 =	vld.idx.msk [tilespmem:v41+s2+$0x0], $0xffff  }
0x1c0: {  	v27 =	vand.u32 $0x7F, v27;
	v29 =	vand.u32 $0x7F, v29;
	v26 =	vand.u32 $0xFFFFFC00, v26;
	v42 =	vld.idx.msk [tilespmem:v42+s2+$0x0], $0xffff  }
0x1c1: {  	v27 =	vor.u32 v27, v46;
	v26 =	vor.u32 v29, v26;
	v31 =	vmul.bf16 v31, v30;
	v23 =	vld.idx.msk [tilespmem:v23+s2+$0x0], $0xffff  }
0x1c2: {  	v29 =	vmul.bf16 v32, v30;
	v32 =	vmul.bf16 v33, v30;
	v33 =	vld.idx.msk [tilespmem:v43+s2+$0x0], $0xffff;
	v43 =	vadd.s32 $0xC000, v27  }
0x1c3: {  	v46 =	vadd.s32 $0xC080, v27;
	v35 =	vmul.bf16 v35, v34;
	v36 =	vmul.bf16 v36, v34;
	v44 =	vld.idx.msk [tilespmem:v44+s2+$0x0], $0xffff  }
0x1c4: {  	v37 =	vmul.bf16 v37, v34;
	v22 =	vmul.bf16 v22, v34;
	v34 =	vld.idx.msk [tilespmem:v45+s2+$0x0], $0xffff;
	v45 =	vadd.s32 $0xC100, v27  }
0x1c5: {  	v20 =	vmul.bf16 v20, v30;
	v30 =	vadd.s32 $0xC200, v26;
	v27 =	vadd.s32 $0xC180, v27;
	v24 =	vld.idx.msk [tilespmem:v24+s2+$0x0], $0xffff  }
0x1c6: {  	v52 =	vadd.s32 $0xC280, v26;
	v53 =	vadd.s32 $0xC300, v26;
	v54 =	vadd.s32 $0xC380, v26;
	v28 =	vld.idx.msk [tilespmem:v28+s2+$0x0], $0xffff  }
0x1c7: {  	v26 =	vadd.bf16 v0, v31;
	v29 =	vadd.bf16 v0, v29;
	v31 =	vmul.bf16 v40, v38;
	v40 =	vld.idx.msk [tilespmem:v47+s2+$0x0], $0xffff  }
0x1c8: {  	v32 =	vadd.bf16 v0, v32;
	v35 =	vadd.bf16 v0, v35;
	v41 =	vmul.bf16 v41, v38;
	v47 =	vld.idx.msk [tilespmem:v48+s2+$0x0], $0xffff  }
0x1c9: {  	v36 =	vadd.bf16 v0, v36;
	v37 =	vadd.bf16 v0, v37;
	v42 =	vmul.bf16 v42, v38;
	v48 =	vld.idx.msk [tilespmem:v21+s2+$0x0], $0xffff  }
0x1ca: {  	v21 =	vadd.bf16 v0, v20;
	v20 =	vadd.bf16 v0, v22;
	v22 =	vmul.bf16 v23, v38;
	v23 =	vld.idx.msk [tilespmem:v49+s2+$0x0], $0xffff  }
0x1cb: {  	v33 =	vmul.bf16 v33, v39;
	v38 =	vmul.bf16 v44, v39;
	v49 =	vadd.bf16 v14, v19;
	v44 =	vld.idx.msk [tilespmem:v50+s2+$0x0], $0xffff  }
0x1cc: {  	v41 =	vadd.bf16 v41, v26;
	v14 =	vmul.bf16 v34, v39;
	v19 =	vmul.bf16 v24, v39;
	v34 =	vld.idx.msk [tilespmem:v51+s2+$0x0], $0xffff  }
0x1cd: {  	v12 =	vmul.bf16 v12, v6;
	v29 =	vadd.bf16 v42, v29;
	v22 =	vadd.bf16 v22, v32;
	v25 =	vld.idx.msk [tilespmem:v25+s2+$0x0], $0xffff  }
0x1ce: {  	v32 =	vadd.bf16 v33, v35;
	v33 =	vadd.bf16 v38, v36;
	v35 =	vld [tilespmem:s12+$0x16200]  }
0x1cf: {  	v36 =	vadd.bf16 v14, v37;
	v20 =	vadd.bf16 v19, v20;
	v37 =	vld [tilespmem:s12+$0x16280]  }
0x1d0: {  	v7 =	vadd.bf16 v7, v13;
	v21 =	vadd.bf16 v31, v21;
	v14 =	vld.idx.msk [tilespmem:v43+s2+$0x0], $0xffff  }
0x1d1: {  	v13 =	vadd.bf16 v8, v16;
	v16 =	vadd.bf16 v10, v17;
	v19 =	vld.idx.msk [tilespmem:v46+s2+$0x0], $0xffff  }
0x1d2: {  	v26 =	vadd.bf16 v9, v18;
	v9 =	vadd.bf16 v11, v49;
	v6 =	vld.idx.msk [tilespmem:v45+s2+$0x0], $0xffff  }
0x1d3: {  	v24 =	vadd.bf16 v15, v7;
	v28 =	vmul.bf16 v28, v35;
	v17 =	vmul.bf16 v40, v35;
	v8 =	vld.idx.msk [tilespmem:v27+s2+$0x0], $0xffff  }
.Ltmp1:
0x1d4: {  	v10 =	vadd.bf16 v12, v13;
	v7 =	vmul.bf16 v47, v35;
	v27 =	vmul.bf16 v48, v35;
	v11 =	vld.idx.msk [tilespmem:v30+s2+$0x0], $0xffff;
	(pc) =	sbr.rel @p0 .LBB2_5-.Ltmp1, $4  }
0x1d5: {  	v12 =	vadd.bf16 v17, v41;
	v17 =	vmul.bf16 v23, v37;
	v23 =	vmul.bf16 v44, v37;
	v13 =	vld.idx.msk [tilespmem:v52+s2+$0x0], $0xffff  }
0x1d6: {  	v15 =	vadd.bf16 v7, v29;
	v7 =	vmul.bf16 v34, v37;
	v29 =	vmul.bf16 v25, v37;
	v18 =	vld.idx.msk [tilespmem:v53+s2+$0x0], $0xffff  }
0x1d7: {  	v22 =	vadd.bf16 v27, v22;
	v17 =	vadd.bf16 v17, v32;
	v25 =	vld.idx.msk [tilespmem:v54+s2+$0x0], $0xffff  }
0x1d8: {  	s8 =	sadd.s32 $0x1, s8;
	v23 =	vadd.bf16 v23, v33;
	v7 =	vadd.bf16 v7, v36;
	v27 =	vld [tilespmem:s11+$0x16000]  }
0x1d9: {  	v21 =	vadd.bf16 v28, v21  }
0x1da: {  	v20 =	vadd.bf16 v29, v20;
	v2 =	vadd.bf16 v2, v26  }
0x1db: {  	v1 =	vadd.bf16 v1, v16;
	v4 =	vadd.bf16 v5, v4  }
0x1dc: {  	v48 =	vld [tilespmem:s0+$0x16000];
	v3 =	vadd.bf16 v3, v9;
	v2 =	vadd.bf16 v2, v24  }
0x1dd: {  	v1 =	vadd.bf16 v1, v4;
	v49 =	vmul.bf16 v14, v27;
	v50 =	vmul.bf16 v19, v27  }
0x1de: {  	v3 =	vadd.bf16 v3, v10;
	v51 =	vmul.bf16 v6, v27;
	v52 =	vmul.bf16 v8, v27  }
0x1df: {  	v58 =	vunpack.i.u.bf16.f32 v1;
	v1 =	vunpack.i.l.bf16.f32 v1;
	v60 =	vunpack.i.u.bf16.f32 v2  }
0x1e0: {  	v2 =	vunpack.i.l.bf16.f32 v2;
	v61 =	vunpack.i.u.bf16.f32 v3;
	v3 =	vunpack.i.l.bf16.f32 v3  }
0x1e1: {  	v54 =	vmul.bf16 v11, v48;
	v1 =	vadd.f32 v1, v58;
	v2 =	vadd.f32 v2, v60  }
0x1e2: {  	v55 =	vmul.bf16 v13, v48;
	v3 =	vadd.f32 v3, v61;
	v53 =	vadd.bf16 v50, v12  }
0x1e3: {  	v56 =	vmul.bf16 v18, v48;
	v4 =	vadd.bf16 v51, v15;
	v6 =	vadd.bf16 v52, v22  }
0x1e4: {  	v57 =	vmul.bf16 v25, v48;
	v5 =	vadd.bf16 v49, v21;
	v9 =	vadd.bf16 v54, v17  }
0x1e5: {  	v10 =	vadd.bf16 v55, v23;
	v7 =	vadd.bf16 v56, v7  }
0x1e6: {  	v59 =	vadd.bf16 v57, v20;
	v5 =	vadd.bf16 v9, v5  }
0x1e7: {  	v8 =	vadd.bf16 v10, v53;
	v4 =	vadd.bf16 v7, v4  }
0x1e8: {  	[tilespmem:s10+$0x0] =	vst v1;
	v6 =	vadd.bf16 v59, v6;
	v9 =	vunpack.i.u.bf16.f32 v5;
	v5 =	vunpack.i.l.bf16.f32 v5  }
0x1e9: {  	[tilespmem:s9+$0x0] =	vst v2;
	v1 =	vunpack.i.u.bf16.f32 v8;
	v62 =	vunpack.i.l.bf16.f32 v8;
	v2 =	vadd.f32 v5, v9  }
0x1ea: {  	[tilespmem:s5+$0x0] =	vst v3;
	v63 =	vunpack.i.u.bf16.f32 v4;
	v4 =	vunpack.i.l.bf16.f32 v4;
	v1 =	vadd.f32 v62, v1  }
0x1eb: {  	v3 =	vunpack.i.u.bf16.f32 v6;
	v6 =	vunpack.i.l.bf16.f32 v6;
	v4 =	vadd.f32 v4, v63;
	[tilespmem:s15+$0x0] =	vst v2  }
0x1ec: {  	v2 =	vadd.f32 v6, v3;
	[tilespmem:s16+$0x0] =	vst v1  }
0x1ed: {  	[tilespmem:s1+$0x0] =	vst v4  }
0x1ee: {  	[tilespmem:s6+$0x0] =	vst v2  }
0x1ef: {  	s23 =	rddreg [dreg:$0xa]  }
0x1f0: {  	s24 =	simm.s32 $0x18000;
	s0 =	sadd.s32 s30, s23  }
0x1f1: {  	[hbm4b:s0+s20] =	stream.strided.scatter [tilespmem:s24], [sflag:$0x3], $0x400, s21, s20, $0x38;
	[tilespmem:$0x19000] =	vst v63  }
0x1f2: {  	s3 =	simm.s32 $0x18400;
	s29 =	sadd.s32 $0x1, s29;
	s25 =	sadd.s32 $0x2000, s0  }
0x1f3: {  	[hbm4b:s25+s20] =	stream.strided.scatter [tilespmem:s3], [sflag:$0x3], $0x400, s21, s20, $0x38;
	[tilespmem:$0x19000] =	vst v63  }
0x1f4: {  	p0 =	sne.s32 s29, $0x10;
	s30 =	simm.s32 $0x18800;
	s28 =	sadd.s32 $0x4000, s0  }
0x1f5: {  	[hbm4b:s28+s20] =	stream.strided.scatter [tilespmem:s30], [sflag:$0x3], $0x400, s21, s20, $0x38;
	[tilespmem:$0x19000] =	vst v63  }
.Ltmp2:
0x1f6: {  	s31 =	simm.s32 $0x18C00;
	s0 =	sadd.s32 $0x6000, s0;
	(pc) =	sbr.rel @p0 .LBB2_2-.Ltmp2, $4  }
0x1f7: {  	[hbm4b:s0+s20] =	stream.strided.scatter [tilespmem:s31], [sflag:$0x3], $0x400, s21, s20, $0x38;
	[tilespmem:$0x19000] =	vst v63  }
0x1f8: {  	_ =	swait.ge [sflag:s14], $0x1000  }
0x1f9: {  	[sflag:s14] =	ssyncset.done $0x0  }
0x1fa: {  	s19 =	smov.u32 s26;
	[sflag:s14] =	ssyncadd.s32 $0xFFFFF000  }
0x1fb: {  	s1 =	rddreg [dreg:$0xc]  }
0x1fc: {  	s0 =	rddreg [dreg:$0xb];
	s1 =	sadd.s32 $0x1, s1  }
0x1fd: {  	p0 =	sne.s32 s1, s0  }
.Ltmp3:
0x1fe: {  	_ = 	snop;
	(pc) =	sbr.rel @p0 .LBB2_1-.Ltmp3, $1  }
0x1ff: {  	_ =	sdelay $0x3  }
0x200: {  	_ =	sfence.sel $0x180000  }
0x201: {  	[bflag:$0x0] =	sbarrier.arrive $0xFFFF  }
0x202: {  	_ =	strace $0x90000047  }
0x203: {  	s0 =	stileid.u32;
	[bflag:$0x2] =	sbarrier.arrive $0xFFFF  }
0x204: {  	p0 =	sne.s32 s0, $0x0;
	s0 =	rddreg [dreg:$0x1]  }
0x205: {  	s0 =	sadd.s32 @!p0 $0x100000, s0  }
0x206: {  	[sflag:s0] =	ssyncadd.tile.s32 @!p0 $0x1;
	_ =	shalt  }
.Lfunc_end2:
_tile_overlayer_lowered:
.L_overlay_start_2:
0x207: {  	(tag) =	ssettag $0x2  }
0x208: {  	s0 =	rddreg [dreg:$0x0];
	s2 =	stileid.u32  }
0x209: {  	s1 =	rddreg [dreg:$0x1];
	p0 =	sne.s32 s2, $0x0  }
0x20a: {  	s3 =	rddreg [dreg:$0x2];
	[bflag:$0x3] =	sbarrier.arrive $0xFFFF;
	s2 =	simm.s32 @!p0 $0x1C03  }
0x20b: {  	[timem:s3], [sflag:s2] =	dma.local @!p0 [hbm:s0], s1  }
0x20c: {  	s0 =	simm.s32 @!p0 $0x3  }
0x20d: {  	_ =	swait.ge @!p0 [sflag:s0], s1  }
0x20e: {  	s1 =	ssub.s32 @!p0 $0x0, s1;
	[sflag:s0] =	ssyncset.done @!p0 $0x0  }
0x20f: {  	[sflag:s0] =	ssyncadd.s32 @!p0 s1  }
0x210: {  	[bflag:$0x3] =	sbarrier.arrive $0xFFFF  }
0x211: {  	_ =	shalt  }

</sc_bundles>
